<compile_context>
chip_gen: v7x
topology: tpu7x:2x2x1
jax: 0.10.2.dev20260603
libtpu: 0.0.44.dev20260713+nightly
codegen_flags: <defaults>
</compile_context>

<pallas_src>
import functools

import jax
import jax.numpy as jnp
from jax import lax
from jax.experimental import pallas as pl
from jax.experimental.pallas import tpu as pltpu
from jax.experimental.pallas import tpu_sc as plsc

N = 10000
D = 128
H = 16
NC = 2
NS = 16
NW = NC * NS
L = 16

CHUNK = 128
NCHUNK = 82
EPW = NCHUNK * CHUNK
EPAD = NW * EPW
GROUPS = EPW // L
RPS = N // NS

_mesh = plsc.VectorSubcoreMesh(core_axis_name="c", subcore_axis_name="s")


@functools.partial(
    pl.kernel,
    out_type=jax.ShapeDtypeStruct((NW, N), jnp.float32),
    mesh=_mesh,
    compiler_params=pltpu.CompilerParams(needs_layout_passes=False, use_tc_tiling_on_sc=False),
    scratch_types=[
        pltpu.VMEM((GROUPS, L), jnp.int32),
        pltpu.VMEM((GROUPS, L), jnp.float32),
        pltpu.VMEM((N,), jnp.float32),
    ],
)
def _deg_kernel(col_hbm, ew_hbm, out_hbm, colbuf, ewbuf, acc):
    cid = lax.axis_index("c")
    sid = lax.axis_index("s")
    wid = cid * NS + sid

    @pl.loop(0, N // L, unroll=8)
    def _zero(i):
        acc[pl.ds(i * L, L)] = jnp.zeros((L,), jnp.float32)

    pltpu.sync_copy(col_hbm.at[wid], colbuf)
    pltpu.sync_copy(ew_hbm.at[wid], ewbuf)

    @pl.loop(0, GROUPS, unroll=4)
    def _body(g):
        cv = colbuf[g, :]
        wv = ewbuf[g, :]
        plsc.addupdate_scatter(acc, [cv], wv)

    pltpu.sync_copy(acc, out_hbm.at[wid])


@functools.partial(
    pl.kernel,
    out_type=jax.ShapeDtypeStruct((NC, N, H), jnp.float32),
    mesh=_mesh,
    compiler_params=pltpu.CompilerParams(needs_layout_passes=False, use_tc_tiling_on_sc=False),
    scratch_types=[
        pltpu.VMEM((NCHUNK, CHUNK), jnp.int32),
        pltpu.VMEM((NCHUNK, CHUNK), jnp.int32),
        pltpu.VMEM((NCHUNK, CHUNK), jnp.float32),
        pltpu.VMEM((2, CHUNK, H), jnp.float32),
        pltpu.VMEM((RPS, H), jnp.float32),
        pltpu.VMEM_SHARED((N, H), jnp.float32),
        pltpu.SemaphoreType.DMA,
        pltpu.SemaphoreType.DMA,
    ],
)
def _agg1_kernel(row_hbm, col_hbm, ew_hbm, y_hbm, out_hbm,
                 rowbuf, colbuf, ewbuf, rows, bounce, acc, sem0, sem1):
    cid = lax.axis_index("c")
    sid = lax.axis_index("s")
    wid = cid * NS + sid

    @pl.loop(0, RPS, unroll=8)
    def _zero(i):
        bounce[i, :] = jnp.zeros((H,), jnp.float32)

    pltpu.sync_copy(bounce, acc.at[pl.ds(sid * RPS, RPS)])
    pltpu.sync_copy(row_hbm.at[wid], rowbuf)
    pltpu.sync_copy(col_hbm.at[wid], colbuf)
    pltpu.sync_copy(ew_hbm.at[wid], ewbuf)
    plsc.subcore_barrier()

    sems = (sem0, sem1)
    pltpu.async_copy(y_hbm.at[rowbuf.at[0]], rows.at[0], sems[0])

    @pl.loop(0, NCHUNK // 2)
    def _pair(p):
        for b in range(2):
            c = p * 2 + b
            pltpu.make_async_copy(y_hbm.at[rowbuf.at[c]], rows.at[b],
                                  sems[b]).wait()

            @pl.when(c + 1 < NCHUNK)
            def _prefetch():
                pltpu.async_copy(y_hbm.at[rowbuf.at[c + 1]], rows.at[1 - b],
                                 sems[1 - b])

            @pl.loop(0, CHUNK // L)
            def _scale(g):
                wv = ewbuf[c, pl.ds(g * L, L)]
                base = g * L
                for e2 in range(L):
                    rows[b, base + e2, :] = rows[b, base + e2, :] * wv[e2]

            pltpu.sync_copy(rows.at[b], acc.at[colbuf.at[c]], add=True)

    plsc.subcore_barrier()
    pltpu.sync_copy(acc.at[pl.ds(sid * RPS, RPS)], bounce)
    pltpu.sync_copy(bounce, out_hbm.at[cid, pl.ds(sid * RPS, RPS)])


@functools.partial(
    pl.kernel,
    out_type=jax.ShapeDtypeStruct((NW, N), jnp.float32),
    mesh=_mesh,
    compiler_params=pltpu.CompilerParams(needs_layout_passes=False, use_tc_tiling_on_sc=False),
    scratch_types=[
        pltpu.VMEM((GROUPS, L), jnp.int32),
        pltpu.VMEM((GROUPS, L), jnp.int32),
        pltpu.VMEM((GROUPS, L), jnp.float32),
        pltpu.VMEM((N,), jnp.float32),
        pltpu.VMEM((N,), jnp.float32),
    ],
)
def _agg2_kernel(row_hbm, col_hbm, ew_hbm, t_hbm, out_hbm,
                 rowbuf, colbuf, ewbuf, tbuf, acc):
    cid = lax.axis_index("c")
    sid = lax.axis_index("s")
    wid = cid * NS + sid

    @pl.loop(0, N // L, unroll=8)
    def _zero(i):
        acc[pl.ds(i * L, L)] = jnp.zeros((L,), jnp.float32)

    pltpu.sync_copy(t_hbm, tbuf)
    pltpu.sync_copy(row_hbm.at[wid], rowbuf)
    pltpu.sync_copy(col_hbm.at[wid], colbuf)
    pltpu.sync_copy(ew_hbm.at[wid], ewbuf)

    @pl.loop(0, GROUPS, unroll=4)
    def _body(g):
        rv = rowbuf[g, :]
        cv = colbuf[g, :]
        wv = ewbuf[g, :]
        tv = plsc.load_gather(tbuf, [rv])
        plsc.addupdate_scatter(acc, [cv], wv * tv)

    pltpu.sync_copy(acc, out_hbm.at[wid])


def _tc_prep_body(degp_ref, x_ref, w1_ref, dis_ref, y_ref):
    deg = jnp.sum(degp_ref[...], axis=0)
    dis = lax.rsqrt(deg)
    dis_ref[...] = dis
    xw = jnp.dot(x_ref[...], w1_ref[...], preferred_element_type=jnp.float32)
    y_ref[...] = xw * dis[:, None]


_tc_prep = pl.pallas_call(
    _tc_prep_body,
    out_shape=[
        jax.ShapeDtypeStruct((N,), jnp.float32),
        jax.ShapeDtypeStruct((N, H), jnp.float32),
    ],
)


def _tc_mid_body(p_ref, dis_ref, b1_ref, w2_ref, t_ref):
    p = p_ref[0] + p_ref[1]
    dis = dis_ref[...]
    h = jnp.maximum(p * dis[:, None] + b1_ref[...], 0.0)
    s = jnp.sum(h * w2_ref[...][:, 0], axis=1)
    t_ref[...] = s * dis


_tc_mid = pl.pallas_call(
    _tc_mid_body,
    out_shape=jax.ShapeDtypeStruct((N,), jnp.float32),
)


def _tc_fin_body(p_ref, dis_ref, b2_ref, out_ref):
    agg = jnp.sum(p_ref[...], axis=0)
    z = agg * dis_ref[...] + b2_ref[...]
    out_ref[...] = jax.nn.sigmoid(z)


_tc_fin = pl.pallas_call(
    _tc_fin_body,
    out_shape=jax.ShapeDtypeStruct((N,), jnp.float32),
)


def kernel(x, edge_index, edge_weight, W1, b1, W2, b2):
    e = edge_weight.shape[0]
    row = edge_index[0]
    col = edge_index[1]
    loop = jnp.arange(N, dtype=row.dtype)
    pad = EPAD - (e + N)
    zpad_i = jnp.zeros((pad,), dtype=row.dtype)
    row_a = jnp.concatenate([row, loop, zpad_i])
    col_a = jnp.concatenate([col, loop, zpad_i])
    ew_a = jnp.concatenate(
        [edge_weight, jnp.ones((N,), jnp.float32), jnp.zeros((pad,), jnp.float32)]
    )

    row_c = row_a.reshape(NW, NCHUNK, CHUNK)
    col_c = col_a.reshape(NW, NCHUNK, CHUNK)
    ew_c = ew_a.reshape(NW, NCHUNK, CHUNK)
    row_g = row_a.reshape(NW, GROUPS, L)
    col_g = col_a.reshape(NW, GROUPS, L)
    ew_g = ew_a.reshape(NW, GROUPS, L)

    degp = _deg_kernel(col_g, ew_g)
    dis, y = _tc_prep(degp, x, W1)
    p1 = _agg1_kernel(row_c, col_c, ew_c, y)
    t = _tc_mid(p1, dis, jnp.broadcast_to(b1, (1, H)), W2)
    p2 = _agg2_kernel(row_g, col_g, ew_g, t)
    out = _tc_fin(p2, dis, jnp.broadcast_to(b2, (1,)))
    return out

# --- scband reference (transcript-rebuilt; emitter-appended) ---
"""Pipeline reference for scband-graph-gcn-82463372083418 (READ-ONLY COPY).

The authoritative reference and input builder live on the scoring server;
editing this copy changes nothing except your own understanding.
"""

import jax, jax.numpy as jnp
import numpy as np

N = 10000
E = 320000
D = 128
H = 16


def setup_inputs(seed: int = 0) -> dict:
    key = jax.random.key(seed)
    ks = jax.random.split(key, 6)
    x = jax.random.normal(ks[0], (N, D), dtype=jnp.float32)
    edge_index = jax.random.randint(ks[1], (2, E), 0, N, dtype=jnp.int32)
    edge_weight = jax.random.uniform(ks[2], (E,), dtype=jnp.float32)
    # learned params: GCNConv(128 -> 16) and GCNConv(16 -> 1), each with weight + bias
    W1 = jax.random.normal(ks[3], (D, H), dtype=jnp.float32) * (1.0 / np.sqrt(D))
    b1 = jnp.zeros((H,), dtype=jnp.float32)
    W2 = jax.random.normal(ks[4], (H, 1), dtype=jnp.float32) * (1.0 / np.sqrt(H))
    b2 = jnp.zeros((1,), dtype=jnp.float32)
    return {"x": x, "edge_index": edge_index, "edge_weight": edge_weight,
            "W1": W1, "b1": b1, "W2": W2, "b2": b2}


def gcn_conv(x, edge_index, edge_weight, W, b):
    # Faithful PyG GCNConv: add self-loops (weight 1), symmetric normalization,
    # linear transform, message = norm * x_j[row], scatter-add at col, + bias.
    n = x.shape[0]
    row = edge_index[0]
    col = edge_index[1]
    loop = jnp.arange(n, dtype=row.dtype)
    row = jnp.concatenate([row, loop])
    col = jnp.concatenate([col, loop])
    ew = jnp.concatenate([edge_weight, jnp.ones((n,), dtype=x.dtype)])
    deg = jax.ops.segment_sum(ew, col, num_segments=n)
    deg_inv_sqrt = jnp.where(deg > 0, 1.0 / jnp.sqrt(deg), 0.0)
    norm = deg_inv_sqrt[row] * ew * deg_inv_sqrt[col]
    xw = x @ W
    msg = norm[:, None] * jnp.take(xw, row, axis=0)
    out = jax.ops.segment_sum(msg, col, num_segments=n)
    return out + b


def reference(x, edge_index, edge_weight, W1, b1, W2, b2):
    h = gcn_conv(x, edge_index, edge_weight, W1, b1)
    h = jax.nn.relu(h)
    # F.dropout(p=0.2) is identity in eval mode (training=False)
    h = gcn_conv(h, edge_index, edge_weight, W2, b2)
    h = jax.nn.sigmoid(h)
    return jnp.squeeze(h)

if __name__ == "__main__":
    import jax
    _d = setup_inputs()
    print(jax.jit(kernel)(*tuple(_d.values())))

</pallas_src>

<mosaic_0001>
#map = affine_map<(d0, d1) -> (0, 0, 0)>
#map1 = affine_map<(d0, d1) -> (0, 0)>
module attributes {stable_mosaic.version = 14 : i64} {
  func.func @_agg1_kernel(%arg0: i32, %arg1: i32, %arg2: memref<32x82x128xi32, #tpu.memory_space<hbm>>, %arg3: memref<32x82x128xi32, #tpu.memory_space<hbm>>, %arg4: memref<32x82x128xf32, #tpu.memory_space<hbm>>, %arg5: memref<10000x16xf32, #tpu.memory_space<hbm>>, %arg6: memref<2x10000x16xf32, #tpu.memory_space<hbm>>, %arg7: memref<82x128xi32, #tpu.memory_space<vmem>>, %arg8: memref<82x128xi32, #tpu.memory_space<vmem>>, %arg9: memref<82x128xf32, #tpu.memory_space<vmem>>, %arg10: memref<2x128x16xf32, #tpu.memory_space<vmem>>, %arg11: memref<625x16xf32, #tpu.memory_space<vmem>>, %arg12: memref<10000x16xf32, #tpu.memory_space<vmem_shared>>, %arg13: memref<!tpu.dma_semaphore, #tpu.memory_space<semaphore_mem>>, %arg14: memref<!tpu.dma_semaphore, #tpu.memory_space<semaphore_mem>>) attributes {dimension_semantics = [#tpu.dimension_semantics<core_parallel>, #tpu.dimension_semantics<subcore_parallel>], iteration_bounds = array<i64: 2, 16>, scalar_prefetch = 0 : i64, scratch_operands = 8 : i64, tpu.core_type = #tpu.core_type<sc_vector_subcore>, window_params = [{transform_indices = #map}, {transform_indices = #map}, {transform_indices = #map}, {transform_indices = #map1}, {transform_indices = #map}]} {
    %mul3A = arith.constant 16 : i32
    %mul3A_0 = arith.muli %arg0, %mul3A : i32
    %add3A = arith.addi %mul3A_0, %arg1 : i32
    %scan3A = arith.constant 0 : i32
    %scan3A_1 = arith.constant 624 : i32
    %scan3A_2 = arith.addi %scan3A, %scan3A_1 : i32
    %scan3A_3 = arith.constant 8 : i32
    scf.for %scan3A_37 = %scan3A to %scan3A_2 step %scan3A_3  : i32 {
      %mul3A_38 = arith.constant 1 : i32
      %mul3A_39 = arith.muli %scan3A_37, %mul3A_38 : i32
      %add3A_40 = arith.constant 0 : i32
      %add3A_41 = arith.addi %add3A_40, %mul3A_39 : i32
      %broadcast_in_dim3A_42 = arith.constant 0.000000e+00 : f32
      %broadcast_in_dim3A_43 = vector.broadcast %broadcast_in_dim3A_42 : f32 to vector<16xf32>
      %swap3A_44 = arith.index_cast %add3A_41 : i32 to index
      %swap3A_45 = arith.constant 0 : index
      %swap3A_46 = tpu.vector_load %arg11[%swap3A_44, %swap3A_45] {strides = array<i32>} : memref<625x16xf32, #tpu.memory_space<vmem>>, vector<16xf32>,
      tpu.vector_store %arg11[%swap3A_44, %swap3A_45], %broadcast_in_dim3A_43 {strides = array<i32>} : memref<625x16xf32, #tpu.memory_space<vmem>>, vector<16xf32>,
      %scan3A_47 = arith.constant 1 : i32
      %scan3A_48 = arith.addi %scan3A_37, %scan3A_47 : i32
      %mul3A_49 = arith.constant 1 : i32
      %mul3A_50 = arith.muli %scan3A_48, %mul3A_49 : i32
      %add3A_51 = arith.constant 0 : i32
      %add3A_52 = arith.addi %add3A_51, %mul3A_50 : i32
      %broadcast_in_dim3A_53 = arith.constant 0.000000e+00 : f32
      %broadcast_in_dim3A_54 = vector.broadcast %broadcast_in_dim3A_53 : f32 to vector<16xf32>
      %swap3A_55 = arith.index_cast %add3A_52 : i32 to index
      %swap3A_56 = arith.constant 0 : index
      %swap3A_57 = tpu.vector_load %arg11[%swap3A_55, %swap3A_56] {strides = array<i32>} : memref<625x16xf32, #tpu.memory_space<vmem>>, vector<16xf32>,
      tpu.vector_store %arg11[%swap3A_55, %swap3A_56], %broadcast_in_dim3A_54 {strides = array<i32>} : memref<625x16xf32, #tpu.memory_space<vmem>>, vector<16xf32>,
      %scan3A_58 = arith.constant 2 : i32
      %scan3A_59 = arith.addi %scan3A_37, %scan3A_58 : i32
      %mul3A_60 = arith.constant 1 : i32
      %mul3A_61 = arith.muli %scan3A_59, %mul3A_60 : i32
      %add3A_62 = arith.constant 0 : i32
      %add3A_63 = arith.addi %add3A_62, %mul3A_61 : i32
      %broadcast_in_dim3A_64 = arith.constant 0.000000e+00 : f32
      %broadcast_in_dim3A_65 = vector.broadcast %broadcast_in_dim3A_64 : f32 to vector<16xf32>
      %swap3A_66 = arith.index_cast %add3A_63 : i32 to index
      %swap3A_67 = arith.constant 0 : index
      %swap3A_68 = tpu.vector_load %arg11[%swap3A_66, %swap3A_67] {strides = array<i32>} : memref<625x16xf32, #tpu.memory_space<vmem>>, vector<16xf32>,
      tpu.vector_store %arg11[%swap3A_66, %swap3A_67], %broadcast_in_dim3A_65 {strides = array<i32>} : memref<625x16xf32, #tpu.memory_space<vmem>>, vector<16xf32>,
      %scan3A_69 = arith.constant 3 : i32
      %scan3A_70 = arith.addi %scan3A_37, %scan3A_69 : i32
      %mul3A_71 = arith.constant 1 : i32
      %mul3A_72 = arith.muli %scan3A_70, %mul3A_71 : i32
      %add3A_73 = arith.constant 0 : i32
      %add3A_74 = arith.addi %add3A_73, %mul3A_72 : i32
      %broadcast_in_dim3A_75 = arith.constant 0.000000e+00 : f32
      %broadcast_in_dim3A_76 = vector.broadcast %broadcast_in_dim3A_75 : f32 to vector<16xf32>
      %swap3A_77 = arith.index_cast %add3A_74 : i32 to index
      %swap3A_78 = arith.constant 0 : index
      %swap3A_79 = tpu.vector_load %arg11[%swap3A_77, %swap3A_78] {strides = array<i32>} : memref<625x16xf32, #tpu.memory_space<vmem>>, vector<16xf32>,
      tpu.vector_store %arg11[%swap3A_77, %swap3A_78], %broadcast_in_dim3A_76 {strides = array<i32>} : memref<625x16xf32, #tpu.memory_space<vmem>>, vector<16xf32>,
      %scan3A_80 = arith.constant 4 : i32
      %scan3A_81 = arith.addi %scan3A_37, %scan3A_80 : i32
      %mul3A_82 = arith.constant 1 : i32
      %mul3A_83 = arith.muli %scan3A_81, %mul3A_82 : i32
      %add3A_84 = arith.constant 0 : i32
      %add3A_85 = arith.addi %add3A_84, %mul3A_83 : i32
      %broadcast_in_dim3A_86 = arith.constant 0.000000e+00 : f32
      %broadcast_in_dim3A_87 = vector.broadcast %broadcast_in_dim3A_86 : f32 to vector<16xf32>
      %swap3A_88 = arith.index_cast %add3A_85 : i32 to index
      %swap3A_89 = arith.constant 0 : index
      %swap3A_90 = tpu.vector_load %arg11[%swap3A_88, %swap3A_89] {strides = array<i32>} : memref<625x16xf32, #tpu.memory_space<vmem>>, vector<16xf32>,
      tpu.vector_store %arg11[%swap3A_88, %swap3A_89], %broadcast_in_dim3A_87 {strides = array<i32>} : memref<625x16xf32, #tpu.memory_space<vmem>>, vector<16xf32>,
      %scan3A_91 = arith.constant 5 : i32
      %scan3A_92 = arith.addi %scan3A_37, %scan3A_91 : i32
      %mul3A_93 = arith.constant 1 : i32
      %mul3A_94 = arith.muli %scan3A_92, %mul3A_93 : i32
      %add3A_95 = arith.constant 0 : i32
      %add3A_96 = arith.addi %add3A_95, %mul3A_94 : i32
      %broadcast_in_dim3A_97 = arith.constant 0.000000e+00 : f32
      %broadcast_in_dim3A_98 = vector.broadcast %broadcast_in_dim3A_97 : f32 to vector<16xf32>
      %swap3A_99 = arith.index_cast %add3A_96 : i32 to index
      %swap3A_100 = arith.constant 0 : index
      %swap3A_101 = tpu.vector_load %arg11[%swap3A_99, %swap3A_100] {strides = array<i32>} : memref<625x16xf32, #tpu.memory_space<vmem>>, vector<16xf32>,
      tpu.vector_store %arg11[%swap3A_99, %swap3A_100], %broadcast_in_dim3A_98 {strides = array<i32>} : memref<625x16xf32, #tpu.memory_space<vmem>>, vector<16xf32>,
      %scan3A_102 = arith.constant 6 : i32
      %scan3A_103 = arith.addi %scan3A_37, %scan3A_102 : i32
      %mul3A_104 = arith.constant 1 : i32
      %mul3A_105 = arith.muli %scan3A_103, %mul3A_104 : i32
      %add3A_106 = arith.constant 0 : i32
      %add3A_107 = arith.addi %add3A_106, %mul3A_105 : i32
      %broadcast_in_dim3A_108 = arith.constant 0.000000e+00 : f32
      %broadcast_in_dim3A_109 = vector.broadcast %broadcast_in_dim3A_108 : f32 to vector<16xf32>
      %swap3A_110 = arith.index_cast %add3A_107 : i32 to index
      %swap3A_111 = arith.constant 0 : index
      %swap3A_112 = tpu.vector_load %arg11[%swap3A_110, %swap3A_111] {strides = array<i32>} : memref<625x16xf32, #tpu.memory_space<vmem>>, vector<16xf32>,
      tpu.vector_store %arg11[%swap3A_110, %swap3A_111], %broadcast_in_dim3A_109 {strides = array<i32>} : memref<625x16xf32, #tpu.memory_space<vmem>>, vector<16xf32>,
      %scan3A_113 = arith.constant 7 : i32
      %scan3A_114 = arith.addi %scan3A_37, %scan3A_113 : i32
      %mul3A_115 = arith.constant 1 : i32
      %mul3A_116 = arith.muli %scan3A_114, %mul3A_115 : i32
      %add3A_117 = arith.constant 0 : i32
      %add3A_118 = arith.addi %add3A_117, %mul3A_116 : i32
      %broadcast_in_dim3A_119 = arith.constant 0.000000e+00 : f32
      %broadcast_in_dim3A_120 = vector.broadcast %broadcast_in_dim3A_119 : f32 to vector<16xf32>
      %swap3A_121 = arith.index_cast %add3A_118 : i32 to index
      %swap3A_122 = arith.constant 0 : index
      %swap3A_123 = tpu.vector_load %arg11[%swap3A_121, %swap3A_122] {strides = array<i32>} : memref<625x16xf32, #tpu.memory_space<vmem>>, vector<16xf32>,
      tpu.vector_store %arg11[%swap3A_121, %swap3A_122], %broadcast_in_dim3A_120 {strides = array<i32>} : memref<625x16xf32, #tpu.memory_space<vmem>>, vector<16xf32>,
    }
    %scan3A_4 = arith.constant 624 : i32
    %scan3A_5 = arith.addi %scan3A, %scan3A_4 : i32
    %mul3A_6 = arith.constant 1 : i32
    %mul3A_7 = arith.muli %scan3A_5, %mul3A_6 : i32
    %add3A_8 = arith.constant 0 : i32
    %add3A_9 = arith.addi %add3A_8, %mul3A_7 : i32
    %broadcast_in_dim3A = arith.constant 0.000000e+00 : f32
    %broadcast_in_dim3A_10 = vector.broadcast %broadcast_in_dim3A : f32 to vector<16xf32>
    %swap3A = arith.index_cast %add3A_9 : i32 to index
    %swap3A_11 = arith.constant 0 : index
    %swap3A_12 = tpu.vector_load %arg11[%swap3A, %swap3A_11] {strides = array<i32>} : memref<625x16xf32, #tpu.memory_space<vmem>>, vector<16xf32>,
    tpu.vector_store %arg11[%swap3A, %swap3A_11], %broadcast_in_dim3A_10 {strides = array<i32>} : memref<625x16xf32, #tpu.memory_space<vmem>>, vector<16xf32>,
    %scan3A_13 = arith.constant 625 : i32
    %mul3A_14 = arith.constant 625 : i32
    %mul3A_15 = arith.muli %arg1, %mul3A_14 : i32
    "tpu.region"() ({
      %run_scoped3A = tpu.sem_alloc : memref<!tpu.dma_semaphore, #tpu.memory_space<semaphore_mem>>
      %dma_start3A_37 = arith.constant 0 : i32
      %dma_start3A_38 = tpu.memref_slice %arg12[%mul3A_15, %dma_start3A_37] : memref<10000x16xf32, #tpu.memory_space<vmem_shared>> -> memref<625x16xf32, #tpu.memory_space<vmem_shared>>
      %dma_start3A_39 = arith.constant 0 : i32
      %dma_start3A_40 = tpu.memref_slice %arg12[%mul3A_15, %dma_start3A_39] : memref<10000x16xf32, #tpu.memory_space<vmem_shared>> -> memref<625x16xf32, #tpu.memory_space<vmem_shared>>
      tpu.enqueue_dma source(%arg11 : memref<625x16xf32, #tpu.memory_space<vmem>>) target(%dma_start3A_40 : memref<625x16xf32, #tpu.memory_space<vmem_shared>>) target_semaphore(%run_scoped3A : memref<!tpu.dma_semaphore, #tpu.memory_space<semaphore_mem>>)
      %dma_wait3A = arith.constant 0 : i32
      %dma_wait3A_41 = tpu.memref_slice %arg12[%mul3A_15, %dma_wait3A] : memref<10000x16xf32, #tpu.memory_space<vmem_shared>> -> memref<625x16xf32, #tpu.memory_space<vmem_shared>>
      %dma_wait3A_42 = arith.constant 0 : i32
      %dma_wait3A_43 = tpu.memref_slice %arg12[%mul3A_15, %dma_wait3A_42] : memref<10000x16xf32, #tpu.memory_space<vmem_shared>> -> memref<625x16xf32, #tpu.memory_space<vmem_shared>>
      tpu.wait_dma2 semaphore(%run_scoped3A : memref<!tpu.dma_semaphore, #tpu.memory_space<semaphore_mem>>) src(%arg11 : memref<625x16xf32, #tpu.memory_space<vmem>>) dst(%dma_wait3A_43 : memref<625x16xf32, #tpu.memory_space<vmem_shared>>)
      tpu.yield
    }) : () -> ()
    "tpu.region"() ({
      %run_scoped3A = tpu.sem_alloc : memref<!tpu.dma_semaphore, #tpu.memory_space<semaphore_mem>>
      %dma_start3A_37 = arith.constant 0 : i32
      %dma_start3A_38 = arith.constant 0 : i32
      %dma_start3A_39 = tpu.memref_slice %arg2[%add3A, %dma_start3A_37, %dma_start3A_38] : memref<32x82x128xi32, #tpu.memory_space<hbm>> -> memref<1x82x128xi32, #tpu.memory_space<hbm>>
      %dma_start3A_40 = tpu.memref_squeeze %dma_start3A_39 : memref<1x82x128xi32, #tpu.memory_space<hbm>> -> memref<82x128xi32, #tpu.memory_space<hbm>>
      %dma_start3A_41 = arith.constant 0 : i32
      %dma_start3A_42 = arith.constant 0 : i32
      %dma_start3A_43 = tpu.memref_slice %arg2[%add3A, %dma_start3A_41, %dma_start3A_42] : memref<32x82x128xi32, #tpu.memory_space<hbm>> -> memref<1x82x128xi32, #tpu.memory_space<hbm>>
      %dma_start3A_44 = tpu.memref_squeeze %dma_start3A_43 : memref<1x82x128xi32, #tpu.memory_space<hbm>> -> memref<82x128xi32, #tpu.memory_space<hbm>>
      tpu.enqueue_dma source(%dma_start3A_44 : memref<82x128xi32, #tpu.memory_space<hbm>>) target(%arg7 : memref<82x128xi32, #tpu.memory_space<vmem>>) target_semaphore(%run_scoped3A : memref<!tpu.dma_semaphore, #tpu.memory_space<semaphore_mem>>)
      %dma_wait3A = arith.constant 0 : i32
      %dma_wait3A_45 = arith.constant 0 : i32
      %dma_wait3A_46 = tpu.memref_slice %arg2[%add3A, %dma_wait3A, %dma_wait3A_45] : memref<32x82x128xi32, #tpu.memory_space<hbm>> -> memref<1x82x128xi32, #tpu.memory_space<hbm>>
      %dma_wait3A_47 = tpu.memref_squeeze %dma_wait3A_46 : memref<1x82x128xi32, #tpu.memory_space<hbm>> -> memref<82x128xi32, #tpu.memory_space<hbm>>
      %dma_wait3A_48 = arith.constant 0 : i32
      %dma_wait3A_49 = arith.constant 0 : i32
      %dma_wait3A_50 = tpu.memref_slice %arg2[%add3A, %dma_wait3A_48, %dma_wait3A_49] : memref<32x82x128xi32, #tpu.memory_space<hbm>> -> memref<1x82x128xi32, #tpu.memory_space<hbm>>
      %dma_wait3A_51 = tpu.memref_squeeze %dma_wait3A_50 : memref<1x82x128xi32, #tpu.memory_space<hbm>> -> memref<82x128xi32, #tpu.memory_space<hbm>>
      tpu.wait_dma2 semaphore(%run_scoped3A : memref<!tpu.dma_semaphore, #tpu.memory_space<semaphore_mem>>) src(%dma_wait3A_51 : memref<82x128xi32, #tpu.memory_space<hbm>>) dst(%arg7 : memref<82x128xi32, #tpu.memory_space<vmem>>)
      tpu.yield
    }) : () -> ()
    "tpu.region"() ({
      %run_scoped3A = tpu.sem_alloc : memref<!tpu.dma_semaphore, #tpu.memory_space<semaphore_mem>>
      %dma_start3A_37 = arith.constant 0 : i32
      %dma_start3A_38 = arith.constant 0 : i32
      %dma_start3A_39 = tpu.memref_slice %arg3[%add3A, %dma_start3A_37, %dma_start3A_38] : memref<32x82x128xi32, #tpu.memory_space<hbm>> -> memref<1x82x128xi32, #tpu.memory_space<hbm>>
      %dma_start3A_40 = tpu.memref_squeeze %dma_start3A_39 : memref<1x82x128xi32, #tpu.memory_space<hbm>> -> memref<82x128xi32, #tpu.memory_space<hbm>>
      %dma_start3A_41 = arith.constant 0 : i32
      %dma_start3A_42 = arith.constant 0 : i32
      %dma_start3A_43 = tpu.memref_slice %arg3[%add3A, %dma_start3A_41, %dma_start3A_42] : memref<32x82x128xi32, #tpu.memory_space<hbm>> -> memref<1x82x128xi32, #tpu.memory_space<hbm>>
      %dma_start3A_44 = tpu.memref_squeeze %dma_start3A_43 : memref<1x82x128xi32, #tpu.memory_space<hbm>> -> memref<82x128xi32, #tpu.memory_space<hbm>>
      tpu.enqueue_dma source(%dma_start3A_44 : memref<82x128xi32, #tpu.memory_space<hbm>>) target(%arg8 : memref<82x128xi32, #tpu.memory_space<vmem>>) target_semaphore(%run_scoped3A : memref<!tpu.dma_semaphore, #tpu.memory_space<semaphore_mem>>)
      %dma_wait3A = arith.constant 0 : i32
      %dma_wait3A_45 = arith.constant 0 : i32
      %dma_wait3A_46 = tpu.memref_slice %arg3[%add3A, %dma_wait3A, %dma_wait3A_45] : memref<32x82x128xi32, #tpu.memory_space<hbm>> -> memref<1x82x128xi32, #tpu.memory_space<hbm>>
      %dma_wait3A_47 = tpu.memref_squeeze %dma_wait3A_46 : memref<1x82x128xi32, #tpu.memory_space<hbm>> -> memref<82x128xi32, #tpu.memory_space<hbm>>
      %dma_wait3A_48 = arith.constant 0 : i32
      %dma_wait3A_49 = arith.constant 0 : i32
      %dma_wait3A_50 = tpu.memref_slice %arg3[%add3A, %dma_wait3A_48, %dma_wait3A_49] : memref<32x82x128xi32, #tpu.memory_space<hbm>> -> memref<1x82x128xi32, #tpu.memory_space<hbm>>
      %dma_wait3A_51 = tpu.memref_squeeze %dma_wait3A_50 : memref<1x82x128xi32, #tpu.memory_space<hbm>> -> memref<82x128xi32, #tpu.memory_space<hbm>>
      tpu.wait_dma2 semaphore(%run_scoped3A : memref<!tpu.dma_semaphore, #tpu.memory_space<semaphore_mem>>) src(%dma_wait3A_51 : memref<82x128xi32, #tpu.memory_space<hbm>>) dst(%arg8 : memref<82x128xi32, #tpu.memory_space<vmem>>)
      tpu.yield
    }) : () -> ()
    "tpu.region"() ({
      %run_scoped3A = tpu.sem_alloc : memref<!tpu.dma_semaphore, #tpu.memory_space<semaphore_mem>>
      %dma_start3A_37 = arith.constant 0 : i32
      %dma_start3A_38 = arith.constant 0 : i32
      %dma_start3A_39 = tpu.memref_slice %arg4[%add3A, %dma_start3A_37, %dma_start3A_38] : memref<32x82x128xf32, #tpu.memory_space<hbm>> -> memref<1x82x128xf32, #tpu.memory_space<hbm>>
      %dma_start3A_40 = tpu.memref_squeeze %dma_start3A_39 : memref<1x82x128xf32, #tpu.memory_space<hbm>> -> memref<82x128xf32, #tpu.memory_space<hbm>>
      %dma_start3A_41 = arith.constant 0 : i32
      %dma_start3A_42 = arith.constant 0 : i32
      %dma_start3A_43 = tpu.memref_slice %arg4[%add3A, %dma_start3A_41, %dma_start3A_42] : memref<32x82x128xf32, #tpu.memory_space<hbm>> -> memref<1x82x128xf32, #tpu.memory_space<hbm>>
      %dma_start3A_44 = tpu.memref_squeeze %dma_start3A_43 : memref<1x82x128xf32, #tpu.memory_space<hbm>> -> memref<82x128xf32, #tpu.memory_space<hbm>>
      tpu.enqueue_dma source(%dma_start3A_44 : memref<82x128xf32, #tpu.memory_space<hbm>>) target(%arg9 : memref<82x128xf32, #tpu.memory_space<vmem>>) target_semaphore(%run_scoped3A : memref<!tpu.dma_semaphore, #tpu.memory_space<semaphore_mem>>)
      %dma_wait3A = arith.constant 0 : i32
      %dma_wait3A_45 = arith.constant 0 : i32
      %dma_wait3A_46 = tpu.memref_slice %arg4[%add3A, %dma_wait3A, %dma_wait3A_45] : memref<32x82x128xf32, #tpu.memory_space<hbm>> -> memref<1x82x128xf32, #tpu.memory_space<hbm>>
      %dma_wait3A_47 = tpu.memref_squeeze %dma_wait3A_46 : memref<1x82x128xf32, #tpu.memory_space<hbm>> -> memref<82x128xf32, #tpu.memory_space<hbm>>
      %dma_wait3A_48 = arith.constant 0 : i32
      %dma_wait3A_49 = arith.constant 0 : i32
      %dma_wait3A_50 = tpu.memref_slice %arg4[%add3A, %dma_wait3A_48, %dma_wait3A_49] : memref<32x82x128xf32, #tpu.memory_space<hbm>> -> memref<1x82x128xf32, #tpu.memory_space<hbm>>
      %dma_wait3A_51 = tpu.memref_squeeze %dma_wait3A_50 : memref<1x82x128xf32, #tpu.memory_space<hbm>> -> memref<82x128xf32, #tpu.memory_space<hbm>>
      tpu.wait_dma2 semaphore(%run_scoped3A : memref<!tpu.dma_semaphore, #tpu.memory_space<semaphore_mem>>) src(%dma_wait3A_51 : memref<82x128xf32, #tpu.memory_space<hbm>>) dst(%arg9 : memref<82x128xf32, #tpu.memory_space<vmem>>)
      tpu.yield
    }) : () -> ()
    %barrier3A = arith.constant 0 : index
    tpu.barrier barrier_id(%barrier3A)
    %dma_start3A = arith.constant 0 : i32
    %dma_start3A_16 = arith.constant 0 : i32
    %dma_start3A_17 = arith.constant 0 : i32
    %dma_start3A_18 = arith.constant 0 : i32
    %dma_start3A_19 = tpu.memref_slice %arg10[%dma_start3A_16, %dma_start3A_17, %dma_start3A_18] : memref<2x128x16xf32, #tpu.memory_space<vmem>> -> memref<1x128x16xf32, #tpu.memory_space<vmem>>
    %dma_start3A_20 = tpu.memref_squeeze %dma_start3A_19 : memref<1x128x16xf32, #tpu.memory_space<vmem>> -> memref<128x16xf32, #tpu.memory_space<vmem>>
    %dma_start3A_21 = arith.constant 0 : i32
    %dma_start3A_22 = tpu.memref_slice %arg7[%dma_start3A, %dma_start3A_21] : memref<82x128xi32, #tpu.memory_space<vmem>> -> memref<1x128xi32, #tpu.memory_space<vmem>>
    %dma_start3A_23 = tpu.memref_squeeze %dma_start3A_22 : memref<1x128xi32, #tpu.memory_space<vmem>> -> memref<128xi32, #tpu.memory_space<vmem>>
    %dma_start3A_24 = arith.constant 0 : i32
    %dma_start3A_25 = arith.constant 0 : i32
    %dma_start3A_26 = tpu.memref_slice %arg5[%dma_start3A_24, %dma_start3A_25] : memref<10000x16xf32, #tpu.memory_space<hbm>> -> memref<10000x16xf32, #tpu.memory_space<hbm>>
    tpu.enqueue_indirect_dma source(%dma_start3A_26 : memref<10000x16xf32, #tpu.memory_space<hbm>>) target(%dma_start3A_20 : memref<128x16xf32, #tpu.memory_space<vmem>>) offsets(%dma_start3A_23 : memref<128xi32, #tpu.memory_space<vmem>>) semaphore(%arg13 : memref<!tpu.dma_semaphore, #tpu.memory_space<semaphore_mem>>)
    %scan3A_27 = arith.constant 0 : i32
    %scan3A_28 = arith.constant 41 : i32
    %scan3A_29 = arith.addi %scan3A_27, %scan3A_28 : i32
    %scan3A_30 = arith.constant 1 : i32
    scf.for %scan3A_37 = %scan3A_27 to %scan3A_29 step %scan3A_30  : i32 {
      %mul3A_38 = arith.constant 1 : i32
      %mul3A_39 = arith.muli %scan3A_37, %mul3A_38 : i32
      %add3A_40 = arith.constant 0 : i32
      %add3A_41 = arith.addi %add3A_40, %mul3A_39 : i32
      %mul3A_42 = arith.constant 2 : i32
      %mul3A_43 = arith.muli %add3A_41, %mul3A_42 : i32
      %add3A_44 = arith.constant 0 : i32
      %add3A_45 = arith.addi %mul3A_43, %add3A_44 : i32
      %dma_wait3A = arith.constant 0 : i32
      %dma_wait3A_46 = arith.constant 0 : i32
      %dma_wait3A_47 = arith.constant 0 : i32
      %dma_wait3A_48 = tpu.memref_slice %arg10[%dma_wait3A, %dma_wait3A_46, %dma_wait3A_47] : memref<2x128x16xf32, #tpu.memory_space<vmem>> -> memref<1x128x16xf32, #tpu.memory_space<vmem>>
      %dma_wait3A_49 = tpu.memref_squeeze %dma_wait3A_48 : memref<1x128x16xf32, #tpu.memory_space<vmem>> -> memref<128x16xf32, #tpu.memory_space<vmem>>
      %dma_wait3A_50 = arith.constant 0 : i32
      %dma_wait3A_51 = tpu.memref_slice %arg7[%add3A_45, %dma_wait3A_50] : memref<82x128xi32, #tpu.memory_space<vmem>> -> memref<1x128xi32, #tpu.memory_space<vmem>>
      %dma_wait3A_52 = tpu.memref_squeeze %dma_wait3A_51 : memref<1x128xi32, #tpu.memory_space<vmem>> -> memref<128xi32, #tpu.memory_space<vmem>>
      %dma_wait3A_53 = arith.constant 0 : i32
      %dma_wait3A_54 = arith.constant 0 : i32
      %dma_wait3A_55 = tpu.memref_slice %arg5[%dma_wait3A_53, %dma_wait3A_54] : memref<10000x16xf32, #tpu.memory_space<hbm>> -> memref<10000x16xf32, #tpu.memory_space<hbm>>
      tpu.wait_indirect_dma semaphore(%arg13 : memref<!tpu.dma_semaphore, #tpu.memory_space<semaphore_mem>>) src(%dma_wait3A_55 : memref<10000x16xf32, #tpu.memory_space<hbm>>) dst(%dma_wait3A_49 : memref<128x16xf32, #tpu.memory_space<vmem>>)
      %add3A_56 = arith.constant 1 : i32
      %add3A_57 = arith.addi %add3A_45, %add3A_56 : i32
      %lt3A = arith.constant 82 : i32
      %lt3A_58 = arith.cmpi slt, %add3A_57, %lt3A : i32
      %convert_element_type3A = arith.extui %lt3A_58 : i1 to i32
      %cond3A = arith.constant 0 : i32
      %cond3A_59 = arith.cmpi ne, %convert_element_type3A, %cond3A : i32
      scf.if %cond3A_59 {
        %add3A_93 = arith.constant 1 : i32
        %add3A_94 = arith.addi %add3A_45, %add3A_93 : i32
        %dma_start3A_95 = arith.constant 1 : i32
        %dma_start3A_96 = arith.constant 0 : i32
        %dma_start3A_97 = arith.constant 0 : i32
        %dma_start3A_98 = tpu.memref_slice %arg10[%dma_start3A_95, %dma_start3A_96, %dma_start3A_97] : memref<2x128x16xf32, #tpu.memory_space<vmem>> -> memref<1x128x16xf32, #tpu.memory_space<vmem>>
        %dma_start3A_99 = tpu.memref_squeeze %dma_start3A_98 : memref<1x128x16xf32, #tpu.memory_space<vmem>> -> memref<128x16xf32, #tpu.memory_space<vmem>>
        %dma_start3A_100 = arith.constant 0 : i32
        %dma_start3A_101 = tpu.memref_slice %arg7[%add3A_94, %dma_start3A_100] : memref<82x128xi32, #tpu.memory_space<vmem>> -> memref<1x128xi32, #tpu.memory_space<vmem>>
        %dma_start3A_102 = tpu.memref_squeeze %dma_start3A_101 : memref<1x128xi32, #tpu.memory_space<vmem>> -> memref<128xi32, #tpu.memory_space<vmem>>
        %dma_start3A_103 = arith.constant 0 : i32
        %dma_start3A_104 = arith.constant 0 : i32
        %dma_start3A_105 = tpu.memref_slice %arg5[%dma_start3A_103, %dma_start3A_104] : memref<10000x16xf32, #tpu.memory_space<hbm>> -> memref<10000x16xf32, #tpu.memory_space<hbm>>
        tpu.enqueue_indirect_dma source(%dma_start3A_105 : memref<10000x16xf32, #tpu.memory_space<hbm>>) target(%dma_start3A_99 : memref<128x16xf32, #tpu.memory_space<vmem>>) offsets(%dma_start3A_102 : memref<128xi32, #tpu.memory_space<vmem>>) semaphore(%arg14 : memref<!tpu.dma_semaphore, #tpu.memory_space<semaphore_mem>>)
      } else {
      }
      %scan3A_60 = arith.constant 0 : i32
      %scan3A_61 = arith.constant 8 : i32
      %scan3A_62 = arith.addi %scan3A_60, %scan3A_61 : i32
      %scan3A_63 = arith.constant 1 : i32
      scf.for %scan3A_93 = %scan3A_60 to %scan3A_62 step %scan3A_63  : i32 {
        %mul3A_94 = arith.constant 1 : i32
        %mul3A_95 = arith.muli %scan3A_93, %mul3A_94 : i32
        %add3A_96 = arith.constant 0 : i32
        %add3A_97 = arith.addi %add3A_96, %mul3A_95 : i32
        %mul3A_98 = arith.constant 16 : i32
        %mul3A_99 = arith.muli %add3A_97, %mul3A_98 : i32
        %get3A = arith.index_cast %add3A_45 : i32 to index
        %get3A_100 = arith.index_cast %mul3A_99 : i32 to index
        %get3A_101 = tpu.vector_load %arg9[%get3A, %get3A_100] {strides = array<i32>} : memref<82x128xf32, #tpu.memory_space<vmem>>, vector<16xf32>,
        %mul3A_102 = arith.constant 16 : i32
        %mul3A_103 = arith.muli %add3A_97, %mul3A_102 : i32
        %add3A_104 = arith.constant 0 : i32
        %add3A_105 = arith.addi %mul3A_103, %add3A_104 : i32
        %get3A_106 = arith.constant 0 : i32
        %get3A_107 = arith.index_cast %get3A_106 : i32 to index
        %get3A_108 = arith.index_cast %add3A_105 : i32 to index
        %get3A_109 = arith.constant 0 : index
        %get3A_110 = tpu.vector_load %arg10[%get3A_107, %get3A_108, %get3A_109] {strides = array<i32>} : memref<2x128x16xf32, #tpu.memory_space<vmem>>, vector<16xf32>,
        %slice3A = vector.extract_strided_slice %get3A_101 {offsets = [0], sizes = [1], strides = [1]} : vector<16xf32> to vector<1xf32>
        %squeeze3A = vector.extract %slice3A[0] : f32 from vector<1xf32>
        %mul3A_111 = vector.broadcast %squeeze3A : f32 to vector<16xf32>
        %mul3A_112 = arith.mulf %get3A_110, %mul3A_111 : vector<16xf32>
        %add3A_113 = arith.constant 0 : i32
        %add3A_114 = arith.addi %mul3A_103, %add3A_113 : i32
        %swap3A_115 = arith.constant 0 : i32
        %swap3A_116 = arith.index_cast %swap3A_115 : i32 to index
        %swap3A_117 = arith.index_cast %add3A_114 : i32 to index
        %swap3A_118 = arith.constant 0 : index
        %swap3A_119 = tpu.vector_load %arg10[%swap3A_116, %swap3A_117, %swap3A_118] {strides = array<i32>} : memref<2x128x16xf32, #tpu.memory_space<vmem>>, vector<16xf32>,
        tpu.vector_store %arg10[%swap3A_116, %swap3A_117, %swap3A_118], %mul3A_112 {strides = array<i32>} : memref<2x128x16xf32, #tpu.memory_space<vmem>>, vector<16xf32>,
        %add3A_120 = arith.constant 1 : i32
        %add3A_121 = arith.addi %mul3A_103, %add3A_120 : i32
        %get3A_122 = arith.constant 0 : i32
        %get3A_123 = arith.index_cast %get3A_122 : i32 to index
        %get3A_124 = arith.index_cast %add3A_121 : i32 to index
        %get3A_125 = arith.constant 0 : index
        %get3A_126 = tpu.vector_load %arg10[%get3A_123, %get3A_124, %get3A_125] {strides = array<i32>} : memref<2x128x16xf32, #tpu.memory_space<vmem>>, vector<16xf32>,
        %slice3A_127 = vector.extract_strided_slice %get3A_101 {offsets = [1], sizes = [1], strides = [1]} : vector<16xf32> to vector<1xf32>
        %squeeze3A_128 = vector.extract %slice3A_127[0] : f32 from vector<1xf32>
        %mul3A_129 = vector.broadcast %squeeze3A_128 : f32 to vector<16xf32>
        %mul3A_130 = arith.mulf %get3A_126, %mul3A_129 : vector<16xf32>
        %add3A_131 = arith.constant 1 : i32
        %add3A_132 = arith.addi %mul3A_103, %add3A_131 : i32
        %swap3A_133 = arith.constant 0 : i32
        %swap3A_134 = arith.index_cast %swap3A_133 : i32 to index
        %swap3A_135 = arith.index_cast %add3A_132 : i32 to index
        %swap3A_136 = arith.constant 0 : index
        %swap3A_137 = tpu.vector_load %arg10[%swap3A_134, %swap3A_135, %swap3A_136] {strides = array<i32>} : memref<2x128x16xf32, #tpu.memory_space<vmem>>, vector<16xf32>,
        tpu.vector_store %arg10[%swap3A_134, %swap3A_135, %swap3A_136], %mul3A_130 {strides = array<i32>} : memref<2x128x16xf32, #tpu.memory_space<vmem>>, vector<16xf32>,
        %add3A_138 = arith.constant 2 : i32
        %add3A_139 = arith.addi %mul3A_103, %add3A_138 : i32
        %get3A_140 = arith.constant 0 : i32
        %get3A_141 = arith.index_cast %get3A_140 : i32 to index
        %get3A_142 = arith.index_cast %add3A_139 : i32 to index
        %get3A_143 = arith.constant 0 : index
        %get3A_144 = tpu.vector_load %arg10[%get3A_141, %get3A_142, %get3A_143] {strides = array<i32>} : memref<2x128x16xf32, #tpu.memory_space<vmem>>, vector<16xf32>,
        %slice3A_145 = vector.extract_strided_slice %get3A_101 {offsets = [2], sizes = [1], strides = [1]} : vector<16xf32> to vector<1xf32>
        %squeeze3A_146 = vector.extract %slice3A_145[0] : f32 from vector<1xf32>
        %mul3A_147 = vector.broadcast %squeeze3A_146 : f32 to vector<16xf32>
        %mul3A_148 = arith.mulf %get3A_144, %mul3A_147 : vector<16xf32>
        %add3A_149 = arith.constant 2 : i32
        %add3A_150 = arith.addi %mul3A_103, %add3A_149 : i32
        %swap3A_151 = arith.constant 0 : i32
        %swap3A_152 = arith.index_cast %swap3A_151 : i32 to index
        %swap3A_153 = arith.index_cast %add3A_150 : i32 to index
        %swap3A_154 = arith.constant 0 : index
        %swap3A_155 = tpu.vector_load %arg10[%swap3A_152, %swap3A_153, %swap3A_154] {strides = array<i32>} : memref<2x128x16xf32, #tpu.memory_space<vmem>>, vector<16xf32>,
        tpu.vector_store %arg10[%swap3A_152, %swap3A_153, %swap3A_154], %mul3A_148 {strides = array<i32>} : memref<2x128x16xf32, #tpu.memory_space<vmem>>, vector<16xf32>,
        %add3A_156 = arith.constant 3 : i32
        %add3A_157 = arith.addi %mul3A_103, %add3A_156 : i32
        %get3A_158 = arith.constant 0 : i32
        %get3A_159 = arith.index_cast %get3A_158 : i32 to index
        %get3A_160 = arith.index_cast %add3A_157 : i32 to index
        %get3A_161 = arith.constant 0 : index
        %get3A_162 = tpu.vector_load %arg10[%get3A_159, %get3A_160, %get3A_161] {strides = array<i32>} : memref<2x128x16xf32, #tpu.memory_space<vmem>>, vector<16xf32>,
        %slice3A_163 = vector.extract_strided_slice %get3A_101 {offsets = [3], sizes = [1], strides = [1]} : vector<16xf32> to vector<1xf32>
        %squeeze3A_164 = vector.extract %slice3A_163[0] : f32 from vector<1xf32>
        %mul3A_165 = vector.broadcast %squeeze3A_164 : f32 to vector<16xf32>
        %mul3A_166 = arith.mulf %get3A_162, %mul3A_165 : vector<16xf32>
        %add3A_167 = arith.constant 3 : i32
        %add3A_168 = arith.addi %mul3A_103, %add3A_167 : i32
        %swap3A_169 = arith.constant 0 : i32
        %swap3A_170 = arith.index_cast %swap3A_169 : i32 to index
        %swap3A_171 = arith.index_cast %add3A_168 : i32 to index
        %swap3A_172 = arith.constant 0 : index
        %swap3A_173 = tpu.vector_load %arg10[%swap3A_170, %swap3A_171, %swap3A_172] {strides = array<i32>} : memref<2x128x16xf32, #tpu.memory_space<vmem>>, vector<16xf32>,
        tpu.vector_store %arg10[%swap3A_170, %swap3A_171, %swap3A_172], %mul3A_166 {strides = array<i32>} : memref<2x128x16xf32, #tpu.memory_space<vmem>>, vector<16xf32>,
        %add3A_174 = arith.constant 4 : i32
        %add3A_175 = arith.addi %mul3A_103, %add3A_174 : i32
        %get3A_176 = arith.constant 0 : i32
        %get3A_177 = arith.index_cast %get3A_176 : i32 to index
        %get3A_178 = arith.index_cast %add3A_175 : i32 to index
        %get3A_179 = arith.constant 0 : index
        %get3A_180 = tpu.vector_load %arg10[%get3A_177, %get3A_178, %get3A_179] {strides = array<i32>} : memref<2x128x16xf32, #tpu.memory_space<vmem>>, vector<16xf32>,
        %slice3A_181 = vector.extract_strided_slice %get3A_101 {offsets = [4], sizes = [1], strides = [1]} : vector<16xf32> to vector<1xf32>
        %squeeze3A_182 = vector.extract %slice3A_181[0] : f32 from vector<1xf32>
        %mul3A_183 = vector.broadcast %squeeze3A_182 : f32 to vector<16xf32>
        %mul3A_184 = arith.mulf %get3A_180, %mul3A_183 : vector<16xf32>
        %add3A_185 = arith.constant 4 : i32
        %add3A_186 = arith.addi %mul3A_103, %add3A_185 : i32
        %swap3A_187 = arith.constant 0 : i32
        %swap3A_188 = arith.index_cast %swap3A_187 : i32 to index
        %swap3A_189 = arith.index_cast %add3A_186 : i32 to index
        %swap3A_190 = arith.constant 0 : index
        %swap3A_191 = tpu.vector_load %arg10[%swap3A_188, %swap3A_189, %swap3A_190] {strides = array<i32>} : memref<2x128x16xf32, #tpu.memory_space<vmem>>, vector<16xf32>,
        tpu.vector_store %arg10[%swap3A_188, %swap3A_189, %swap3A_190], %mul3A_184 {strides = array<i32>} : memref<2x128x16xf32, #tpu.memory_space<vmem>>, vector<16xf32>,
        %add3A_192 = arith.constant 5 : i32
        %add3A_193 = arith.addi %mul3A_103, %add3A_192 : i32
        %get3A_194 = arith.constant 0 : i32
        %get3A_195 = arith.index_cast %get3A_194 : i32 to index
        %get3A_196 = arith.index_cast %add3A_193 : i32 to index
        %get3A_197 = arith.constant 0 : index
        %get3A_198 = tpu.vector_load %arg10[%get3A_195, %get3A_196, %get3A_197] {strides = array<i32>} : memref<2x128x16xf32, #tpu.memory_space<vmem>>, vector<16xf32>,
        %slice3A_199 = vector.extract_strided_slice %get3A_101 {offsets = [5], sizes = [1], strides = [1]} : vector<16xf32> to vector<1xf32>
        %squeeze3A_200 = vector.extract %slice3A_199[0] : f32 from vector<1xf32>
        %mul3A_201 = vector.broadcast %squeeze3A_200 : f32 to vector<16xf32>
        %mul3A_202 = arith.mulf %get3A_198, %mul3A_201 : vector<16xf32>
        %add3A_203 = arith.constant 5 : i32
        %add3A_204 = arith.addi %mul3A_103, %add3A_203 : i32
        %swap3A_205 = arith.constant 0 : i32
        %swap3A_206 = arith.index_cast %swap3A_205 : i32 to index
        %swap3A_207 = arith.index_cast %add3A_204 : i32 to index
        %swap3A_208 = arith.constant 0 : index
        %swap3A_209 = tpu.vector_load %arg10[%swap3A_206, %swap3A_207, %swap3A_208] {strides = array<i32>} : memref<2x128x16xf32, #tpu.memory_space<vmem>>, vector<16xf32>,
        tpu.vector_store %arg10[%swap3A_206, %swap3A_207, %swap3A_208], %mul3A_202 {strides = array<i32>} : memref<2x128x16xf32, #tpu.memory_space<vmem>>, vector<16xf32>,
        %add3A_210 = arith.constant 6 : i32
        %add3A_211 = arith.addi %mul3A_103, %add3A_210 : i32
        %get3A_212 = arith.constant 0 : i32
        %get3A_213 = arith.index_cast %get3A_212 : i32 to index
        %get3A_214 = arith.index_cast %add3A_211 : i32 to index
        %get3A_215 = arith.constant 0 : index
        %get3A_216 = tpu.vector_load %arg10[%get3A_213, %get3A_214, %get3A_215] {strides = array<i32>} : memref<2x128x16xf32, #tpu.memory_space<vmem>>, vector<16xf32>,
        %slice3A_217 = vector.extract_strided_slice %get3A_101 {offsets = [6], sizes = [1], strides = [1]} : vector<16xf32> to vector<1xf32>
        %squeeze3A_218 = vector.extract %slice3A_217[0] : f32 from vector<1xf32>
        %mul3A_219 = vector.broadcast %squeeze3A_218 : f32 to vector<16xf32>
        %mul3A_220 = arith.mulf %get3A_216, %mul3A_219 : vector<16xf32>
        %add3A_221 = arith.constant 6 : i32
        %add3A_222 = arith.addi %mul3A_103, %add3A_221 : i32
        %swap3A_223 = arith.constant 0 : i32
        %swap3A_224 = arith.index_cast %swap3A_223 : i32 to index
        %swap3A_225 = arith.index_cast %add3A_222 : i32 to index
        %swap3A_226 = arith.constant 0 : index
        %swap3A_227 = tpu.vector_load %arg10[%swap3A_224, %swap3A_225, %swap3A_226] {strides = array<i32>} : memref<2x128x16xf32, #tpu.memory_space<vmem>>, vector<16xf32>,
        tpu.vector_store %arg10[%swap3A_224, %swap3A_225, %swap3A_226], %mul3A_220 {strides = array<i32>} : memref<2x128x16xf32, #tpu.memory_space<vmem>>, vector<16xf32>,
        %add3A_228 = arith.constant 7 : i32
        %add3A_229 = arith.addi %mul3A_103, %add3A_228 : i32
        %get3A_230 = arith.constant 0 : i32
        %get3A_231 = arith.index_cast %get3A_230 : i32 to index
        %get3A_232 = arith.index_cast %add3A_229 : i32 to index
        %get3A_233 = arith.constant 0 : index
        %get3A_234 = tpu.vector_load %arg10[%get3A_231, %get3A_232, %get3A_233] {strides = array<i32>} : memref<2x128x16xf32, #tpu.memory_space<vmem>>, vector<16xf32>,
        %slice3A_235 = vector.extract_strided_slice %get3A_101 {offsets = [7], sizes = [1], strides = [1]} : vector<16xf32> to vector<1xf32>
        %squeeze3A_236 = vector.extract %slice3A_235[0] : f32 from vector<1xf32>
        %mul3A_237 = vector.broadcast %squeeze3A_236 : f32 to vector<16xf32>
        %mul3A_238 = arith.mulf %get3A_234, %mul3A_237 : vector<16xf32>
        %add3A_239 = arith.constant 7 : i32
        %add3A_240 = arith.addi %mul3A_103, %add3A_239 : i32
        %swap3A_241 = arith.constant 0 : i32
        %swap3A_242 = arith.index_cast %swap3A_241 : i32 to index
        %swap3A_243 = arith.index_cast %add3A_240 : i32 to index
        %swap3A_244 = arith.constant 0 : index
        %swap3A_245 = tpu.vector_load %arg10[%swap3A_242, %swap3A_243, %swap3A_244] {strides = array<i32>} : memref<2x128x16xf32, #tpu.memory_space<vmem>>, vector<16xf32>,
        tpu.vector_store %arg10[%swap3A_242, %swap3A_243, %swap3A_244], %mul3A_238 {strides = array<i32>} : memref<2x128x16xf32, #tpu.memory_space<vmem>>, vector<16xf32>,
        %add3A_246 = arith.constant 8 : i32
        %add3A_247 = arith.addi %mul3A_103, %add3A_246 : i32
        %get3A_248 = arith.constant 0 : i32
        %get3A_249 = arith.index_cast %get3A_248 : i32 to index
        %get3A_250 = arith.index_cast %add3A_247 : i32 to index
        %get3A_251 = arith.constant 0 : index
        %get3A_252 = tpu.vector_load %arg10[%get3A_249, %get3A_250, %get3A_251] {strides = array<i32>} : memref<2x128x16xf32, #tpu.memory_space<vmem>>, vector<16xf32>,
        %slice3A_253 = vector.extract_strided_slice %get3A_101 {offsets = [8], sizes = [1], strides = [1]} : vector<16xf32> to vector<1xf32>
        %squeeze3A_254 = vector.extract %slice3A_253[0] : f32 from vector<1xf32>
        %mul3A_255 = vector.broadcast %squeeze3A_254 : f32 to vector<16xf32>
        %mul3A_256 = arith.mulf %get3A_252, %mul3A_255 : vector<16xf32>
        %add3A_257 = arith.constant 8 : i32
        %add3A_258 = arith.addi %mul3A_103, %add3A_257 : i32
        %swap3A_259 = arith.constant 0 : i32
        %swap3A_260 = arith.index_cast %swap3A_259 : i32 to index
        %swap3A_261 = arith.index_cast %add3A_258 : i32 to index
        %swap3A_262 = arith.constant 0 : index
        %swap3A_263 = tpu.vector_load %arg10[%swap3A_260, %swap3A_261, %swap3A_262] {strides = array<i32>} : memref<2x128x16xf32, #tpu.memory_space<vmem>>, vector<16xf32>,
        tpu.vector_store %arg10[%swap3A_260, %swap3A_261, %swap3A_262], %mul3A_256 {strides = array<i32>} : memref<2x128x16xf32, #tpu.memory_space<vmem>>, vector<16xf32>,
        %add3A_264 = arith.constant 9 : i32
        %add3A_265 = arith.addi %mul3A_103, %add3A_264 : i32
        %get3A_266 = arith.constant 0 : i32
        %get3A_267 = arith.index_cast %get3A_266 : i32 to index
        %get3A_268 = arith.index_cast %add3A_265 : i32 to index
        %get3A_269 = arith.constant 0 : index
        %get3A_270 = tpu.vector_load %arg10[%get3A_267, %get3A_268, %get3A_269] {strides = array<i32>} : memref<2x128x16xf32, #tpu.memory_space<vmem>>, vector<16xf32>,
        %slice3A_271 = vector.extract_strided_slice %get3A_101 {offsets = [9], sizes = [1], strides = [1]} : vector<16xf32> to vector<1xf32>
        %squeeze3A_272 = vector.extract %slice3A_271[0] : f32 from vector<1xf32>
        %mul3A_273 = vector.broadcast %squeeze3A_272 : f32 to vector<16xf32>
        %mul3A_274 = arith.mulf %get3A_270, %mul3A_273 : vector<16xf32>
        %add3A_275 = arith.constant 9 : i32
        %add3A_276 = arith.addi %mul3A_103, %add3A_275 : i32
        %swap3A_277 = arith.constant 0 : i32
        %swap3A_278 = arith.index_cast %swap3A_277 : i32 to index
        %swap3A_279 = arith.index_cast %add3A_276 : i32 to index
        %swap3A_280 = arith.constant 0 : index
        %swap3A_281 = tpu.vector_load %arg10[%swap3A_278, %swap3A_279, %swap3A_280] {strides = array<i32>} : memref<2x128x16xf32, #tpu.memory_space<vmem>>, vector<16xf32>,
        tpu.vector_store %arg10[%swap3A_278, %swap3A_279, %swap3A_280], %mul3A_274 {strides = array<i32>} : memref<2x128x16xf32, #tpu.memory_space<vmem>>, vector<16xf32>,
        %add3A_282 = arith.constant 10 : i32
        %add3A_283 = arith.addi %mul3A_103, %add3A_282 : i32
        %get3A_284 = arith.constant 0 : i32
        %get3A_285 = arith.index_cast %get3A_284 : i32 to index
        %get3A_286 = arith.index_cast %add3A_283 : i32 to index
        %get3A_287 = arith.constant 0 : index
        %get3A_288 = tpu.vector_load %arg10[%get3A_285, %get3A_286, %get3A_287] {strides = array<i32>} : memref<2x128x16xf32, #tpu.memory_space<vmem>>, vector<16xf32>,
        %slice3A_289 = vector.extract_strided_slice %get3A_101 {offsets = [10], sizes = [1], strides = [1]} : vector<16xf32> to vector<1xf32>
        %squeeze3A_290 = vector.extract %slice3A_289[0] : f32 from vector<1xf32>
        %mul3A_291 = vector.broadcast %squeeze3A_290 : f32 to vector<16xf32>
        %mul3A_292 = arith.mulf %get3A_288, %mul3A_291 : vector<16xf32>
        %add3A_293 = arith.constant 10 : i32
        %add3A_294 = arith.addi %mul3A_103, %add3A_293 : i32
        %swap3A_295 = arith.constant 0 : i32
        %swap3A_296 = arith.index_cast %swap3A_295 : i32 to index
        %swap3A_297 = arith.index_cast %add3A_294 : i32 to index
        %swap3A_298 = arith.constant 0 : index
        %swap3A_299 = tpu.vector_load %arg10[%swap3A_296, %swap3A_297, %swap3A_298] {strides = array<i32>} : memref<2x128x16xf32, #tpu.memory_space<vmem>>, vector<16xf32>,
        tpu.vector_store %arg10[%swap3A_296, %swap3A_297, %swap3A_298], %mul3A_292 {strides = array<i32>} : memref<2x128x16xf32, #tpu.memory_space<vmem>>, vector<16xf32>,
        %add3A_300 = arith.constant 11 : i32
        %add3A_301 = arith.addi %mul3A_103, %add3A_300 : i32
        %get3A_302 = arith.constant 0 : i32
        %get3A_303 = arith.index_cast %get3A_302 : i32 to index
        %get3A_304 = arith.index_cast %add3A_301 : i32 to index
        %get3A_305 = arith.constant 0 : index
        %get3A_306 = tpu.vector_load %arg10[%get3A_303, %get3A_304, %get3A_305] {strides = array<i32>} : memref<2x128x16xf32, #tpu.memory_space<vmem>>, vector<16xf32>,
        %slice3A_307 = vector.extract_strided_slice %get3A_101 {offsets = [11], sizes = [1], strides = [1]} : vector<16xf32> to vector<1xf32>
        %squeeze3A_308 = vector.extract %slice3A_307[0] : f32 from vector<1xf32>
        %mul3A_309 = vector.broadcast %squeeze3A_308 : f32 to vector<16xf32>
        %mul3A_310 = arith.mulf %get3A_306, %mul3A_309 : vector<16xf32>
        %add3A_311 = arith.constant 11 : i32
        %add3A_312 = arith.addi %mul3A_103, %add3A_311 : i32
        %swap3A_313 = arith.constant 0 : i32
        %swap3A_314 = arith.index_cast %swap3A_313 : i32 to index
        %swap3A_315 = arith.index_cast %add3A_312 : i32 to index
        %swap3A_316 = arith.constant 0 : index
        %swap3A_317 = tpu.vector_load %arg10[%swap3A_314, %swap3A_315, %swap3A_316] {strides = array<i32>} : memref<2x128x16xf32, #tpu.memory_space<vmem>>, vector<16xf32>,
        tpu.vector_store %arg10[%swap3A_314, %swap3A_315, %swap3A_316], %mul3A_310 {strides = array<i32>} : memref<2x128x16xf32, #tpu.memory_space<vmem>>, vector<16xf32>,
        %add3A_318 = arith.constant 12 : i32
        %add3A_319 = arith.addi %mul3A_103, %add3A_318 : i32
        %get3A_320 = arith.constant 0 : i32
        %get3A_321 = arith.index_cast %get3A_320 : i32 to index
        %get3A_322 = arith.index_cast %add3A_319 : i32 to index
        %get3A_323 = arith.constant 0 : index
        %get3A_324 = tpu.vector_load %arg10[%get3A_321, %get3A_322, %get3A_323] {strides = array<i32>} : memref<2x128x16xf32, #tpu.memory_space<vmem>>, vector<16xf32>,
        %slice3A_325 = vector.extract_strided_slice %get3A_101 {offsets = [12], sizes = [1], strides = [1]} : vector<16xf32> to vector<1xf32>
        %squeeze3A_326 = vector.extract %slice3A_325[0] : f32 from vector<1xf32>
        %mul3A_327 = vector.broadcast %squeeze3A_326 : f32 to vector<16xf32>
        %mul3A_328 = arith.mulf %get3A_324, %mul3A_327 : vector<16xf32>
        %add3A_329 = arith.constant 12 : i32
        %add3A_330 = arith.addi %mul3A_103, %add3A_329 : i32
        %swap3A_331 = arith.constant 0 : i32
        %swap3A_332 = arith.index_cast %swap3A_331 : i32 to index
        %swap3A_333 = arith.index_cast %add3A_330 : i32 to index
        %swap3A_334 = arith.constant 0 : index
        %swap3A_335 = tpu.vector_load %arg10[%swap3A_332, %swap3A_333, %swap3A_334] {strides = array<i32>} : memref<2x128x16xf32, #tpu.memory_space<vmem>>, vector<16xf32>,
        tpu.vector_store %arg10[%swap3A_332, %swap3A_333, %swap3A_334], %mul3A_328 {strides = array<i32>} : memref<2x128x16xf32, #tpu.memory_space<vmem>>, vector<16xf32>,
        %add3A_336 = arith.constant 13 : i32
        %add3A_337 = arith.addi %mul3A_103, %add3A_336 : i32
        %get3A_338 = arith.constant 0 : i32
        %get3A_339 = arith.index_cast %get3A_338 : i32 to index
        %get3A_340 = arith.index_cast %add3A_337 : i32 to index
        %get3A_341 = arith.constant 0 : index
        %get3A_342 = tpu.vector_load %arg10[%get3A_339, %get3A_340, %get3A_341] {strides = array<i32>} : memref<2x128x16xf32, #tpu.memory_space<vmem>>, vector<16xf32>,
        %slice3A_343 = vector.extract_strided_slice %get3A_101 {offsets = [13], sizes = [1], strides = [1]} : vector<16xf32> to vector<1xf32>
        %squeeze3A_344 = vector.extract %slice3A_343[0] : f32 from vector<1xf32>
        %mul3A_345 = vector.broadcast %squeeze3A_344 : f32 to vector<16xf32>
        %mul3A_346 = arith.mulf %get3A_342, %mul3A_345 : vector<16xf32>
        %add3A_347 = arith.constant 13 : i32
        %add3A_348 = arith.addi %mul3A_103, %add3A_347 : i32
        %swap3A_349 = arith.constant 0 : i32
        %swap3A_350 = arith.index_cast %swap3A_349 : i32 to index
        %swap3A_351 = arith.index_cast %add3A_348 : i32 to index
        %swap3A_352 = arith.constant 0 : index
        %swap3A_353 = tpu.vector_load %arg10[%swap3A_350, %swap3A_351, %swap3A_352] {strides = array<i32>} : memref<2x128x16xf32, #tpu.memory_space<vmem>>, vector<16xf32>,
        tpu.vector_store %arg10[%swap3A_350, %swap3A_351, %swap3A_352], %mul3A_346 {strides = array<i32>} : memref<2x128x16xf32, #tpu.memory_space<vmem>>, vector<16xf32>,
        %add3A_354 = arith.constant 14 : i32
        %add3A_355 = arith.addi %mul3A_103, %add3A_354 : i32
        %get3A_356 = arith.constant 0 : i32
        %get3A_357 = arith.index_cast %get3A_356 : i32 to index
        %get3A_358 = arith.index_cast %add3A_355 : i32 to index
        %get3A_359 = arith.constant 0 : index
        %get3A_360 = tpu.vector_load %arg10[%get3A_357, %get3A_358, %get3A_359] {strides = array<i32>} : memref<2x128x16xf32, #tpu.memory_space<vmem>>, vector<16xf32>,
        %slice3A_361 = vector.extract_strided_slice %get3A_101 {offsets = [14], sizes = [1], strides = [1]} : vector<16xf32> to vector<1xf32>
        %squeeze3A_362 = vector.extract %slice3A_361[0] : f32 from vector<1xf32>
        %mul3A_363 = vector.broadcast %squeeze3A_362 : f32 to vector<16xf32>
        %mul3A_364 = arith.mulf %get3A_360, %mul3A_363 : vector<16xf32>
        %add3A_365 = arith.constant 14 : i32
        %add3A_366 = arith.addi %mul3A_103, %add3A_365 : i32
        %swap3A_367 = arith.constant 0 : i32
        %swap3A_368 = arith.index_cast %swap3A_367 : i32 to index
        %swap3A_369 = arith.index_cast %add3A_366 : i32 to index
        %swap3A_370 = arith.constant 0 : index
        %swap3A_371 = tpu.vector_load %arg10[%swap3A_368, %swap3A_369, %swap3A_370] {strides = array<i32>} : memref<2x128x16xf32, #tpu.memory_space<vmem>>, vector<16xf32>,
        tpu.vector_store %arg10[%swap3A_368, %swap3A_369, %swap3A_370], %mul3A_364 {strides = array<i32>} : memref<2x128x16xf32, #tpu.memory_space<vmem>>, vector<16xf32>,
        %add3A_372 = arith.constant 15 : i32
        %add3A_373 = arith.addi %mul3A_103, %add3A_372 : i32
        %get3A_374 = arith.constant 0 : i32
        %get3A_375 = arith.index_cast %get3A_374 : i32 to index
        %get3A_376 = arith.index_cast %add3A_373 : i32 to index
        %get3A_377 = arith.constant 0 : index
        %get3A_378 = tpu.vector_load %arg10[%get3A_375, %get3A_376, %get3A_377] {strides = array<i32>} : memref<2x128x16xf32, #tpu.memory_space<vmem>>, vector<16xf32>,
        %slice3A_379 = vector.extract_strided_slice %get3A_101 {offsets = [15], sizes = [1], strides = [1]} : vector<16xf32> to vector<1xf32>
        %squeeze3A_380 = vector.extract %slice3A_379[0] : f32 from vector<1xf32>
        %mul3A_381 = vector.broadcast %squeeze3A_380 : f32 to vector<16xf32>
        %mul3A_382 = arith.mulf %get3A_378, %mul3A_381 : vector<16xf32>
        %add3A_383 = arith.constant 15 : i32
        %add3A_384 = arith.addi %mul3A_103, %add3A_383 : i32
        %swap3A_385 = arith.constant 0 : i32
        %swap3A_386 = arith.index_cast %swap3A_385 : i32 to index
        %swap3A_387 = arith.index_cast %add3A_384 : i32 to index
        %swap3A_388 = arith.constant 0 : index
        %swap3A_389 = tpu.vector_load %arg10[%swap3A_386, %swap3A_387, %swap3A_388] {strides = array<i32>} : memref<2x128x16xf32, #tpu.memory_space<vmem>>, vector<16xf32>,
        tpu.vector_store %arg10[%swap3A_386, %swap3A_387, %swap3A_388], %mul3A_382 {strides = array<i32>} : memref<2x128x16xf32, #tpu.memory_space<vmem>>, vector<16xf32>,
      }
      %scan3A_64 = arith.constant 8 : i32
      %run_scoped3A = arith.constant 0 : i32
      "tpu.region"() ({
        %run_scoped3A_93 = tpu.sem_alloc : memref<!tpu.dma_semaphore, #tpu.memory_space<semaphore_mem>>
        %dma_start3A_94 = arith.constant 0 : i32
        %dma_start3A_95 = arith.constant 0 : i32
        %dma_start3A_96 = tpu.memref_slice %arg10[%run_scoped3A, %dma_start3A_94, %dma_start3A_95] : memref<2x128x16xf32, #tpu.memory_space<vmem>> -> memref<1x128x16xf32, #tpu.memory_space<vmem>>
        %dma_start3A_97 = tpu.memref_squeeze %dma_start3A_96 : memref<1x128x16xf32, #tpu.memory_space<vmem>> -> memref<128x16xf32, #tpu.memory_space<vmem>>
        %dma_start3A_98 = arith.constant 0 : i32
        %dma_start3A_99 = tpu.memref_slice %arg8[%add3A_45, %dma_start3A_98] : memref<82x128xi32, #tpu.memory_space<vmem>> -> memref<1x128xi32, #tpu.memory_space<vmem>>
        %dma_start3A_100 = tpu.memref_squeeze %dma_start3A_99 : memref<1x128xi32, #tpu.memory_space<vmem>> -> memref<128xi32, #tpu.memory_space<vmem>>
        %dma_start3A_101 = arith.constant 0 : i32
        %dma_start3A_102 = arith.constant 0 : i32
        %dma_start3A_103 = tpu.memref_slice %arg12[%dma_start3A_101, %dma_start3A_102] : memref<10000x16xf32, #tpu.memory_space<vmem_shared>> -> memref<10000x16xf32, #tpu.memory_space<vmem_shared>>
        tpu.enqueue_indirect_dma source(%dma_start3A_97 : memref<128x16xf32, #tpu.memory_space<vmem>>) target(%dma_start3A_103 : memref<10000x16xf32, #tpu.memory_space<vmem_shared>>) offsets(%dma_start3A_100 : memref<128xi32, #tpu.memory_space<vmem>>) semaphore(%run_scoped3A_93 : memref<!tpu.dma_semaphore, #tpu.memory_space<semaphore_mem>>) {add = true}
        %dma_wait3A_104 = arith.constant 0 : i32
        %dma_wait3A_105 = arith.constant 0 : i32
        %dma_wait3A_106 = tpu.memref_slice %arg10[%run_scoped3A, %dma_wait3A_104, %dma_wait3A_105] : memref<2x128x16xf32, #tpu.memory_space<vmem>> -> memref<1x128x16xf32, #tpu.memory_space<vmem>>
        %dma_wait3A_107 = tpu.memref_squeeze %dma_wait3A_106 : memref<1x128x16xf32, #tpu.memory_space<vmem>> -> memref<128x16xf32, #tpu.memory_space<vmem>>
        %dma_wait3A_108 = arith.constant 0 : i32
        %dma_wait3A_109 = tpu.memref_slice %arg8[%add3A_45, %dma_wait3A_108] : memref<82x128xi32, #tpu.memory_space<vmem>> -> memref<1x128xi32, #tpu.memory_space<vmem>>
        %dma_wait3A_110 = tpu.memref_squeeze %dma_wait3A_109 : memref<1x128xi32, #tpu.memory_space<vmem>> -> memref<128xi32, #tpu.memory_space<vmem>>
        %dma_wait3A_111 = arith.constant 0 : i32
        %dma_wait3A_112 = arith.constant 0 : i32
        %dma_wait3A_113 = tpu.memref_slice %arg12[%dma_wait3A_111, %dma_wait3A_112] : memref<10000x16xf32, #tpu.memory_space<vmem_shared>> -> memref<10000x16xf32, #tpu.memory_space<vmem_shared>>
        tpu.wait_indirect_dma semaphore(%run_scoped3A_93 : memref<!tpu.dma_semaphore, #tpu.memory_space<semaphore_mem>>) src(%dma_wait3A_107 : memref<128x16xf32, #tpu.memory_space<vmem>>) dst(%dma_wait3A_113 : memref<10000x16xf32, #tpu.memory_space<vmem_shared>>)
        tpu.yield
      }) : () -> ()
      %mul3A_65 = arith.constant 2 : i32
      %mul3A_66 = arith.muli %add3A_41, %mul3A_65 : i32
      %add3A_67 = arith.constant 1 : i32
      %add3A_68 = arith.addi %mul3A_66, %add3A_67 : i32
      %dma_wait3A_69 = arith.constant 1 : i32
      %dma_wait3A_70 = arith.constant 0 : i32
      %dma_wait3A_71 = arith.constant 0 : i32
      %dma_wait3A_72 = tpu.memref_slice %arg10[%dma_wait3A_69, %dma_wait3A_70, %dma_wait3A_71] : memref<2x128x16xf32, #tpu.memory_space<vmem>> -> memref<1x128x16xf32, #tpu.memory_space<vmem>>
      %dma_wait3A_73 = tpu.memref_squeeze %dma_wait3A_72 : memref<1x128x16xf32, #tpu.memory_space<vmem>> -> memref<128x16xf32, #tpu.memory_space<vmem>>
      %dma_wait3A_74 = arith.constant 0 : i32
      %dma_wait3A_75 = tpu.memref_slice %arg7[%add3A_68, %dma_wait3A_74] : memref<82x128xi32, #tpu.memory_space<vmem>> -> memref<1x128xi32, #tpu.memory_space<vmem>>
      %dma_wait3A_76 = tpu.memref_squeeze %dma_wait3A_75 : memref<1x128xi32, #tpu.memory_space<vmem>> -> memref<128xi32, #tpu.memory_space<vmem>>
      %dma_wait3A_77 = arith.constant 0 : i32
      %dma_wait3A_78 = arith.constant 0 : i32
      %dma_wait3A_79 = tpu.memref_slice %arg5[%dma_wait3A_77, %dma_wait3A_78] : memref<10000x16xf32, #tpu.memory_space<hbm>> -> memref<10000x16xf32, #tpu.memory_space<hbm>>
      tpu.wait_indirect_dma semaphore(%arg14 : memref<!tpu.dma_semaphore, #tpu.memory_space<semaphore_mem>>) src(%dma_wait3A_79 : memref<10000x16xf32, #tpu.memory_space<hbm>>) dst(%dma_wait3A_73 : memref<128x16xf32, #tpu.memory_space<vmem>>)
      %add3A_80 = arith.constant 1 : i32
      %add3A_81 = arith.addi %add3A_68, %add3A_80 : i32
      %lt3A_82 = arith.constant 82 : i32
      %lt3A_83 = arith.cmpi slt, %add3A_81, %lt3A_82 : i32
      %convert_element_type3A_84 = arith.extui %lt3A_83 : i1 to i32
      %cond3A_85 = arith.constant 0 : i32
      %cond3A_86 = arith.cmpi ne, %convert_element_type3A_84, %cond3A_85 : i32
      scf.if %cond3A_86 {
        %add3A_93 = arith.constant 1 : i32
        %add3A_94 = arith.addi %add3A_68, %add3A_93 : i32
        %dma_start3A_95 = arith.constant 0 : i32
        %dma_start3A_96 = arith.constant 0 : i32
        %dma_start3A_97 = arith.constant 0 : i32
        %dma_start3A_98 = tpu.memref_slice %arg10[%dma_start3A_95, %dma_start3A_96, %dma_start3A_97] : memref<2x128x16xf32, #tpu.memory_space<vmem>> -> memref<1x128x16xf32, #tpu.memory_space<vmem>>
        %dma_start3A_99 = tpu.memref_squeeze %dma_start3A_98 : memref<1x128x16xf32, #tpu.memory_space<vmem>> -> memref<128x16xf32, #tpu.memory_space<vmem>>
        %dma_start3A_100 = arith.constant 0 : i32
        %dma_start3A_101 = tpu.memref_slice %arg7[%add3A_94, %dma_start3A_100] : memref<82x128xi32, #tpu.memory_space<vmem>> -> memref<1x128xi32, #tpu.memory_space<vmem>>
        %dma_start3A_102 = tpu.memref_squeeze %dma_start3A_101 : memref<1x128xi32, #tpu.memory_space<vmem>> -> memref<128xi32, #tpu.memory_space<vmem>>
        %dma_start3A_103 = arith.constant 0 : i32
        %dma_start3A_104 = arith.constant 0 : i32
        %dma_start3A_105 = tpu.memref_slice %arg5[%dma_start3A_103, %dma_start3A_104] : memref<10000x16xf32, #tpu.memory_space<hbm>> -> memref<10000x16xf32, #tpu.memory_space<hbm>>
        tpu.enqueue_indirect_dma source(%dma_start3A_105 : memref<10000x16xf32, #tpu.memory_space<hbm>>) target(%dma_start3A_99 : memref<128x16xf32, #tpu.memory_space<vmem>>) offsets(%dma_start3A_102 : memref<128xi32, #tpu.memory_space<vmem>>) semaphore(%arg13 : memref<!tpu.dma_semaphore, #tpu.memory_space<semaphore_mem>>)
      } else {
      }
      %scan3A_87 = arith.constant 0 : i32
      %scan3A_88 = arith.constant 8 : i32
      %scan3A_89 = arith.addi %scan3A_87, %scan3A_88 : i32
      %scan3A_90 = arith.constant 1 : i32
      scf.for %scan3A_93 = %scan3A_87 to %scan3A_89 step %scan3A_90  : i32 {
        %mul3A_94 = arith.constant 1 : i32
        %mul3A_95 = arith.muli %scan3A_93, %mul3A_94 : i32
        %add3A_96 = arith.constant 0 : i32
        %add3A_97 = arith.addi %add3A_96, %mul3A_95 : i32
        %mul3A_98 = arith.constant 16 : i32
        %mul3A_99 = arith.muli %add3A_97, %mul3A_98 : i32
        %get3A = arith.index_cast %add3A_68 : i32 to index
        %get3A_100 = arith.index_cast %mul3A_99 : i32 to index
        %get3A_101 = tpu.vector_load %arg9[%get3A, %get3A_100] {strides = array<i32>} : memref<82x128xf32, #tpu.memory_space<vmem>>, vector<16xf32>,
        %mul3A_102 = arith.constant 16 : i32
        %mul3A_103 = arith.muli %add3A_97, %mul3A_102 : i32
        %add3A_104 = arith.constant 0 : i32
        %add3A_105 = arith.addi %mul3A_103, %add3A_104 : i32
        %get3A_106 = arith.constant 1 : i32
        %get3A_107 = arith.index_cast %get3A_106 : i32 to index
        %get3A_108 = arith.index_cast %add3A_105 : i32 to index
        %get3A_109 = arith.constant 0 : index
        %get3A_110 = tpu.vector_load %arg10[%get3A_107, %get3A_108, %get3A_109] {strides = array<i32>} : memref<2x128x16xf32, #tpu.memory_space<vmem>>, vector<16xf32>,
        %slice3A = vector.extract_strided_slice %get3A_101 {offsets = [0], sizes = [1], strides = [1]} : vector<16xf32> to vector<1xf32>
        %squeeze3A = vector.extract %slice3A[0] : f32 from vector<1xf32>
        %mul3A_111 = vector.broadcast %squeeze3A : f32 to vector<16xf32>
        %mul3A_112 = arith.mulf %get3A_110, %mul3A_111 : vector<16xf32>
        %add3A_113 = arith.constant 0 : i32
        %add3A_114 = arith.addi %mul3A_103, %add3A_113 : i32
        %swap3A_115 = arith.constant 1 : i32
        %swap3A_116 = arith.index_cast %swap3A_115 : i32 to index
        %swap3A_117 = arith.index_cast %add3A_114 : i32 to index
        %swap3A_118 = arith.constant 0 : index
        %swap3A_119 = tpu.vector_load %arg10[%swap3A_116, %swap3A_117, %swap3A_118] {strides = array<i32>} : memref<2x128x16xf32, #tpu.memory_space<vmem>>, vector<16xf32>,
        tpu.vector_store %arg10[%swap3A_116, %swap3A_117, %swap3A_118], %mul3A_112 {strides = array<i32>} : memref<2x128x16xf32, #tpu.memory_space<vmem>>, vector<16xf32>,
        %add3A_120 = arith.constant 1 : i32
        %add3A_121 = arith.addi %mul3A_103, %add3A_120 : i32
        %get3A_122 = arith.constant 1 : i32
        %get3A_123 = arith.index_cast %get3A_122 : i32 to index
        %get3A_124 = arith.index_cast %add3A_121 : i32 to index
        %get3A_125 = arith.constant 0 : index
        %get3A_126 = tpu.vector_load %arg10[%get3A_123, %get3A_124, %get3A_125] {strides = array<i32>} : memref<2x128x16xf32, #tpu.memory_space<vmem>>, vector<16xf32>,
        %slice3A_127 = vector.extract_strided_slice %get3A_101 {offsets = [1], sizes = [1], strides = [1]} : vector<16xf32> to vector<1xf32>
        %squeeze3A_128 = vector.extract %slice3A_127[0] : f32 from vector<1xf32>
        %mul3A_129 = vector.broadcast %squeeze3A_128 : f32 to vector<16xf32>
        %mul3A_130 = arith.mulf %get3A_126, %mul3A_129 : vector<16xf32>
        %add3A_131 = arith.constant 1 : i32
        %add3A_132 = arith.addi %mul3A_103, %add3A_131 : i32
        %swap3A_133 = arith.constant 1 : i32
        %swap3A_134 = arith.index_cast %swap3A_133 : i32 to index
        %swap3A_135 = arith.index_cast %add3A_132 : i32 to index
        %swap3A_136 = arith.constant 0 : index
        %swap3A_137 = tpu.vector_load %arg10[%swap3A_134, %swap3A_135, %swap3A_136] {strides = array<i32>} : memref<2x128x16xf32, #tpu.memory_space<vmem>>, vector<16xf32>,
        tpu.vector_store %arg10[%swap3A_134, %swap3A_135, %swap3A_136], %mul3A_130 {strides = array<i32>} : memref<2x128x16xf32, #tpu.memory_space<vmem>>, vector<16xf32>,
        %add3A_138 = arith.constant 2 : i32
        %add3A_139 = arith.addi %mul3A_103, %add3A_138 : i32
        %get3A_140 = arith.constant 1 : i32
        %get3A_141 = arith.index_cast %get3A_140 : i32 to index
        %get3A_142 = arith.index_cast %add3A_139 : i32 to index
        %get3A_143 = arith.constant 0 : index
        %get3A_144 = tpu.vector_load %arg10[%get3A_141, %get3A_142, %get3A_143] {strides = array<i32>} : memref<2x128x16xf32, #tpu.memory_space<vmem>>, vector<16xf32>,
        %slice3A_145 = vector.extract_strided_slice %get3A_101 {offsets = [2], sizes = [1], strides = [1]} : vector<16xf32> to vector<1xf32>
        %squeeze3A_146 = vector.extract %slice3A_145[0] : f32 from vector<1xf32>
        %mul3A_147 = vector.broadcast %squeeze3A_146 : f32 to vector<16xf32>
        %mul3A_148 = arith.mulf %get3A_144, %mul3A_147 : vector<16xf32>
        %add3A_149 = arith.constant 2 : i32
        %add3A_150 = arith.addi %mul3A_103, %add3A_149 : i32
        %swap3A_151 = arith.constant 1 : i32
        %swap3A_152 = arith.index_cast %swap3A_151 : i32 to index
        %swap3A_153 = arith.index_cast %add3A_150 : i32 to index
        %swap3A_154 = arith.constant 0 : index
        %swap3A_155 = tpu.vector_load %arg10[%swap3A_152, %swap3A_153, %swap3A_154] {strides = array<i32>} : memref<2x128x16xf32, #tpu.memory_space<vmem>>, vector<16xf32>,
        tpu.vector_store %arg10[%swap3A_152, %swap3A_153, %swap3A_154], %mul3A_148 {strides = array<i32>} : memref<2x128x16xf32, #tpu.memory_space<vmem>>, vector<16xf32>,
        %add3A_156 = arith.constant 3 : i32
        %add3A_157 = arith.addi %mul3A_103, %add3A_156 : i32
        %get3A_158 = arith.constant 1 : i32
        %get3A_159 = arith.index_cast %get3A_158 : i32 to index
        %get3A_160 = arith.index_cast %add3A_157 : i32 to index
        %get3A_161 = arith.constant 0 : index
        %get3A_162 = tpu.vector_load %arg10[%get3A_159, %get3A_160, %get3A_161] {strides = array<i32>} : memref<2x128x16xf32, #tpu.memory_space<vmem>>, vector<16xf32>,
        %slice3A_163 = vector.extract_strided_slice %get3A_101 {offsets = [3], sizes = [1], strides = [1]} : vector<16xf32> to vector<1xf32>
        %squeeze3A_164 = vector.extract %slice3A_163[0] : f32 from vector<1xf32>
        %mul3A_165 = vector.broadcast %squeeze3A_164 : f32 to vector<16xf32>
        %mul3A_166 = arith.mulf %get3A_162, %mul3A_165 : vector<16xf32>
        %add3A_167 = arith.constant 3 : i32
        %add3A_168 = arith.addi %mul3A_103, %add3A_167 : i32
        %swap3A_169 = arith.constant 1 : i32
        %swap3A_170 = arith.index_cast %swap3A_169 : i32 to index
        %swap3A_171 = arith.index_cast %add3A_168 : i32 to index
        %swap3A_172 = arith.constant 0 : index
        %swap3A_173 = tpu.vector_load %arg10[%swap3A_170, %swap3A_171, %swap3A_172] {strides = array<i32>} : memref<2x128x16xf32, #tpu.memory_space<vmem>>, vector<16xf32>,
        tpu.vector_store %arg10[%swap3A_170, %swap3A_171, %swap3A_172], %mul3A_166 {strides = array<i32>} : memref<2x128x16xf32, #tpu.memory_space<vmem>>, vector<16xf32>,
        %add3A_174 = arith.constant 4 : i32
        %add3A_175 = arith.addi %mul3A_103, %add3A_174 : i32
        %get3A_176 = arith.constant 1 : i32
        %get3A_177 = arith.index_cast %get3A_176 : i32 to index
        %get3A_178 = arith.index_cast %add3A_175 : i32 to index
        %get3A_179 = arith.constant 0 : index
        %get3A_180 = tpu.vector_load %arg10[%get3A_177, %get3A_178, %get3A_179] {strides = array<i32>} : memref<2x128x16xf32, #tpu.memory_space<vmem>>, vector<16xf32>,
        %slice3A_181 = vector.extract_strided_slice %get3A_101 {offsets = [4], sizes = [1], strides = [1]} : vector<16xf32> to vector<1xf32>
        %squeeze3A_182 = vector.extract %slice3A_181[0] : f32 from vector<1xf32>
        %mul3A_183 = vector.broadcast %squeeze3A_182 : f32 to vector<16xf32>
        %mul3A_184 = arith.mulf %get3A_180, %mul3A_183 : vector<16xf32>
        %add3A_185 = arith.constant 4 : i32
        %add3A_186 = arith.addi %mul3A_103, %add3A_185 : i32
        %swap3A_187 = arith.constant 1 : i32
        %swap3A_188 = arith.index_cast %swap3A_187 : i32 to index
        %swap3A_189 = arith.index_cast %add3A_186 : i32 to index
        %swap3A_190 = arith.constant 0 : index
        %swap3A_191 = tpu.vector_load %arg10[%swap3A_188, %swap3A_189, %swap3A_190] {strides = array<i32>} : memref<2x128x16xf32, #tpu.memory_space<vmem>>, vector<16xf32>,
        tpu.vector_store %arg10[%swap3A_188, %swap3A_189, %swap3A_190], %mul3A_184 {strides = array<i32>} : memref<2x128x16xf32, #tpu.memory_space<vmem>>, vector<16xf32>,
        %add3A_192 = arith.constant 5 : i32
        %add3A_193 = arith.addi %mul3A_103, %add3A_192 : i32
        %get3A_194 = arith.constant 1 : i32
        %get3A_195 = arith.index_cast %get3A_194 : i32 to index
        %get3A_196 = arith.index_cast %add3A_193 : i32 to index
        %get3A_197 = arith.constant 0 : index
        %get3A_198 = tpu.vector_load %arg10[%get3A_195, %get3A_196, %get3A_197] {strides = array<i32>} : memref<2x128x16xf32, #tpu.memory_space<vmem>>, vector<16xf32>,
        %slice3A_199 = vector.extract_strided_slice %get3A_101 {offsets = [5], sizes = [1], strides = [1]} : vector<16xf32> to vector<1xf32>
        %squeeze3A_200 = vector.extract %slice3A_199[0] : f32 from vector<1xf32>
        %mul3A_201 = vector.broadcast %squeeze3A_200 : f32 to vector<16xf32>
        %mul3A_202 = arith.mulf %get3A_198, %mul3A_201 : vector<16xf32>
        %add3A_203 = arith.constant 5 : i32
        %add3A_204 = arith.addi %mul3A_103, %add3A_203 : i32
        %swap3A_205 = arith.constant 1 : i32
        %swap3A_206 = arith.index_cast %swap3A_205 : i32 to index
        %swap3A_207 = arith.index_cast %add3A_204 : i32 to index
        %swap3A_208 = arith.constant 0 : index
        %swap3A_209 = tpu.vector_load %arg10[%swap3A_206, %swap3A_207, %swap3A_208] {strides = array<i32>} : memref<2x128x16xf32, #tpu.memory_space<vmem>>, vector<16xf32>,
        tpu.vector_store %arg10[%swap3A_206, %swap3A_207, %swap3A_208], %mul3A_202 {strides = array<i32>} : memref<2x128x16xf32, #tpu.memory_space<vmem>>, vector<16xf32>,
        %add3A_210 = arith.constant 6 : i32
        %add3A_211 = arith.addi %mul3A_103, %add3A_210 : i32
        %get3A_212 = arith.constant 1 : i32
        %get3A_213 = arith.index_cast %get3A_212 : i32 to index
        %get3A_214 = arith.index_cast %add3A_211 : i32 to index
        %get3A_215 = arith.constant 0 : index
        %get3A_216 = tpu.vector_load %arg10[%get3A_213, %get3A_214, %get3A_215] {strides = array<i32>} : memref<2x128x16xf32, #tpu.memory_space<vmem>>, vector<16xf32>,
        %slice3A_217 = vector.extract_strided_slice %get3A_101 {offsets = [6], sizes = [1], strides = [1]} : vector<16xf32> to vector<1xf32>
        %squeeze3A_218 = vector.extract %slice3A_217[0] : f32 from vector<1xf32>
        %mul3A_219 = vector.broadcast %squeeze3A_218 : f32 to vector<16xf32>
        %mul3A_220 = arith.mulf %get3A_216, %mul3A_219 : vector<16xf32>
        %add3A_221 = arith.constant 6 : i32
        %add3A_222 = arith.addi %mul3A_103, %add3A_221 : i32
        %swap3A_223 = arith.constant 1 : i32
        %swap3A_224 = arith.index_cast %swap3A_223 : i32 to index
        %swap3A_225 = arith.index_cast %add3A_222 : i32 to index
        %swap3A_226 = arith.constant 0 : index
        %swap3A_227 = tpu.vector_load %arg10[%swap3A_224, %swap3A_225, %swap3A_226] {strides = array<i32>} : memref<2x128x16xf32, #tpu.memory_space<vmem>>, vector<16xf32>,
        tpu.vector_store %arg10[%swap3A_224, %swap3A_225, %swap3A_226], %mul3A_220 {strides = array<i32>} : memref<2x128x16xf32, #tpu.memory_space<vmem>>, vector<16xf32>,
        %add3A_228 = arith.constant 7 : i32
        %add3A_229 = arith.addi %mul3A_103, %add3A_228 : i32
        %get3A_230 = arith.constant 1 : i32
        %get3A_231 = arith.index_cast %get3A_230 : i32 to index
        %get3A_232 = arith.index_cast %add3A_229 : i32 to index
        %get3A_233 = arith.constant 0 : index
        %get3A_234 = tpu.vector_load %arg10[%get3A_231, %get3A_232, %get3A_233] {strides = array<i32>} : memref<2x128x16xf32, #tpu.memory_space<vmem>>, vector<16xf32>,
        %slice3A_235 = vector.extract_strided_slice %get3A_101 {offsets = [7], sizes = [1], strides = [1]} : vector<16xf32> to vector<1xf32>
        %squeeze3A_236 = vector.extract %slice3A_235[0] : f32 from vector<1xf32>
        %mul3A_237 = vector.broadcast %squeeze3A_236 : f32 to vector<16xf32>
        %mul3A_238 = arith.mulf %get3A_234, %mul3A_237 : vector<16xf32>
        %add3A_239 = arith.constant 7 : i32
        %add3A_240 = arith.addi %mul3A_103, %add3A_239 : i32
        %swap3A_241 = arith.constant 1 : i32
        %swap3A_242 = arith.index_cast %swap3A_241 : i32 to index
        %swap3A_243 = arith.index_cast %add3A_240 : i32 to index
        %swap3A_244 = arith.constant 0 : index
        %swap3A_245 = tpu.vector_load %arg10[%swap3A_242, %swap3A_243, %swap3A_244] {strides = array<i32>} : memref<2x128x16xf32, #tpu.memory_space<vmem>>, vector<16xf32>,
        tpu.vector_store %arg10[%swap3A_242, %swap3A_243, %swap3A_244], %mul3A_238 {strides = array<i32>} : memref<2x128x16xf32, #tpu.memory_space<vmem>>, vector<16xf32>,
        %add3A_246 = arith.constant 8 : i32
        %add3A_247 = arith.addi %mul3A_103, %add3A_246 : i32
        %get3A_248 = arith.constant 1 : i32
        %get3A_249 = arith.index_cast %get3A_248 : i32 to index
        %get3A_250 = arith.index_cast %add3A_247 : i32 to index
        %get3A_251 = arith.constant 0 : index
        %get3A_252 = tpu.vector_load %arg10[%get3A_249, %get3A_250, %get3A_251] {strides = array<i32>} : memref<2x128x16xf32, #tpu.memory_space<vmem>>, vector<16xf32>,
        %slice3A_253 = vector.extract_strided_slice %get3A_101 {offsets = [8], sizes = [1], strides = [1]} : vector<16xf32> to vector<1xf32>
        %squeeze3A_254 = vector.extract %slice3A_253[0] : f32 from vector<1xf32>
        %mul3A_255 = vector.broadcast %squeeze3A_254 : f32 to vector<16xf32>
        %mul3A_256 = arith.mulf %get3A_252, %mul3A_255 : vector<16xf32>
        %add3A_257 = arith.constant 8 : i32
        %add3A_258 = arith.addi %mul3A_103, %add3A_257 : i32
        %swap3A_259 = arith.constant 1 : i32
        %swap3A_260 = arith.index_cast %swap3A_259 : i32 to index
        %swap3A_261 = arith.index_cast %add3A_258 : i32 to index
        %swap3A_262 = arith.constant 0 : index
        %swap3A_263 = tpu.vector_load %arg10[%swap3A_260, %swap3A_261, %swap3A_262] {strides = array<i32>} : memref<2x128x16xf32, #tpu.memory_space<vmem>>, vector<16xf32>,
        tpu.vector_store %arg10[%swap3A_260, %swap3A_261, %swap3A_262], %mul3A_256 {strides = array<i32>} : memref<2x128x16xf32, #tpu.memory_space<vmem>>, vector<16xf32>,
        %add3A_264 = arith.constant 9 : i32
        %add3A_265 = arith.addi %mul3A_103, %add3A_264 : i32
        %get3A_266 = arith.constant 1 : i32
        %get3A_267 = arith.index_cast %get3A_266 : i32 to index
        %get3A_268 = arith.index_cast %add3A_265 : i32 to index
        %get3A_269 = arith.constant 0 : index
        %get3A_270 = tpu.vector_load %arg10[%get3A_267, %get3A_268, %get3A_269] {strides = array<i32>} : memref<2x128x16xf32, #tpu.memory_space<vmem>>, vector<16xf32>,
        %slice3A_271 = vector.extract_strided_slice %get3A_101 {offsets = [9], sizes = [1], strides = [1]} : vector<16xf32> to vector<1xf32>
        %squeeze3A_272 = vector.extract %slice3A_271[0] : f32 from vector<1xf32>
        %mul3A_273 = vector.broadcast %squeeze3A_272 : f32 to vector<16xf32>
        %mul3A_274 = arith.mulf %get3A_270, %mul3A_273 : vector<16xf32>
        %add3A_275 = arith.constant 9 : i32
        %add3A_276 = arith.addi %mul3A_103, %add3A_275 : i32
        %swap3A_277 = arith.constant 1 : i32
        %swap3A_278 = arith.index_cast %swap3A_277 : i32 to index
        %swap3A_279 = arith.index_cast %add3A_276 : i32 to index
        %swap3A_280 = arith.constant 0 : index
        %swap3A_281 = tpu.vector_load %arg10[%swap3A_278, %swap3A_279, %swap3A_280] {strides = array<i32>} : memref<2x128x16xf32, #tpu.memory_space<vmem>>, vector<16xf32>,
        tpu.vector_store %arg10[%swap3A_278, %swap3A_279, %swap3A_280], %mul3A_274 {strides = array<i32>} : memref<2x128x16xf32, #tpu.memory_space<vmem>>, vector<16xf32>,
        %add3A_282 = arith.constant 10 : i32
        %add3A_283 = arith.addi %mul3A_103, %add3A_282 : i32
        %get3A_284 = arith.constant 1 : i32
        %get3A_285 = arith.index_cast %get3A_284 : i32 to index
        %get3A_286 = arith.index_cast %add3A_283 : i32 to index
        %get3A_287 = arith.constant 0 : index
        %get3A_288 = tpu.vector_load %arg10[%get3A_285, %get3A_286, %get3A_287] {strides = array<i32>} : memref<2x128x16xf32, #tpu.memory_space<vmem>>, vector<16xf32>,
        %slice3A_289 = vector.extract_strided_slice %get3A_101 {offsets = [10], sizes = [1], strides = [1]} : vector<16xf32> to vector<1xf32>
        %squeeze3A_290 = vector.extract %slice3A_289[0] : f32 from vector<1xf32>
        %mul3A_291 = vector.broadcast %squeeze3A_290 : f32 to vector<16xf32>
        %mul3A_292 = arith.mulf %get3A_288, %mul3A_291 : vector<16xf32>
        %add3A_293 = arith.constant 10 : i32
        %add3A_294 = arith.addi %mul3A_103, %add3A_293 : i32
        %swap3A_295 = arith.constant 1 : i32
        %swap3A_296 = arith.index_cast %swap3A_295 : i32 to index
        %swap3A_297 = arith.index_cast %add3A_294 : i32 to index
        %swap3A_298 = arith.constant 0 : index
        %swap3A_299 = tpu.vector_load %arg10[%swap3A_296, %swap3A_297, %swap3A_298] {strides = array<i32>} : memref<2x128x16xf32, #tpu.memory_space<vmem>>, vector<16xf32>,
        tpu.vector_store %arg10[%swap3A_296, %swap3A_297, %swap3A_298], %mul3A_292 {strides = array<i32>} : memref<2x128x16xf32, #tpu.memory_space<vmem>>, vector<16xf32>,
        %add3A_300 = arith.constant 11 : i32
        %add3A_301 = arith.addi %mul3A_103, %add3A_300 : i32
        %get3A_302 = arith.constant 1 : i32
        %get3A_303 = arith.index_cast %get3A_302 : i32 to index
        %get3A_304 = arith.index_cast %add3A_301 : i32 to index
        %get3A_305 = arith.constant 0 : index
        %get3A_306 = tpu.vector_load %arg10[%get3A_303, %get3A_304, %get3A_305] {strides = array<i32>} : memref<2x128x16xf32, #tpu.memory_space<vmem>>, vector<16xf32>,
        %slice3A_307 = vector.extract_strided_slice %get3A_101 {offsets = [11], sizes = [1], strides = [1]} : vector<16xf32> to vector<1xf32>
        %squeeze3A_308 = vector.extract %slice3A_307[0] : f32 from vector<1xf32>
        %mul3A_309 = vector.broadcast %squeeze3A_308 : f32 to vector<16xf32>
        %mul3A_310 = arith.mulf %get3A_306, %mul3A_309 : vector<16xf32>
        %add3A_311 = arith.constant 11 : i32
        %add3A_312 = arith.addi %mul3A_103, %add3A_311 : i32
        %swap3A_313 = arith.constant 1 : i32
        %swap3A_314 = arith.index_cast %swap3A_313 : i32 to index
        %swap3A_315 = arith.index_cast %add3A_312 : i32 to index
        %swap3A_316 = arith.constant 0 : index
        %swap3A_317 = tpu.vector_load %arg10[%swap3A_314, %swap3A_315, %swap3A_316] {strides = array<i32>} : memref<2x128x16xf32, #tpu.memory_space<vmem>>, vector<16xf32>,
        tpu.vector_store %arg10[%swap3A_314, %swap3A_315, %swap3A_316], %mul3A_310 {strides = array<i32>} : memref<2x128x16xf32, #tpu.memory_space<vmem>>, vector<16xf32>,
        %add3A_318 = arith.constant 12 : i32
        %add3A_319 = arith.addi %mul3A_103, %add3A_318 : i32
        %get3A_320 = arith.constant 1 : i32
        %get3A_321 = arith.index_cast %get3A_320 : i32 to index
        %get3A_322 = arith.index_cast %add3A_319 : i32 to index
        %get3A_323 = arith.constant 0 : index
        %get3A_324 = tpu.vector_load %arg10[%get3A_321, %get3A_322, %get3A_323] {strides = array<i32>} : memref<2x128x16xf32, #tpu.memory_space<vmem>>, vector<16xf32>,
        %slice3A_325 = vector.extract_strided_slice %get3A_101 {offsets = [12], sizes = [1], strides = [1]} : vector<16xf32> to vector<1xf32>
        %squeeze3A_326 = vector.extract %slice3A_325[0] : f32 from vector<1xf32>
        %mul3A_327 = vector.broadcast %squeeze3A_326 : f32 to vector<16xf32>
        %mul3A_328 = arith.mulf %get3A_324, %mul3A_327 : vector<16xf32>
        %add3A_329 = arith.constant 12 : i32
        %add3A_330 = arith.addi %mul3A_103, %add3A_329 : i32
        %swap3A_331 = arith.constant 1 : i32
        %swap3A_332 = arith.index_cast %swap3A_331 : i32 to index
        %swap3A_333 = arith.index_cast %add3A_330 : i32 to index
        %swap3A_334 = arith.constant 0 : index
        %swap3A_335 = tpu.vector_load %arg10[%swap3A_332, %swap3A_333, %swap3A_334] {strides = array<i32>} : memref<2x128x16xf32, #tpu.memory_space<vmem>>, vector<16xf32>,
        tpu.vector_store %arg10[%swap3A_332, %swap3A_333, %swap3A_334], %mul3A_328 {strides = array<i32>} : memref<2x128x16xf32, #tpu.memory_space<vmem>>, vector<16xf32>,
        %add3A_336 = arith.constant 13 : i32
        %add3A_337 = arith.addi %mul3A_103, %add3A_336 : i32
        %get3A_338 = arith.constant 1 : i32
        %get3A_339 = arith.index_cast %get3A_338 : i32 to index
        %get3A_340 = arith.index_cast %add3A_337 : i32 to index
        %get3A_341 = arith.constant 0 : index
        %get3A_342 = tpu.vector_load %arg10[%get3A_339, %get3A_340, %get3A_341] {strides = array<i32>} : memref<2x128x16xf32, #tpu.memory_space<vmem>>, vector<16xf32>,
        %slice3A_343 = vector.extract_strided_slice %get3A_101 {offsets = [13], sizes = [1], strides = [1]} : vector<16xf32> to vector<1xf32>
        %squeeze3A_344 = vector.extract %slice3A_343[0] : f32 from vector<1xf32>
        %mul3A_345 = vector.broadcast %squeeze3A_344 : f32 to vector<16xf32>
        %mul3A_346 = arith.mulf %get3A_342, %mul3A_345 : vector<16xf32>
        %add3A_347 = arith.constant 13 : i32
        %add3A_348 = arith.addi %mul3A_103, %add3A_347 : i32
        %swap3A_349 = arith.constant 1 : i32
        %swap3A_350 = arith.index_cast %swap3A_349 : i32 to index
        %swap3A_351 = arith.index_cast %add3A_348 : i32 to index
        %swap3A_352 = arith.constant 0 : index
        %swap3A_353 = tpu.vector_load %arg10[%swap3A_350, %swap3A_351, %swap3A_352] {strides = array<i32>} : memref<2x128x16xf32, #tpu.memory_space<vmem>>, vector<16xf32>,
        tpu.vector_store %arg10[%swap3A_350, %swap3A_351, %swap3A_352], %mul3A_346 {strides = array<i32>} : memref<2x128x16xf32, #tpu.memory_space<vmem>>, vector<16xf32>,
        %add3A_354 = arith.constant 14 : i32
        %add3A_355 = arith.addi %mul3A_103, %add3A_354 : i32
        %get3A_356 = arith.constant 1 : i32
        %get3A_357 = arith.index_cast %get3A_356 : i32 to index
        %get3A_358 = arith.index_cast %add3A_355 : i32 to index
        %get3A_359 = arith.constant 0 : index
        %get3A_360 = tpu.vector_load %arg10[%get3A_357, %get3A_358, %get3A_359] {strides = array<i32>} : memref<2x128x16xf32, #tpu.memory_space<vmem>>, vector<16xf32>,
        %slice3A_361 = vector.extract_strided_slice %get3A_101 {offsets = [14], sizes = [1], strides = [1]} : vector<16xf32> to vector<1xf32>
        %squeeze3A_362 = vector.extract %slice3A_361[0] : f32 from vector<1xf32>
        %mul3A_363 = vector.broadcast %squeeze3A_362 : f32 to vector<16xf32>
        %mul3A_364 = arith.mulf %get3A_360, %mul3A_363 : vector<16xf32>
        %add3A_365 = arith.constant 14 : i32
        %add3A_366 = arith.addi %mul3A_103, %add3A_365 : i32
        %swap3A_367 = arith.constant 1 : i32
        %swap3A_368 = arith.index_cast %swap3A_367 : i32 to index
        %swap3A_369 = arith.index_cast %add3A_366 : i32 to index
        %swap3A_370 = arith.constant 0 : index
        %swap3A_371 = tpu.vector_load %arg10[%swap3A_368, %swap3A_369, %swap3A_370] {strides = array<i32>} : memref<2x128x16xf32, #tpu.memory_space<vmem>>, vector<16xf32>,
        tpu.vector_store %arg10[%swap3A_368, %swap3A_369, %swap3A_370], %mul3A_364 {strides = array<i32>} : memref<2x128x16xf32, #tpu.memory_space<vmem>>, vector<16xf32>,
        %add3A_372 = arith.constant 15 : i32
        %add3A_373 = arith.addi %mul3A_103, %add3A_372 : i32
        %get3A_374 = arith.constant 1 : i32
        %get3A_375 = arith.index_cast %get3A_374 : i32 to index
        %get3A_376 = arith.index_cast %add3A_373 : i32 to index
        %get3A_377 = arith.constant 0 : index
        %get3A_378 = tpu.vector_load %arg10[%get3A_375, %get3A_376, %get3A_377] {strides = array<i32>} : memref<2x128x16xf32, #tpu.memory_space<vmem>>, vector<16xf32>,
        %slice3A_379 = vector.extract_strided_slice %get3A_101 {offsets = [15], sizes = [1], strides = [1]} : vector<16xf32> to vector<1xf32>
        %squeeze3A_380 = vector.extract %slice3A_379[0] : f32 from vector<1xf32>
        %mul3A_381 = vector.broadcast %squeeze3A_380 : f32 to vector<16xf32>
        %mul3A_382 = arith.mulf %get3A_378, %mul3A_381 : vector<16xf32>
        %add3A_383 = arith.constant 15 : i32
        %add3A_384 = arith.addi %mul3A_103, %add3A_383 : i32
        %swap3A_385 = arith.constant 1 : i32
        %swap3A_386 = arith.index_cast %swap3A_385 : i32 to index
        %swap3A_387 = arith.index_cast %add3A_384 : i32 to index
        %swap3A_388 = arith.constant 0 : index
        %swap3A_389 = tpu.vector_load %arg10[%swap3A_386, %swap3A_387, %swap3A_388] {strides = array<i32>} : memref<2x128x16xf32, #tpu.memory_space<vmem>>, vector<16xf32>,
        tpu.vector_store %arg10[%swap3A_386, %swap3A_387, %swap3A_388], %mul3A_382 {strides = array<i32>} : memref<2x128x16xf32, #tpu.memory_space<vmem>>, vector<16xf32>,
      }
      %scan3A_91 = arith.constant 8 : i32
      %run_scoped3A_92 = arith.constant 1 : i32
      "tpu.region"() ({
        %run_scoped3A_93 = tpu.sem_alloc : memref<!tpu.dma_semaphore, #tpu.memory_space<semaphore_mem>>
        %dma_start3A_94 = arith.constant 0 : i32
        %dma_start3A_95 = arith.constant 0 : i32
        %dma_start3A_96 = tpu.memref_slice %arg10[%run_scoped3A_92, %dma_start3A_94, %dma_start3A_95] : memref<2x128x16xf32, #tpu.memory_space<vmem>> -> memref<1x128x16xf32, #tpu.memory_space<vmem>>
        %dma_start3A_97 = tpu.memref_squeeze %dma_start3A_96 : memref<1x128x16xf32, #tpu.memory_space<vmem>> -> memref<128x16xf32, #tpu.memory_space<vmem>>
        %dma_start3A_98 = arith.constant 0 : i32
        %dma_start3A_99 = tpu.memref_slice %arg8[%add3A_68, %dma_start3A_98] : memref<82x128xi32, #tpu.memory_space<vmem>> -> memref<1x128xi32, #tpu.memory_space<vmem>>
        %dma_start3A_100 = tpu.memref_squeeze %dma_start3A_99 : memref<1x128xi32, #tpu.memory_space<vmem>> -> memref<128xi32, #tpu.memory_space<vmem>>
        %dma_start3A_101 = arith.constant 0 : i32
        %dma_start3A_102 = arith.constant 0 : i32
        %dma_start3A_103 = tpu.memref_slice %arg12[%dma_start3A_101, %dma_start3A_102] : memref<10000x16xf32, #tpu.memory_space<vmem_shared>> -> memref<10000x16xf32, #tpu.memory_space<vmem_shared>>
        tpu.enqueue_indirect_dma source(%dma_start3A_97 : memref<128x16xf32, #tpu.memory_space<vmem>>) target(%dma_start3A_103 : memref<10000x16xf32, #tpu.memory_space<vmem_shared>>) offsets(%dma_start3A_100 : memref<128xi32, #tpu.memory_space<vmem>>) semaphore(%run_scoped3A_93 : memref<!tpu.dma_semaphore, #tpu.memory_space<semaphore_mem>>) {add = true}
        %dma_wait3A_104 = arith.constant 0 : i32
        %dma_wait3A_105 = arith.constant 0 : i32
        %dma_wait3A_106 = tpu.memref_slice %arg10[%run_scoped3A_92, %dma_wait3A_104, %dma_wait3A_105] : memref<2x128x16xf32, #tpu.memory_space<vmem>> -> memref<1x128x16xf32, #tpu.memory_space<vmem>>
        %dma_wait3A_107 = tpu.memref_squeeze %dma_wait3A_106 : memref<1x128x16xf32, #tpu.memory_space<vmem>> -> memref<128x16xf32, #tpu.memory_space<vmem>>
        %dma_wait3A_108 = arith.constant 0 : i32
        %dma_wait3A_109 = tpu.memref_slice %arg8[%add3A_68, %dma_wait3A_108] : memref<82x128xi32, #tpu.memory_space<vmem>> -> memref<1x128xi32, #tpu.memory_space<vmem>>
        %dma_wait3A_110 = tpu.memref_squeeze %dma_wait3A_109 : memref<1x128xi32, #tpu.memory_space<vmem>> -> memref<128xi32, #tpu.memory_space<vmem>>
        %dma_wait3A_111 = arith.constant 0 : i32
        %dma_wait3A_112 = arith.constant 0 : i32
        %dma_wait3A_113 = tpu.memref_slice %arg12[%dma_wait3A_111, %dma_wait3A_112] : memref<10000x16xf32, #tpu.memory_space<vmem_shared>> -> memref<10000x16xf32, #tpu.memory_space<vmem_shared>>
        tpu.wait_indirect_dma semaphore(%run_scoped3A_93 : memref<!tpu.dma_semaphore, #tpu.memory_space<semaphore_mem>>) src(%dma_wait3A_107 : memref<128x16xf32, #tpu.memory_space<vmem>>) dst(%dma_wait3A_113 : memref<10000x16xf32, #tpu.memory_space<vmem_shared>>)
        tpu.yield
      }) : () -> ()
    }
    %scan3A_31 = arith.constant 41 : i32
    %barrier3A_32 = arith.constant 0 : index
    tpu.barrier barrier_id(%barrier3A_32)
    %mul3A_33 = arith.constant 625 : i32
    %mul3A_34 = arith.muli %arg1, %mul3A_33 : i32
    "tpu.region"() ({
      %run_scoped3A = tpu.sem_alloc : memref<!tpu.dma_semaphore, #tpu.memory_space<semaphore_mem>>
      %dma_start3A_37 = arith.constant 0 : i32
      %dma_start3A_38 = tpu.memref_slice %arg12[%mul3A_34, %dma_start3A_37] : memref<10000x16xf32, #tpu.memory_space<vmem_shared>> -> memref<625x16xf32, #tpu.memory_space<vmem_shared>>
      %dma_start3A_39 = arith.constant 0 : i32
      %dma_start3A_40 = tpu.memref_slice %arg12[%mul3A_34, %dma_start3A_39] : memref<10000x16xf32, #tpu.memory_space<vmem_shared>> -> memref<625x16xf32, #tpu.memory_space<vmem_shared>>
      tpu.enqueue_dma source(%dma_start3A_40 : memref<625x16xf32, #tpu.memory_space<vmem_shared>>) target(%arg11 : memref<625x16xf32, #tpu.memory_space<vmem>>) target_semaphore(%run_scoped3A : memref<!tpu.dma_semaphore, #tpu.memory_space<semaphore_mem>>)
      %dma_wait3A = arith.constant 0 : i32
      %dma_wait3A_41 = tpu.memref_slice %arg12[%mul3A_34, %dma_wait3A] : memref<10000x16xf32, #tpu.memory_space<vmem_shared>> -> memref<625x16xf32, #tpu.memory_space<vmem_shared>>
      %dma_wait3A_42 = arith.constant 0 : i32
      %dma_wait3A_43 = tpu.memref_slice %arg12[%mul3A_34, %dma_wait3A_42] : memref<10000x16xf32, #tpu.memory_space<vmem_shared>> -> memref<625x16xf32, #tpu.memory_space<vmem_shared>>
      tpu.wait_dma2 semaphore(%run_scoped3A : memref<!tpu.dma_semaphore, #tpu.memory_space<semaphore_mem>>) src(%dma_wait3A_43 : memref<625x16xf32, #tpu.memory_space<vmem_shared>>) dst(%arg11 : memref<625x16xf32, #tpu.memory_space<vmem>>)
      tpu.yield
    }) : () -> ()
    %mul3A_35 = arith.constant 625 : i32
    %mul3A_36 = arith.muli %arg1, %mul3A_35 : i32
    "tpu.region"() ({
      %run_scoped3A = tpu.sem_alloc : memref<!tpu.dma_semaphore, #tpu.memory_space<semaphore_mem>>
      %dma_start3A_37 = arith.constant 0 : i32
      %dma_start3A_38 = tpu.memref_slice %arg6[%arg0, %mul3A_36, %dma_start3A_37] : memref<2x10000x16xf32, #tpu.memory_space<hbm>> -> memref<1x625x16xf32, #tpu.memory_space<hbm>>
      %dma_start3A_39 = tpu.memref_squeeze %dma_start3A_38 : memref<1x625x16xf32, #tpu.memory_space<hbm>> -> memref<625x16xf32, #tpu.memory_space<hbm>>
      %dma_start3A_40 = arith.constant 0 : i32
      %dma_start3A_41 = tpu.memref_slice %arg6[%arg0, %mul3A_36, %dma_start3A_40] : memref<2x10000x16xf32, #tpu.memory_space<hbm>> -> memref<1x625x16xf32, #tpu.memory_space<hbm>>
      %dma_start3A_42 = tpu.memref_squeeze %dma_start3A_41 : memref<1x625x16xf32, #tpu.memory_space<hbm>> -> memref<625x16xf32, #tpu.memory_space<hbm>>
      tpu.enqueue_dma source(%arg11 : memref<625x16xf32, #tpu.memory_space<vmem>>) target(%dma_start3A_42 : memref<625x16xf32, #tpu.memory_space<hbm>>) target_semaphore(%run_scoped3A : memref<!tpu.dma_semaphore, #tpu.memory_space<semaphore_mem>>)
      %dma_wait3A = arith.constant 0 : i32
      %dma_wait3A_43 = tpu.memref_slice %arg6[%arg0, %mul3A_36, %dma_wait3A] : memref<2x10000x16xf32, #tpu.memory_space<hbm>> -> memref<1x625x16xf32, #tpu.memory_space<hbm>>
      %dma_wait3A_44 = tpu.memref_squeeze %dma_wait3A_43 : memref<1x625x16xf32, #tpu.memory_space<hbm>> -> memref<625x16xf32, #tpu.memory_space<hbm>>
      %dma_wait3A_45 = arith.constant 0 : i32
      %dma_wait3A_46 = tpu.memref_slice %arg6[%arg0, %mul3A_36, %dma_wait3A_45] : memref<2x10000x16xf32, #tpu.memory_space<hbm>> -> memref<1x625x16xf32, #tpu.memory_space<hbm>>
      %dma_wait3A_47 = tpu.memref_squeeze %dma_wait3A_46 : memref<1x625x16xf32, #tpu.memory_space<hbm>> -> memref<625x16xf32, #tpu.memory_space<hbm>>
      tpu.wait_dma2 semaphore(%run_scoped3A : memref<!tpu.dma_semaphore, #tpu.memory_space<semaphore_mem>>) src(%arg11 : memref<625x16xf32, #tpu.memory_space<vmem>>) dst(%dma_wait3A_47 : memref<625x16xf32, #tpu.memory_space<hbm>>)
      tpu.yield
    }) : () -> ()
    return
  }
}

#map = affine_map<(d0, d1) -> (0, 0, 0)>
#map1 = affine_map<(d0, d1) -> (0)>
#map2 = affine_map<(d0, d1) -> (0, 0)>
module attributes {stable_mosaic.version = 14 : i64} {
  func.func @_agg2_kernel(%arg0: i32, %arg1: i32, %arg2: memref<32x656x16xi32, #tpu.memory_space<hbm>>, %arg3: memref<32x656x16xi32, #tpu.memory_space<hbm>>, %arg4: memref<32x656x16xf32, #tpu.memory_space<hbm>>, %arg5: memref<10000xf32, #tpu.memory_space<hbm>>, %arg6: memref<32x10000xf32, #tpu.memory_space<hbm>>, %arg7: memref<656x16xi32, #tpu.memory_space<vmem>>, %arg8: memref<656x16xi32, #tpu.memory_space<vmem>>, %arg9: memref<656x16xf32, #tpu.memory_space<vmem>>, %arg10: memref<10000xf32, #tpu.memory_space<vmem>>, %arg11: memref<10000xf32, #tpu.memory_space<vmem>>) attributes {dimension_semantics = [#tpu.dimension_semantics<core_parallel>, #tpu.dimension_semantics<subcore_parallel>], iteration_bounds = array<i64: 2, 16>, scalar_prefetch = 0 : i64, scratch_operands = 5 : i64, tpu.core_type = #tpu.core_type<sc_vector_subcore>, window_params = [{transform_indices = #map}, {transform_indices = #map}, {transform_indices = #map}, {transform_indices = #map1}, {transform_indices = #map2}]} {
    %mul3A = arith.constant 16 : i32
    %mul3A_0 = arith.muli %arg0, %mul3A : i32
    %add3A = arith.addi %mul3A_0, %arg1 : i32
    %scan3A = arith.constant 0 : i32
    %scan3A_1 = arith.constant 624 : i32
    %scan3A_2 = arith.addi %scan3A, %scan3A_1 : i32
    %scan3A_3 = arith.constant 8 : i32
    scf.for %scan3A_20 = %scan3A to %scan3A_2 step %scan3A_3  : i32 {
      %mul3A_21 = arith.constant 1 : i32
      %mul3A_22 = arith.muli %scan3A_20, %mul3A_21 : i32
      %add3A_23 = arith.constant 0 : i32
      %add3A_24 = arith.addi %add3A_23, %mul3A_22 : i32
      %broadcast_in_dim3A_25 = arith.constant 0.000000e+00 : f32
      %broadcast_in_dim3A_26 = vector.broadcast %broadcast_in_dim3A_25 : f32 to vector<16xf32>
      %mul3A_27 = arith.constant 16 : i32
      %mul3A_28 = arith.muli %add3A_24, %mul3A_27 : i32
      %swap3A_29 = arith.index_cast %mul3A_28 : i32 to index
      %swap3A_30 = tpu.vector_load %arg11[%swap3A_29] {strides = array<i32>} : memref<10000xf32, #tpu.memory_space<vmem>>, vector<16xf32>,
      tpu.vector_store %arg11[%swap3A_29], %broadcast_in_dim3A_26 {strides = array<i32>} : memref<10000xf32, #tpu.memory_space<vmem>>, vector<16xf32>,
      %scan3A_31 = arith.constant 1 : i32
      %scan3A_32 = arith.addi %scan3A_20, %scan3A_31 : i32
      %mul3A_33 = arith.constant 1 : i32
      %mul3A_34 = arith.muli %scan3A_32, %mul3A_33 : i32
      %add3A_35 = arith.constant 0 : i32
      %add3A_36 = arith.addi %add3A_35, %mul3A_34 : i32
      %broadcast_in_dim3A_37 = arith.constant 0.000000e+00 : f32
      %broadcast_in_dim3A_38 = vector.broadcast %broadcast_in_dim3A_37 : f32 to vector<16xf32>
      %mul3A_39 = arith.constant 16 : i32
      %mul3A_40 = arith.muli %add3A_36, %mul3A_39 : i32
      %swap3A_41 = arith.index_cast %mul3A_40 : i32 to index
      %swap3A_42 = tpu.vector_load %arg11[%swap3A_41] {strides = array<i32>} : memref<10000xf32, #tpu.memory_space<vmem>>, vector<16xf32>,
      tpu.vector_store %arg11[%swap3A_41], %broadcast_in_dim3A_38 {strides = array<i32>} : memref<10000xf32, #tpu.memory_space<vmem>>, vector<16xf32>,
      %scan3A_43 = arith.constant 2 : i32
      %scan3A_44 = arith.addi %scan3A_20, %scan3A_43 : i32
      %mul3A_45 = arith.constant 1 : i32
      %mul3A_46 = arith.muli %scan3A_44, %mul3A_45 : i32
      %add3A_47 = arith.constant 0 : i32
      %add3A_48 = arith.addi %add3A_47, %mul3A_46 : i32
      %broadcast_in_dim3A_49 = arith.constant 0.000000e+00 : f32
      %broadcast_in_dim3A_50 = vector.broadcast %broadcast_in_dim3A_49 : f32 to vector<16xf32>
      %mul3A_51 = arith.constant 16 : i32
      %mul3A_52 = arith.muli %add3A_48, %mul3A_51 : i32
      %swap3A_53 = arith.index_cast %mul3A_52 : i32 to index
      %swap3A_54 = tpu.vector_load %arg11[%swap3A_53] {strides = array<i32>} : memref<10000xf32, #tpu.memory_space<vmem>>, vector<16xf32>,
      tpu.vector_store %arg11[%swap3A_53], %broadcast_in_dim3A_50 {strides = array<i32>} : memref<10000xf32, #tpu.memory_space<vmem>>, vector<16xf32>,
      %scan3A_55 = arith.constant 3 : i32
      %scan3A_56 = arith.addi %scan3A_20, %scan3A_55 : i32
      %mul3A_57 = arith.constant 1 : i32
      %mul3A_58 = arith.muli %scan3A_56, %mul3A_57 : i32
      %add3A_59 = arith.constant 0 : i32
      %add3A_60 = arith.addi %add3A_59, %mul3A_58 : i32
      %broadcast_in_dim3A_61 = arith.constant 0.000000e+00 : f32
      %broadcast_in_dim3A_62 = vector.broadcast %broadcast_in_dim3A_61 : f32 to vector<16xf32>
      %mul3A_63 = arith.constant 16 : i32
      %mul3A_64 = arith.muli %add3A_60, %mul3A_63 : i32
      %swap3A_65 = arith.index_cast %mul3A_64 : i32 to index
      %swap3A_66 = tpu.vector_load %arg11[%swap3A_65] {strides = array<i32>} : memref<10000xf32, #tpu.memory_space<vmem>>, vector<16xf32>,
      tpu.vector_store %arg11[%swap3A_65], %broadcast_in_dim3A_62 {strides = array<i32>} : memref<10000xf32, #tpu.memory_space<vmem>>, vector<16xf32>,
      %scan3A_67 = arith.constant 4 : i32
      %scan3A_68 = arith.addi %scan3A_20, %scan3A_67 : i32
      %mul3A_69 = arith.constant 1 : i32
      %mul3A_70 = arith.muli %scan3A_68, %mul3A_69 : i32
      %add3A_71 = arith.constant 0 : i32
      %add3A_72 = arith.addi %add3A_71, %mul3A_70 : i32
      %broadcast_in_dim3A_73 = arith.constant 0.000000e+00 : f32
      %broadcast_in_dim3A_74 = vector.broadcast %broadcast_in_dim3A_73 : f32 to vector<16xf32>
      %mul3A_75 = arith.constant 16 : i32
      %mul3A_76 = arith.muli %add3A_72, %mul3A_75 : i32
      %swap3A_77 = arith.index_cast %mul3A_76 : i32 to index
      %swap3A_78 = tpu.vector_load %arg11[%swap3A_77] {strides = array<i32>} : memref<10000xf32, #tpu.memory_space<vmem>>, vector<16xf32>,
      tpu.vector_store %arg11[%swap3A_77], %broadcast_in_dim3A_74 {strides = array<i32>} : memref<10000xf32, #tpu.memory_space<vmem>>, vector<16xf32>,
      %scan3A_79 = arith.constant 5 : i32
      %scan3A_80 = arith.addi %scan3A_20, %scan3A_79 : i32
      %mul3A_81 = arith.constant 1 : i32
      %mul3A_82 = arith.muli %scan3A_80, %mul3A_81 : i32
      %add3A_83 = arith.constant 0 : i32
      %add3A_84 = arith.addi %add3A_83, %mul3A_82 : i32
      %broadcast_in_dim3A_85 = arith.constant 0.000000e+00 : f32
      %broadcast_in_dim3A_86 = vector.broadcast %broadcast_in_dim3A_85 : f32 to vector<16xf32>
      %mul3A_87 = arith.constant 16 : i32
      %mul3A_88 = arith.muli %add3A_84, %mul3A_87 : i32
      %swap3A_89 = arith.index_cast %mul3A_88 : i32 to index
      %swap3A_90 = tpu.vector_load %arg11[%swap3A_89] {strides = array<i32>} : memref<10000xf32, #tpu.memory_space<vmem>>, vector<16xf32>,
      tpu.vector_store %arg11[%swap3A_89], %broadcast_in_dim3A_86 {strides = array<i32>} : memref<10000xf32, #tpu.memory_space<vmem>>, vector<16xf32>,
      %scan3A_91 = arith.constant 6 : i32
      %scan3A_92 = arith.addi %scan3A_20, %scan3A_91 : i32
      %mul3A_93 = arith.constant 1 : i32
      %mul3A_94 = arith.muli %scan3A_92, %mul3A_93 : i32
      %add3A_95 = arith.constant 0 : i32
      %add3A_96 = arith.addi %add3A_95, %mul3A_94 : i32
      %broadcast_in_dim3A_97 = arith.constant 0.000000e+00 : f32
      %broadcast_in_dim3A_98 = vector.broadcast %broadcast_in_dim3A_97 : f32 to vector<16xf32>
      %mul3A_99 = arith.constant 16 : i32
      %mul3A_100 = arith.muli %add3A_96, %mul3A_99 : i32
      %swap3A_101 = arith.index_cast %mul3A_100 : i32 to index
      %swap3A_102 = tpu.vector_load %arg11[%swap3A_101] {strides = array<i32>} : memref<10000xf32, #tpu.memory_space<vmem>>, vector<16xf32>,
      tpu.vector_store %arg11[%swap3A_101], %broadcast_in_dim3A_98 {strides = array<i32>} : memref<10000xf32, #tpu.memory_space<vmem>>, vector<16xf32>,
      %scan3A_103 = arith.constant 7 : i32
      %scan3A_104 = arith.addi %scan3A_20, %scan3A_103 : i32
      %mul3A_105 = arith.constant 1 : i32
      %mul3A_106 = arith.muli %scan3A_104, %mul3A_105 : i32
      %add3A_107 = arith.constant 0 : i32
      %add3A_108 = arith.addi %add3A_107, %mul3A_106 : i32
      %broadcast_in_dim3A_109 = arith.constant 0.000000e+00 : f32
      %broadcast_in_dim3A_110 = vector.broadcast %broadcast_in_dim3A_109 : f32 to vector<16xf32>
      %mul3A_111 = arith.constant 16 : i32
      %mul3A_112 = arith.muli %add3A_108, %mul3A_111 : i32
      %swap3A_113 = arith.index_cast %mul3A_112 : i32 to index
      %swap3A_114 = tpu.vector_load %arg11[%swap3A_113] {strides = array<i32>} : memref<10000xf32, #tpu.memory_space<vmem>>, vector<16xf32>,
      tpu.vector_store %arg11[%swap3A_113], %broadcast_in_dim3A_110 {strides = array<i32>} : memref<10000xf32, #tpu.memory_space<vmem>>, vector<16xf32>,
    }
    %scan3A_4 = arith.constant 624 : i32
    %scan3A_5 = arith.addi %scan3A, %scan3A_4 : i32
    %mul3A_6 = arith.constant 1 : i32
    %mul3A_7 = arith.muli %scan3A_5, %mul3A_6 : i32
    %add3A_8 = arith.constant 0 : i32
    %add3A_9 = arith.addi %add3A_8, %mul3A_7 : i32
    %broadcast_in_dim3A = arith.constant 0.000000e+00 : f32
    %broadcast_in_dim3A_10 = vector.broadcast %broadcast_in_dim3A : f32 to vector<16xf32>
    %mul3A_11 = arith.constant 16 : i32
    %mul3A_12 = arith.muli %add3A_9, %mul3A_11 : i32
    %swap3A = arith.index_cast %mul3A_12 : i32 to index
    %swap3A_13 = tpu.vector_load %arg11[%swap3A] {strides = array<i32>} : memref<10000xf32, #tpu.memory_space<vmem>>, vector<16xf32>,
    tpu.vector_store %arg11[%swap3A], %broadcast_in_dim3A_10 {strides = array<i32>} : memref<10000xf32, #tpu.memory_space<vmem>>, vector<16xf32>,
    %scan3A_14 = arith.constant 625 : i32
    "tpu.region"() ({
      %run_scoped3A = tpu.sem_alloc : memref<!tpu.dma_semaphore, #tpu.memory_space<semaphore_mem>>
      tpu.enqueue_dma source(%arg5 : memref<10000xf32, #tpu.memory_space<hbm>>) target(%arg10 : memref<10000xf32, #tpu.memory_space<vmem>>) target_semaphore(%run_scoped3A : memref<!tpu.dma_semaphore, #tpu.memory_space<semaphore_mem>>)
      tpu.wait_dma2 semaphore(%run_scoped3A : memref<!tpu.dma_semaphore, #tpu.memory_space<semaphore_mem>>) src(%arg5 : memref<10000xf32, #tpu.memory_space<hbm>>) dst(%arg10 : memref<10000xf32, #tpu.memory_space<vmem>>)
      tpu.yield
    }) : () -> ()
    "tpu.region"() ({
      %run_scoped3A = tpu.sem_alloc : memref<!tpu.dma_semaphore, #tpu.memory_space<semaphore_mem>>
      %dma_start3A = arith.constant 0 : i32
      %dma_start3A_20 = arith.constant 0 : i32
      %dma_start3A_21 = tpu.memref_slice %arg2[%add3A, %dma_start3A, %dma_start3A_20] : memref<32x656x16xi32, #tpu.memory_space<hbm>> -> memref<1x656x16xi32, #tpu.memory_space<hbm>>
      %dma_start3A_22 = tpu.memref_squeeze %dma_start3A_21 : memref<1x656x16xi32, #tpu.memory_space<hbm>> -> memref<656x16xi32, #tpu.memory_space<hbm>>
      %dma_start3A_23 = arith.constant 0 : i32
      %dma_start3A_24 = arith.constant 0 : i32
      %dma_start3A_25 = tpu.memref_slice %arg2[%add3A, %dma_start3A_23, %dma_start3A_24] : memref<32x656x16xi32, #tpu.memory_space<hbm>> -> memref<1x656x16xi32, #tpu.memory_space<hbm>>
      %dma_start3A_26 = tpu.memref_squeeze %dma_start3A_25 : memref<1x656x16xi32, #tpu.memory_space<hbm>> -> memref<656x16xi32, #tpu.memory_space<hbm>>
      tpu.enqueue_dma source(%dma_start3A_26 : memref<656x16xi32, #tpu.memory_space<hbm>>) target(%arg7 : memref<656x16xi32, #tpu.memory_space<vmem>>) target_semaphore(%run_scoped3A : memref<!tpu.dma_semaphore, #tpu.memory_space<semaphore_mem>>)
      %dma_wait3A = arith.constant 0 : i32
      %dma_wait3A_27 = arith.constant 0 : i32
      %dma_wait3A_28 = tpu.memref_slice %arg2[%add3A, %dma_wait3A, %dma_wait3A_27] : memref<32x656x16xi32, #tpu.memory_space<hbm>> -> memref<1x656x16xi32, #tpu.memory_space<hbm>>
      %dma_wait3A_29 = tpu.memref_squeeze %dma_wait3A_28 : memref<1x656x16xi32, #tpu.memory_space<hbm>> -> memref<656x16xi32, #tpu.memory_space<hbm>>
      %dma_wait3A_30 = arith.constant 0 : i32
      %dma_wait3A_31 = arith.constant 0 : i32
      %dma_wait3A_32 = tpu.memref_slice %arg2[%add3A, %dma_wait3A_30, %dma_wait3A_31] : memref<32x656x16xi32, #tpu.memory_space<hbm>> -> memref<1x656x16xi32, #tpu.memory_space<hbm>>
      %dma_wait3A_33 = tpu.memref_squeeze %dma_wait3A_32 : memref<1x656x16xi32, #tpu.memory_space<hbm>> -> memref<656x16xi32, #tpu.memory_space<hbm>>
      tpu.wait_dma2 semaphore(%run_scoped3A : memref<!tpu.dma_semaphore, #tpu.memory_space<semaphore_mem>>) src(%dma_wait3A_33 : memref<656x16xi32, #tpu.memory_space<hbm>>) dst(%arg7 : memref<656x16xi32, #tpu.memory_space<vmem>>)
      tpu.yield
    }) : () -> ()
    "tpu.region"() ({
      %run_scoped3A = tpu.sem_alloc : memref<!tpu.dma_semaphore, #tpu.memory_space<semaphore_mem>>
      %dma_start3A = arith.constant 0 : i32
      %dma_start3A_20 = arith.constant 0 : i32
      %dma_start3A_21 = tpu.memref_slice %arg3[%add3A, %dma_start3A, %dma_start3A_20] : memref<32x656x16xi32, #tpu.memory_space<hbm>> -> memref<1x656x16xi32, #tpu.memory_space<hbm>>
      %dma_start3A_22 = tpu.memref_squeeze %dma_start3A_21 : memref<1x656x16xi32, #tpu.memory_space<hbm>> -> memref<656x16xi32, #tpu.memory_space<hbm>>
      %dma_start3A_23 = arith.constant 0 : i32
      %dma_start3A_24 = arith.constant 0 : i32
      %dma_start3A_25 = tpu.memref_slice %arg3[%add3A, %dma_start3A_23, %dma_start3A_24] : memref<32x656x16xi32, #tpu.memory_space<hbm>> -> memref<1x656x16xi32, #tpu.memory_space<hbm>>
      %dma_start3A_26 = tpu.memref_squeeze %dma_start3A_25 : memref<1x656x16xi32, #tpu.memory_space<hbm>> -> memref<656x16xi32, #tpu.memory_space<hbm>>
      tpu.enqueue_dma source(%dma_start3A_26 : memref<656x16xi32, #tpu.memory_space<hbm>>) target(%arg8 : memref<656x16xi32, #tpu.memory_space<vmem>>) target_semaphore(%run_scoped3A : memref<!tpu.dma_semaphore, #tpu.memory_space<semaphore_mem>>)
      %dma_wait3A = arith.constant 0 : i32
      %dma_wait3A_27 = arith.constant 0 : i32
      %dma_wait3A_28 = tpu.memref_slice %arg3[%add3A, %dma_wait3A, %dma_wait3A_27] : memref<32x656x16xi32, #tpu.memory_space<hbm>> -> memref<1x656x16xi32, #tpu.memory_space<hbm>>
      %dma_wait3A_29 = tpu.memref_squeeze %dma_wait3A_28 : memref<1x656x16xi32, #tpu.memory_space<hbm>> -> memref<656x16xi32, #tpu.memory_space<hbm>>
      %dma_wait3A_30 = arith.constant 0 : i32
      %dma_wait3A_31 = arith.constant 0 : i32
      %dma_wait3A_32 = tpu.memref_slice %arg3[%add3A, %dma_wait3A_30, %dma_wait3A_31] : memref<32x656x16xi32, #tpu.memory_space<hbm>> -> memref<1x656x16xi32, #tpu.memory_space<hbm>>
      %dma_wait3A_33 = tpu.memref_squeeze %dma_wait3A_32 : memref<1x656x16xi32, #tpu.memory_space<hbm>> -> memref<656x16xi32, #tpu.memory_space<hbm>>
      tpu.wait_dma2 semaphore(%run_scoped3A : memref<!tpu.dma_semaphore, #tpu.memory_space<semaphore_mem>>) src(%dma_wait3A_33 : memref<656x16xi32, #tpu.memory_space<hbm>>) dst(%arg8 : memref<656x16xi32, #tpu.memory_space<vmem>>)
      tpu.yield
    }) : () -> ()
    "tpu.region"() ({
      %run_scoped3A = tpu.sem_alloc : memref<!tpu.dma_semaphore, #tpu.memory_space<semaphore_mem>>
      %dma_start3A = arith.constant 0 : i32
      %dma_start3A_20 = arith.constant 0 : i32
      %dma_start3A_21 = tpu.memref_slice %arg4[%add3A, %dma_start3A, %dma_start3A_20] : memref<32x656x16xf32, #tpu.memory_space<hbm>> -> memref<1x656x16xf32, #tpu.memory_space<hbm>>
      %dma_start3A_22 = tpu.memref_squeeze %dma_start3A_21 : memref<1x656x16xf32, #tpu.memory_space<hbm>> -> memref<656x16xf32, #tpu.memory_space<hbm>>
      %dma_start3A_23 = arith.constant 0 : i32
      %dma_start3A_24 = arith.constant 0 : i32
      %dma_start3A_25 = tpu.memref_slice %arg4[%add3A, %dma_start3A_23, %dma_start3A_24] : memref<32x656x16xf32, #tpu.memory_space<hbm>> -> memref<1x656x16xf32, #tpu.memory_space<hbm>>
      %dma_start3A_26 = tpu.memref_squeeze %dma_start3A_25 : memref<1x656x16xf32, #tpu.memory_space<hbm>> -> memref<656x16xf32, #tpu.memory_space<hbm>>
      tpu.enqueue_dma source(%dma_start3A_26 : memref<656x16xf32, #tpu.memory_space<hbm>>) target(%arg9 : memref<656x16xf32, #tpu.memory_space<vmem>>) target_semaphore(%run_scoped3A : memref<!tpu.dma_semaphore, #tpu.memory_space<semaphore_mem>>)
      %dma_wait3A = arith.constant 0 : i32
      %dma_wait3A_27 = arith.constant 0 : i32
      %dma_wait3A_28 = tpu.memref_slice %arg4[%add3A, %dma_wait3A, %dma_wait3A_27] : memref<32x656x16xf32, #tpu.memory_space<hbm>> -> memref<1x656x16xf32, #tpu.memory_space<hbm>>
      %dma_wait3A_29 = tpu.memref_squeeze %dma_wait3A_28 : memref<1x656x16xf32, #tpu.memory_space<hbm>> -> memref<656x16xf32, #tpu.memory_space<hbm>>
      %dma_wait3A_30 = arith.constant 0 : i32
      %dma_wait3A_31 = arith.constant 0 : i32
      %dma_wait3A_32 = tpu.memref_slice %arg4[%add3A, %dma_wait3A_30, %dma_wait3A_31] : memref<32x656x16xf32, #tpu.memory_space<hbm>> -> memref<1x656x16xf32, #tpu.memory_space<hbm>>
      %dma_wait3A_33 = tpu.memref_squeeze %dma_wait3A_32 : memref<1x656x16xf32, #tpu.memory_space<hbm>> -> memref<656x16xf32, #tpu.memory_space<hbm>>
      tpu.wait_dma2 semaphore(%run_scoped3A : memref<!tpu.dma_semaphore, #tpu.memory_space<semaphore_mem>>) src(%dma_wait3A_33 : memref<656x16xf32, #tpu.memory_space<hbm>>) dst(%arg9 : memref<656x16xf32, #tpu.memory_space<vmem>>)
      tpu.yield
    }) : () -> ()
    %scan3A_15 = arith.constant 0 : i32
    %scan3A_16 = arith.constant 656 : i32
    %scan3A_17 = arith.addi %scan3A_15, %scan3A_16 : i32
    %scan3A_18 = arith.constant 4 : i32
    scf.for %scan3A_20 = %scan3A_15 to %scan3A_17 step %scan3A_18  : i32 {
      %mul3A_21 = arith.constant 1 : i32
      %mul3A_22 = arith.muli %scan3A_20, %mul3A_21 : i32
      %add3A_23 = arith.constant 0 : i32
      %add3A_24 = arith.addi %add3A_23, %mul3A_22 : i32
      %get3A = arith.index_cast %add3A_24 : i32 to index
      %get3A_25 = arith.constant 0 : index
      %get3A_26 = tpu.vector_load %arg7[%get3A, %get3A_25] {strides = array<i32>} : memref<656x16xi32, #tpu.memory_space<vmem>>, vector<16xi32>,
      %get3A_27 = arith.index_cast %add3A_24 : i32 to index
      %get3A_28 = arith.constant 0 : index
      %get3A_29 = tpu.vector_load %arg8[%get3A_27, %get3A_28] {strides = array<i32>} : memref<656x16xi32, #tpu.memory_space<vmem>>, vector<16xi32>,
      %get3A_30 = arith.index_cast %add3A_24 : i32 to index
      %get3A_31 = arith.constant 0 : index
      %get3A_32 = tpu.vector_load %arg9[%get3A_30, %get3A_31] {strides = array<i32>} : memref<656x16xf32, #tpu.memory_space<vmem>>, vector<16xf32>,
      %gather3A = tpu.vector_load_idx %arg10[%get3A_26] : memref<10000xf32, #tpu.memory_space<vmem>>[vector<16xi32>], vector<16xf32>,
      %mul3A_33 = arith.mulf %get3A_32, %gather3A : vector<16xf32>
      tpu.vector_store_idx %arg11[%get3A_29], %mul3A_33 {add = true} : memref<10000xf32, #tpu.memory_space<vmem>>[vector<16xi32>], vector<16xf32>,
      %scan3A_34 = arith.constant 1 : i32
      %scan3A_35 = arith.addi %scan3A_20, %scan3A_34 : i32
      %mul3A_36 = arith.constant 1 : i32
      %mul3A_37 = arith.muli %scan3A_35, %mul3A_36 : i32
      %add3A_38 = arith.constant 0 : i32
      %add3A_39 = arith.addi %add3A_38, %mul3A_37 : i32
      %get3A_40 = arith.index_cast %add3A_39 : i32 to index
      %get3A_41 = arith.constant 0 : index
      %get3A_42 = tpu.vector_load %arg7[%get3A_40, %get3A_41] {strides = array<i32>} : memref<656x16xi32, #tpu.memory_space<vmem>>, vector<16xi32>,
      %get3A_43 = arith.index_cast %add3A_39 : i32 to index
      %get3A_44 = arith.constant 0 : index
      %get3A_45 = tpu.vector_load %arg8[%get3A_43, %get3A_44] {strides = array<i32>} : memref<656x16xi32, #tpu.memory_space<vmem>>, vector<16xi32>,
      %get3A_46 = arith.index_cast %add3A_39 : i32 to index
      %get3A_47 = arith.constant 0 : index
      %get3A_48 = tpu.vector_load %arg9[%get3A_46, %get3A_47] {strides = array<i32>} : memref<656x16xf32, #tpu.memory_space<vmem>>, vector<16xf32>,
      %gather3A_49 = tpu.vector_load_idx %arg10[%get3A_42] : memref<10000xf32, #tpu.memory_space<vmem>>[vector<16xi32>], vector<16xf32>,
      %mul3A_50 = arith.mulf %get3A_48, %gather3A_49 : vector<16xf32>
      tpu.vector_store_idx %arg11[%get3A_45], %mul3A_50 {add = true} : memref<10000xf32, #tpu.memory_space<vmem>>[vector<16xi32>], vector<16xf32>,
      %scan3A_51 = arith.constant 2 : i32
      %scan3A_52 = arith.addi %scan3A_20, %scan3A_51 : i32
      %mul3A_53 = arith.constant 1 : i32
      %mul3A_54 = arith.muli %scan3A_52, %mul3A_53 : i32
      %add3A_55 = arith.constant 0 : i32
      %add3A_56 = arith.addi %add3A_55, %mul3A_54 : i32
      %get3A_57 = arith.index_cast %add3A_56 : i32 to index
      %get3A_58 = arith.constant 0 : index
      %get3A_59 = tpu.vector_load %arg7[%get3A_57, %get3A_58] {strides = array<i32>} : memref<656x16xi32, #tpu.memory_space<vmem>>, vector<16xi32>,
      %get3A_60 = arith.index_cast %add3A_56 : i32 to index
      %get3A_61 = arith.constant 0 : index
      %get3A_62 = tpu.vector_load %arg8[%get3A_60, %get3A_61] {strides = array<i32>} : memref<656x16xi32, #tpu.memory_space<vmem>>, vector<16xi32>,
      %get3A_63 = arith.index_cast %add3A_56 : i32 to index
      %get3A_64 = arith.constant 0 : index
      %get3A_65 = tpu.vector_load %arg9[%get3A_63, %get3A_64] {strides = array<i32>} : memref<656x16xf32, #tpu.memory_space<vmem>>, vector<16xf32>,
      %gather3A_66 = tpu.vector_load_idx %arg10[%get3A_59] : memref<10000xf32, #tpu.memory_space<vmem>>[vector<16xi32>], vector<16xf32>,
      %mul3A_67 = arith.mulf %get3A_65, %gather3A_66 : vector<16xf32>
      tpu.vector_store_idx %arg11[%get3A_62], %mul3A_67 {add = true} : memref<10000xf32, #tpu.memory_space<vmem>>[vector<16xi32>], vector<16xf32>,
      %scan3A_68 = arith.constant 3 : i32
      %scan3A_69 = arith.addi %scan3A_20, %scan3A_68 : i32
      %mul3A_70 = arith.constant 1 : i32
      %mul3A_71 = arith.muli %scan3A_69, %mul3A_70 : i32
      %add3A_72 = arith.constant 0 : i32
      %add3A_73 = arith.addi %add3A_72, %mul3A_71 : i32
      %get3A_74 = arith.index_cast %add3A_73 : i32 to index
      %get3A_75 = arith.constant 0 : index
      %get3A_76 = tpu.vector_load %arg7[%get3A_74, %get3A_75] {strides = array<i32>} : memref<656x16xi32, #tpu.memory_space<vmem>>, vector<16xi32>,
      %get3A_77 = arith.index_cast %add3A_73 : i32 to index
      %get3A_78 = arith.constant 0 : index
      %get3A_79 = tpu.vector_load %arg8[%get3A_77, %get3A_78] {strides = array<i32>} : memref<656x16xi32, #tpu.memory_space<vmem>>, vector<16xi32>,
      %get3A_80 = arith.index_cast %add3A_73 : i32 to index
      %get3A_81 = arith.constant 0 : index
      %get3A_82 = tpu.vector_load %arg9[%get3A_80, %get3A_81] {strides = array<i32>} : memref<656x16xf32, #tpu.memory_space<vmem>>, vector<16xf32>,
      %gather3A_83 = tpu.vector_load_idx %arg10[%get3A_76] : memref<10000xf32, #tpu.memory_space<vmem>>[vector<16xi32>], vector<16xf32>,
      %mul3A_84 = arith.mulf %get3A_82, %gather3A_83 : vector<16xf32>
      tpu.vector_store_idx %arg11[%get3A_79], %mul3A_84 {add = true} : memref<10000xf32, #tpu.memory_space<vmem>>[vector<16xi32>], vector<16xf32>,
    }
    %scan3A_19 = arith.constant 656 : i32
    "tpu.region"() ({
      %run_scoped3A = tpu.sem_alloc : memref<!tpu.dma_semaphore, #tpu.memory_space<semaphore_mem>>
      %dma_start3A = arith.constant 0 : i32
      %dma_start3A_20 = tpu.memref_slice %arg6[%add3A, %dma_start3A] : memref<32x10000xf32, #tpu.memory_space<hbm>> -> memref<1x10000xf32, #tpu.memory_space<hbm>>
      %dma_start3A_21 = tpu.memref_squeeze %dma_start3A_20 : memref<1x10000xf32, #tpu.memory_space<hbm>> -> memref<10000xf32, #tpu.memory_space<hbm>>
      %dma_start3A_22 = arith.constant 0 : i32
      %dma_start3A_23 = tpu.memref_slice %arg6[%add3A, %dma_start3A_22] : memref<32x10000xf32, #tpu.memory_space<hbm>> -> memref<1x10000xf32, #tpu.memory_space<hbm>>
      %dma_start3A_24 = tpu.memref_squeeze %dma_start3A_23 : memref<1x10000xf32, #tpu.memory_space<hbm>> -> memref<10000xf32, #tpu.memory_space<hbm>>
      tpu.enqueue_dma source(%arg11 : memref<10000xf32, #tpu.memory_space<vmem>>) target(%dma_start3A_24 : memref<10000xf32, #tpu.memory_space<hbm>>) target_semaphore(%run_scoped3A : memref<!tpu.dma_semaphore, #tpu.memory_space<semaphore_mem>>)
      %dma_wait3A = arith.constant 0 : i32
      %dma_wait3A_25 = tpu.memref_slice %arg6[%add3A, %dma_wait3A] : memref<32x10000xf32, #tpu.memory_space<hbm>> -> memref<1x10000xf32, #tpu.memory_space<hbm>>
      %dma_wait3A_26 = tpu.memref_squeeze %dma_wait3A_25 : memref<1x10000xf32, #tpu.memory_space<hbm>> -> memref<10000xf32, #tpu.memory_space<hbm>>
      %dma_wait3A_27 = arith.constant 0 : i32
      %dma_wait3A_28 = tpu.memref_slice %arg6[%add3A, %dma_wait3A_27] : memref<32x10000xf32, #tpu.memory_space<hbm>> -> memref<1x10000xf32, #tpu.memory_space<hbm>>
      %dma_wait3A_29 = tpu.memref_squeeze %dma_wait3A_28 : memref<1x10000xf32, #tpu.memory_space<hbm>> -> memref<10000xf32, #tpu.memory_space<hbm>>
      tpu.wait_dma2 semaphore(%run_scoped3A : memref<!tpu.dma_semaphore, #tpu.memory_space<semaphore_mem>>) src(%arg11 : memref<10000xf32, #tpu.memory_space<vmem>>) dst(%dma_wait3A_29 : memref<10000xf32, #tpu.memory_space<hbm>>)
      tpu.yield
    }) : () -> ()
    return
  }
}

#map = affine_map<(d0, d1) -> (0, 0, 0)>
#map1 = affine_map<(d0, d1) -> (0, 0)>
module attributes {stable_mosaic.version = 14 : i64} {
  func.func @_deg_kernel(%arg0: i32, %arg1: i32, %arg2: memref<32x656x16xi32, #tpu.memory_space<hbm>>, %arg3: memref<32x656x16xf32, #tpu.memory_space<hbm>>, %arg4: memref<32x10000xf32, #tpu.memory_space<hbm>>, %arg5: memref<656x16xi32, #tpu.memory_space<vmem>>, %arg6: memref<656x16xf32, #tpu.memory_space<vmem>>, %arg7: memref<10000xf32, #tpu.memory_space<vmem>>) attributes {dimension_semantics = [#tpu.dimension_semantics<core_parallel>, #tpu.dimension_semantics<subcore_parallel>], iteration_bounds = array<i64: 2, 16>, scalar_prefetch = 0 : i64, scratch_operands = 3 : i64, tpu.core_type = #tpu.core_type<sc_vector_subcore>, window_params = [{transform_indices = #map}, {transform_indices = #map}, {transform_indices = #map1}]} {
    %mul3A = arith.constant 16 : i32
    %mul3A_0 = arith.muli %arg0, %mul3A : i32
    %add3A = arith.addi %mul3A_0, %arg1 : i32
    %scan3A = arith.constant 0 : i32
    %scan3A_1 = arith.constant 624 : i32
    %scan3A_2 = arith.addi %scan3A, %scan3A_1 : i32
    %scan3A_3 = arith.constant 8 : i32
    scf.for %scan3A_20 = %scan3A to %scan3A_2 step %scan3A_3  : i32 {
      %mul3A_21 = arith.constant 1 : i32
      %mul3A_22 = arith.muli %scan3A_20, %mul3A_21 : i32
      %add3A_23 = arith.constant 0 : i32
      %add3A_24 = arith.addi %add3A_23, %mul3A_22 : i32
      %broadcast_in_dim3A_25 = arith.constant 0.000000e+00 : f32
      %broadcast_in_dim3A_26 = vector.broadcast %broadcast_in_dim3A_25 : f32 to vector<16xf32>
      %mul3A_27 = arith.constant 16 : i32
      %mul3A_28 = arith.muli %add3A_24, %mul3A_27 : i32
      %swap3A_29 = arith.index_cast %mul3A_28 : i32 to index
      %swap3A_30 = tpu.vector_load %arg7[%swap3A_29] {strides = array<i32>} : memref<10000xf32, #tpu.memory_space<vmem>>, vector<16xf32>,
      tpu.vector_store %arg7[%swap3A_29], %broadcast_in_dim3A_26 {strides = array<i32>} : memref<10000xf32, #tpu.memory_space<vmem>>, vector<16xf32>,
      %scan3A_31 = arith.constant 1 : i32
      %scan3A_32 = arith.addi %scan3A_20, %scan3A_31 : i32
      %mul3A_33 = arith.constant 1 : i32
      %mul3A_34 = arith.muli %scan3A_32, %mul3A_33 : i32
      %add3A_35 = arith.constant 0 : i32
      %add3A_36 = arith.addi %add3A_35, %mul3A_34 : i32
      %broadcast_in_dim3A_37 = arith.constant 0.000000e+00 : f32
      %broadcast_in_dim3A_38 = vector.broadcast %broadcast_in_dim3A_37 : f32 to vector<16xf32>
      %mul3A_39 = arith.constant 16 : i32
      %mul3A_40 = arith.muli %add3A_36, %mul3A_39 : i32
      %swap3A_41 = arith.index_cast %mul3A_40 : i32 to index
      %swap3A_42 = tpu.vector_load %arg7[%swap3A_41] {strides = array<i32>} : memref<10000xf32, #tpu.memory_space<vmem>>, vector<16xf32>,
      tpu.vector_store %arg7[%swap3A_41], %broadcast_in_dim3A_38 {strides = array<i32>} : memref<10000xf32, #tpu.memory_space<vmem>>, vector<16xf32>,
      %scan3A_43 = arith.constant 2 : i32
      %scan3A_44 = arith.addi %scan3A_20, %scan3A_43 : i32
      %mul3A_45 = arith.constant 1 : i32
      %mul3A_46 = arith.muli %scan3A_44, %mul3A_45 : i32
      %add3A_47 = arith.constant 0 : i32
      %add3A_48 = arith.addi %add3A_47, %mul3A_46 : i32
      %broadcast_in_dim3A_49 = arith.constant 0.000000e+00 : f32
      %broadcast_in_dim3A_50 = vector.broadcast %broadcast_in_dim3A_49 : f32 to vector<16xf32>
      %mul3A_51 = arith.constant 16 : i32
      %mul3A_52 = arith.muli %add3A_48, %mul3A_51 : i32
      %swap3A_53 = arith.index_cast %mul3A_52 : i32 to index
      %swap3A_54 = tpu.vector_load %arg7[%swap3A_53] {strides = array<i32>} : memref<10000xf32, #tpu.memory_space<vmem>>, vector<16xf32>,
      tpu.vector_store %arg7[%swap3A_53], %broadcast_in_dim3A_50 {strides = array<i32>} : memref<10000xf32, #tpu.memory_space<vmem>>, vector<16xf32>,
      %scan3A_55 = arith.constant 3 : i32
      %scan3A_56 = arith.addi %scan3A_20, %scan3A_55 : i32
      %mul3A_57 = arith.constant 1 : i32
      %mul3A_58 = arith.muli %scan3A_56, %mul3A_57 : i32
      %add3A_59 = arith.constant 0 : i32
      %add3A_60 = arith.addi %add3A_59, %mul3A_58 : i32
      %broadcast_in_dim3A_61 = arith.constant 0.000000e+00 : f32
      %broadcast_in_dim3A_62 = vector.broadcast %broadcast_in_dim3A_61 : f32 to vector<16xf32>
      %mul3A_63 = arith.constant 16 : i32
      %mul3A_64 = arith.muli %add3A_60, %mul3A_63 : i32
      %swap3A_65 = arith.index_cast %mul3A_64 : i32 to index
      %swap3A_66 = tpu.vector_load %arg7[%swap3A_65] {strides = array<i32>} : memref<10000xf32, #tpu.memory_space<vmem>>, vector<16xf32>,
      tpu.vector_store %arg7[%swap3A_65], %broadcast_in_dim3A_62 {strides = array<i32>} : memref<10000xf32, #tpu.memory_space<vmem>>, vector<16xf32>,
      %scan3A_67 = arith.constant 4 : i32
      %scan3A_68 = arith.addi %scan3A_20, %scan3A_67 : i32
      %mul3A_69 = arith.constant 1 : i32
      %mul3A_70 = arith.muli %scan3A_68, %mul3A_69 : i32
      %add3A_71 = arith.constant 0 : i32
      %add3A_72 = arith.addi %add3A_71, %mul3A_70 : i32
      %broadcast_in_dim3A_73 = arith.constant 0.000000e+00 : f32
      %broadcast_in_dim3A_74 = vector.broadcast %broadcast_in_dim3A_73 : f32 to vector<16xf32>
      %mul3A_75 = arith.constant 16 : i32
      %mul3A_76 = arith.muli %add3A_72, %mul3A_75 : i32
      %swap3A_77 = arith.index_cast %mul3A_76 : i32 to index
      %swap3A_78 = tpu.vector_load %arg7[%swap3A_77] {strides = array<i32>} : memref<10000xf32, #tpu.memory_space<vmem>>, vector<16xf32>,
      tpu.vector_store %arg7[%swap3A_77], %broadcast_in_dim3A_74 {strides = array<i32>} : memref<10000xf32, #tpu.memory_space<vmem>>, vector<16xf32>,
      %scan3A_79 = arith.constant 5 : i32
      %scan3A_80 = arith.addi %scan3A_20, %scan3A_79 : i32
      %mul3A_81 = arith.constant 1 : i32
      %mul3A_82 = arith.muli %scan3A_80, %mul3A_81 : i32
      %add3A_83 = arith.constant 0 : i32
      %add3A_84 = arith.addi %add3A_83, %mul3A_82 : i32
      %broadcast_in_dim3A_85 = arith.constant 0.000000e+00 : f32
      %broadcast_in_dim3A_86 = vector.broadcast %broadcast_in_dim3A_85 : f32 to vector<16xf32>
      %mul3A_87 = arith.constant 16 : i32
      %mul3A_88 = arith.muli %add3A_84, %mul3A_87 : i32
      %swap3A_89 = arith.index_cast %mul3A_88 : i32 to index
      %swap3A_90 = tpu.vector_load %arg7[%swap3A_89] {strides = array<i32>} : memref<10000xf32, #tpu.memory_space<vmem>>, vector<16xf32>,
      tpu.vector_store %arg7[%swap3A_89], %broadcast_in_dim3A_86 {strides = array<i32>} : memref<10000xf32, #tpu.memory_space<vmem>>, vector<16xf32>,
      %scan3A_91 = arith.constant 6 : i32
      %scan3A_92 = arith.addi %scan3A_20, %scan3A_91 : i32
      %mul3A_93 = arith.constant 1 : i32
      %mul3A_94 = arith.muli %scan3A_92, %mul3A_93 : i32
      %add3A_95 = arith.constant 0 : i32
      %add3A_96 = arith.addi %add3A_95, %mul3A_94 : i32
      %broadcast_in_dim3A_97 = arith.constant 0.000000e+00 : f32
      %broadcast_in_dim3A_98 = vector.broadcast %broadcast_in_dim3A_97 : f32 to vector<16xf32>
      %mul3A_99 = arith.constant 16 : i32
      %mul3A_100 = arith.muli %add3A_96, %mul3A_99 : i32
      %swap3A_101 = arith.index_cast %mul3A_100 : i32 to index
      %swap3A_102 = tpu.vector_load %arg7[%swap3A_101] {strides = array<i32>} : memref<10000xf32, #tpu.memory_space<vmem>>, vector<16xf32>,
      tpu.vector_store %arg7[%swap3A_101], %broadcast_in_dim3A_98 {strides = array<i32>} : memref<10000xf32, #tpu.memory_space<vmem>>, vector<16xf32>,
      %scan3A_103 = arith.constant 7 : i32
      %scan3A_104 = arith.addi %scan3A_20, %scan3A_103 : i32
      %mul3A_105 = arith.constant 1 : i32
      %mul3A_106 = arith.muli %scan3A_104, %mul3A_105 : i32
      %add3A_107 = arith.constant 0 : i32
      %add3A_108 = arith.addi %add3A_107, %mul3A_106 : i32
      %broadcast_in_dim3A_109 = arith.constant 0.000000e+00 : f32
      %broadcast_in_dim3A_110 = vector.broadcast %broadcast_in_dim3A_109 : f32 to vector<16xf32>
      %mul3A_111 = arith.constant 16 : i32
      %mul3A_112 = arith.muli %add3A_108, %mul3A_111 : i32
      %swap3A_113 = arith.index_cast %mul3A_112 : i32 to index
      %swap3A_114 = tpu.vector_load %arg7[%swap3A_113] {strides = array<i32>} : memref<10000xf32, #tpu.memory_space<vmem>>, vector<16xf32>,
      tpu.vector_store %arg7[%swap3A_113], %broadcast_in_dim3A_110 {strides = array<i32>} : memref<10000xf32, #tpu.memory_space<vmem>>, vector<16xf32>,
    }
    %scan3A_4 = arith.constant 624 : i32
    %scan3A_5 = arith.addi %scan3A, %scan3A_4 : i32
    %mul3A_6 = arith.constant 1 : i32
    %mul3A_7 = arith.muli %scan3A_5, %mul3A_6 : i32
    %add3A_8 = arith.constant 0 : i32
    %add3A_9 = arith.addi %add3A_8, %mul3A_7 : i32
    %broadcast_in_dim3A = arith.constant 0.000000e+00 : f32
    %broadcast_in_dim3A_10 = vector.broadcast %broadcast_in_dim3A : f32 to vector<16xf32>
    %mul3A_11 = arith.constant 16 : i32
    %mul3A_12 = arith.muli %add3A_9, %mul3A_11 : i32
    %swap3A = arith.index_cast %mul3A_12 : i32 to index
    %swap3A_13 = tpu.vector_load %arg7[%swap3A] {strides = array<i32>} : memref<10000xf32, #tpu.memory_space<vmem>>, vector<16xf32>,
    tpu.vector_store %arg7[%swap3A], %broadcast_in_dim3A_10 {strides = array<i32>} : memref<10000xf32, #tpu.memory_space<vmem>>, vector<16xf32>,
    %scan3A_14 = arith.constant 625 : i32
    "tpu.region"() ({
      %run_scoped3A = tpu.sem_alloc : memref<!tpu.dma_semaphore, #tpu.memory_space<semaphore_mem>>
      %dma_start3A = arith.constant 0 : i32
      %dma_start3A_20 = arith.constant 0 : i32
      %dma_start3A_21 = tpu.memref_slice %arg2[%add3A, %dma_start3A, %dma_start3A_20] : memref<32x656x16xi32, #tpu.memory_space<hbm>> -> memref<1x656x16xi32, #tpu.memory_space<hbm>>
      %dma_start3A_22 = tpu.memref_squeeze %dma_start3A_21 : memref<1x656x16xi32, #tpu.memory_space<hbm>> -> memref<656x16xi32, #tpu.memory_space<hbm>>
      %dma_start3A_23 = arith.constant 0 : i32
      %dma_start3A_24 = arith.constant 0 : i32
      %dma_start3A_25 = tpu.memref_slice %arg2[%add3A, %dma_start3A_23, %dma_start3A_24] : memref<32x656x16xi32, #tpu.memory_space<hbm>> -> memref<1x656x16xi32, #tpu.memory_space<hbm>>
      %dma_start3A_26 = tpu.memref_squeeze %dma_start3A_25 : memref<1x656x16xi32, #tpu.memory_space<hbm>> -> memref<656x16xi32, #tpu.memory_space<hbm>>
      tpu.enqueue_dma source(%dma_start3A_26 : memref<656x16xi32, #tpu.memory_space<hbm>>) target(%arg5 : memref<656x16xi32, #tpu.memory_space<vmem>>) target_semaphore(%run_scoped3A : memref<!tpu.dma_semaphore, #tpu.memory_space<semaphore_mem>>)
      %dma_wait3A = arith.constant 0 : i32
      %dma_wait3A_27 = arith.constant 0 : i32
      %dma_wait3A_28 = tpu.memref_slice %arg2[%add3A, %dma_wait3A, %dma_wait3A_27] : memref<32x656x16xi32, #tpu.memory_space<hbm>> -> memref<1x656x16xi32, #tpu.memory_space<hbm>>
      %dma_wait3A_29 = tpu.memref_squeeze %dma_wait3A_28 : memref<1x656x16xi32, #tpu.memory_space<hbm>> -> memref<656x16xi32, #tpu.memory_space<hbm>>
      %dma_wait3A_30 = arith.constant 0 : i32
      %dma_wait3A_31 = arith.constant 0 : i32
      %dma_wait3A_32 = tpu.memref_slice %arg2[%add3A, %dma_wait3A_30, %dma_wait3A_31] : memref<32x656x16xi32, #tpu.memory_space<hbm>> -> memref<1x656x16xi32, #tpu.memory_space<hbm>>
      %dma_wait3A_33 = tpu.memref_squeeze %dma_wait3A_32 : memref<1x656x16xi32, #tpu.memory_space<hbm>> -> memref<656x16xi32, #tpu.memory_space<hbm>>
      tpu.wait_dma2 semaphore(%run_scoped3A : memref<!tpu.dma_semaphore, #tpu.memory_space<semaphore_mem>>) src(%dma_wait3A_33 : memref<656x16xi32, #tpu.memory_space<hbm>>) dst(%arg5 : memref<656x16xi32, #tpu.memory_space<vmem>>)
      tpu.yield
    }) : () -> ()
    "tpu.region"() ({
      %run_scoped3A = tpu.sem_alloc : memref<!tpu.dma_semaphore, #tpu.memory_space<semaphore_mem>>
      %dma_start3A = arith.constant 0 : i32
      %dma_start3A_20 = arith.constant 0 : i32
      %dma_start3A_21 = tpu.memref_slice %arg3[%add3A, %dma_start3A, %dma_start3A_20] : memref<32x656x16xf32, #tpu.memory_space<hbm>> -> memref<1x656x16xf32, #tpu.memory_space<hbm>>
      %dma_start3A_22 = tpu.memref_squeeze %dma_start3A_21 : memref<1x656x16xf32, #tpu.memory_space<hbm>> -> memref<656x16xf32, #tpu.memory_space<hbm>>
      %dma_start3A_23 = arith.constant 0 : i32
      %dma_start3A_24 = arith.constant 0 : i32
      %dma_start3A_25 = tpu.memref_slice %arg3[%add3A, %dma_start3A_23, %dma_start3A_24] : memref<32x656x16xf32, #tpu.memory_space<hbm>> -> memref<1x656x16xf32, #tpu.memory_space<hbm>>
      %dma_start3A_26 = tpu.memref_squeeze %dma_start3A_25 : memref<1x656x16xf32, #tpu.memory_space<hbm>> -> memref<656x16xf32, #tpu.memory_space<hbm>>
      tpu.enqueue_dma source(%dma_start3A_26 : memref<656x16xf32, #tpu.memory_space<hbm>>) target(%arg6 : memref<656x16xf32, #tpu.memory_space<vmem>>) target_semaphore(%run_scoped3A : memref<!tpu.dma_semaphore, #tpu.memory_space<semaphore_mem>>)
      %dma_wait3A = arith.constant 0 : i32
      %dma_wait3A_27 = arith.constant 0 : i32
      %dma_wait3A_28 = tpu.memref_slice %arg3[%add3A, %dma_wait3A, %dma_wait3A_27] : memref<32x656x16xf32, #tpu.memory_space<hbm>> -> memref<1x656x16xf32, #tpu.memory_space<hbm>>
      %dma_wait3A_29 = tpu.memref_squeeze %dma_wait3A_28 : memref<1x656x16xf32, #tpu.memory_space<hbm>> -> memref<656x16xf32, #tpu.memory_space<hbm>>
      %dma_wait3A_30 = arith.constant 0 : i32
      %dma_wait3A_31 = arith.constant 0 : i32
      %dma_wait3A_32 = tpu.memref_slice %arg3[%add3A, %dma_wait3A_30, %dma_wait3A_31] : memref<32x656x16xf32, #tpu.memory_space<hbm>> -> memref<1x656x16xf32, #tpu.memory_space<hbm>>
      %dma_wait3A_33 = tpu.memref_squeeze %dma_wait3A_32 : memref<1x656x16xf32, #tpu.memory_space<hbm>> -> memref<656x16xf32, #tpu.memory_space<hbm>>
      tpu.wait_dma2 semaphore(%run_scoped3A : memref<!tpu.dma_semaphore, #tpu.memory_space<semaphore_mem>>) src(%dma_wait3A_33 : memref<656x16xf32, #tpu.memory_space<hbm>>) dst(%arg6 : memref<656x16xf32, #tpu.memory_space<vmem>>)
      tpu.yield
    }) : () -> ()
    %scan3A_15 = arith.constant 0 : i32
    %scan3A_16 = arith.constant 656 : i32
    %scan3A_17 = arith.addi %scan3A_15, %scan3A_16 : i32
    %scan3A_18 = arith.constant 4 : i32
    scf.for %scan3A_20 = %scan3A_15 to %scan3A_17 step %scan3A_18  : i32 {
      %mul3A_21 = arith.constant 1 : i32
      %mul3A_22 = arith.muli %scan3A_20, %mul3A_21 : i32
      %add3A_23 = arith.constant 0 : i32
      %add3A_24 = arith.addi %add3A_23, %mul3A_22 : i32
      %get3A = arith.index_cast %add3A_24 : i32 to index
      %get3A_25 = arith.constant 0 : index
      %get3A_26 = tpu.vector_load %arg5[%get3A, %get3A_25] {strides = array<i32>} : memref<656x16xi32, #tpu.memory_space<vmem>>, vector<16xi32>,
      %get3A_27 = arith.index_cast %add3A_24 : i32 to index
      %get3A_28 = arith.constant 0 : index
      %get3A_29 = tpu.vector_load %arg6[%get3A_27, %get3A_28] {strides = array<i32>} : memref<656x16xf32, #tpu.memory_space<vmem>>, vector<16xf32>,
      tpu.vector_store_idx %arg7[%get3A_26], %get3A_29 {add = true} : memref<10000xf32, #tpu.memory_space<vmem>>[vector<16xi32>], vector<16xf32>,
      %scan3A_30 = arith.constant 1 : i32
      %scan3A_31 = arith.addi %scan3A_20, %scan3A_30 : i32
      %mul3A_32 = arith.constant 1 : i32
      %mul3A_33 = arith.muli %scan3A_31, %mul3A_32 : i32
      %add3A_34 = arith.constant 0 : i32
      %add3A_35 = arith.addi %add3A_34, %mul3A_33 : i32
      %get3A_36 = arith.index_cast %add3A_35 : i32 to index
      %get3A_37 = arith.constant 0 : index
      %get3A_38 = tpu.vector_load %arg5[%get3A_36, %get3A_37] {strides = array<i32>} : memref<656x16xi32, #tpu.memory_space<vmem>>, vector<16xi32>,
      %get3A_39 = arith.index_cast %add3A_35 : i32 to index
      %get3A_40 = arith.constant 0 : index
      %get3A_41 = tpu.vector_load %arg6[%get3A_39, %get3A_40] {strides = array<i32>} : memref<656x16xf32, #tpu.memory_space<vmem>>, vector<16xf32>,
      tpu.vector_store_idx %arg7[%get3A_38], %get3A_41 {add = true} : memref<10000xf32, #tpu.memory_space<vmem>>[vector<16xi32>], vector<16xf32>,
      %scan3A_42 = arith.constant 2 : i32
      %scan3A_43 = arith.addi %scan3A_20, %scan3A_42 : i32
      %mul3A_44 = arith.constant 1 : i32
      %mul3A_45 = arith.muli %scan3A_43, %mul3A_44 : i32
      %add3A_46 = arith.constant 0 : i32
      %add3A_47 = arith.addi %add3A_46, %mul3A_45 : i32
      %get3A_48 = arith.index_cast %add3A_47 : i32 to index
      %get3A_49 = arith.constant 0 : index
      %get3A_50 = tpu.vector_load %arg5[%get3A_48, %get3A_49] {strides = array<i32>} : memref<656x16xi32, #tpu.memory_space<vmem>>, vector<16xi32>,
      %get3A_51 = arith.index_cast %add3A_47 : i32 to index
      %get3A_52 = arith.constant 0 : index
      %get3A_53 = tpu.vector_load %arg6[%get3A_51, %get3A_52] {strides = array<i32>} : memref<656x16xf32, #tpu.memory_space<vmem>>, vector<16xf32>,
      tpu.vector_store_idx %arg7[%get3A_50], %get3A_53 {add = true} : memref<10000xf32, #tpu.memory_space<vmem>>[vector<16xi32>], vector<16xf32>,
      %scan3A_54 = arith.constant 3 : i32
      %scan3A_55 = arith.addi %scan3A_20, %scan3A_54 : i32
      %mul3A_56 = arith.constant 1 : i32
      %mul3A_57 = arith.muli %scan3A_55, %mul3A_56 : i32
      %add3A_58 = arith.constant 0 : i32
      %add3A_59 = arith.addi %add3A_58, %mul3A_57 : i32
      %get3A_60 = arith.index_cast %add3A_59 : i32 to index
      %get3A_61 = arith.constant 0 : index
      %get3A_62 = tpu.vector_load %arg5[%get3A_60, %get3A_61] {strides = array<i32>} : memref<656x16xi32, #tpu.memory_space<vmem>>, vector<16xi32>,
      %get3A_63 = arith.index_cast %add3A_59 : i32 to index
      %get3A_64 = arith.constant 0 : index
      %get3A_65 = tpu.vector_load %arg6[%get3A_63, %get3A_64] {strides = array<i32>} : memref<656x16xf32, #tpu.memory_space<vmem>>, vector<16xf32>,
      tpu.vector_store_idx %arg7[%get3A_62], %get3A_65 {add = true} : memref<10000xf32, #tpu.memory_space<vmem>>[vector<16xi32>], vector<16xf32>,
    }
    %scan3A_19 = arith.constant 656 : i32
    "tpu.region"() ({
      %run_scoped3A = tpu.sem_alloc : memref<!tpu.dma_semaphore, #tpu.memory_space<semaphore_mem>>
      %dma_start3A = arith.constant 0 : i32
      %dma_start3A_20 = tpu.memref_slice %arg4[%add3A, %dma_start3A] : memref<32x10000xf32, #tpu.memory_space<hbm>> -> memref<1x10000xf32, #tpu.memory_space<hbm>>
      %dma_start3A_21 = tpu.memref_squeeze %dma_start3A_20 : memref<1x10000xf32, #tpu.memory_space<hbm>> -> memref<10000xf32, #tpu.memory_space<hbm>>
      %dma_start3A_22 = arith.constant 0 : i32
      %dma_start3A_23 = tpu.memref_slice %arg4[%add3A, %dma_start3A_22] : memref<32x10000xf32, #tpu.memory_space<hbm>> -> memref<1x10000xf32, #tpu.memory_space<hbm>>
      %dma_start3A_24 = tpu.memref_squeeze %dma_start3A_23 : memref<1x10000xf32, #tpu.memory_space<hbm>> -> memref<10000xf32, #tpu.memory_space<hbm>>
      tpu.enqueue_dma source(%arg7 : memref<10000xf32, #tpu.memory_space<vmem>>) target(%dma_start3A_24 : memref<10000xf32, #tpu.memory_space<hbm>>) target_semaphore(%run_scoped3A : memref<!tpu.dma_semaphore, #tpu.memory_space<semaphore_mem>>)
      %dma_wait3A = arith.constant 0 : i32
      %dma_wait3A_25 = tpu.memref_slice %arg4[%add3A, %dma_wait3A] : memref<32x10000xf32, #tpu.memory_space<hbm>> -> memref<1x10000xf32, #tpu.memory_space<hbm>>
      %dma_wait3A_26 = tpu.memref_squeeze %dma_wait3A_25 : memref<1x10000xf32, #tpu.memory_space<hbm>> -> memref<10000xf32, #tpu.memory_space<hbm>>
      %dma_wait3A_27 = arith.constant 0 : i32
      %dma_wait3A_28 = tpu.memref_slice %arg4[%add3A, %dma_wait3A_27] : memref<32x10000xf32, #tpu.memory_space<hbm>> -> memref<1x10000xf32, #tpu.memory_space<hbm>>
      %dma_wait3A_29 = tpu.memref_squeeze %dma_wait3A_28 : memref<1x10000xf32, #tpu.memory_space<hbm>> -> memref<10000xf32, #tpu.memory_space<hbm>>
      tpu.wait_dma2 semaphore(%run_scoped3A : memref<!tpu.dma_semaphore, #tpu.memory_space<semaphore_mem>>) src(%arg7 : memref<10000xf32, #tpu.memory_space<vmem>>) dst(%dma_wait3A_29 : memref<10000xf32, #tpu.memory_space<hbm>>)
      tpu.yield
    }) : () -> ()
    return
  }
}

module attributes {stable_mosaic.version = 14 : i64} {
  func.func @_tc_prep_body(%arg0: memref<32x10000xf32, #tpu.memory_space<vmem>>, %arg1: memref<10000x128xf32, #tpu.memory_space<vmem>>, %arg2: memref<128x16xf32, #tpu.memory_space<vmem>>, %arg3: memref<10000xf32, #tpu.memory_space<vmem>>, %arg4: memref<10000x16xf32, #tpu.memory_space<vmem>>) attributes {dimension_semantics = [], scalar_prefetch = 0 : i64, scratch_operands = 0 : i64, tpu.core_type = #tpu.core_type<tc>} {
    %get3A = arith.constant 0 : index
    %get3A_0 = arith.constant 0 : index
    %get3A_1 = vector.load %arg0[%get3A, %get3A_0] : memref<32x10000xf32, #tpu.memory_space<vmem>>, vector<32x10000xf32>
    %reduce_sum3A = arith.constant dense<0.000000e+00> : vector<10000xf32>
    %reduce_sum3A_2 = vector.multi_reduction <add>, %get3A_1, %reduce_sum3A [0] : vector<32x10000xf32> to vector<10000xf32>
    %rsqrt3A = math.rsqrt %reduce_sum3A_2 : vector<10000xf32>
    %swap3A = arith.constant 0 : index
    %swap3A_3 = vector.load %arg3[%swap3A] : memref<10000xf32, #tpu.memory_space<vmem>>, vector<10000xf32>
    tpu.vector_store %arg3[%swap3A], %rsqrt3A {strides = array<i32>} : memref<10000xf32, #tpu.memory_space<vmem>>, vector<10000xf32>,
    %get3A_4 = arith.constant 0 : index
    %get3A_5 = arith.constant 0 : index
    %get3A_6 = vector.load %arg1[%get3A_4, %get3A_5] : memref<10000x128xf32, #tpu.memory_space<vmem>>, vector<10000x128xf32>
    %get3A_7 = arith.constant 0 : index
    %get3A_8 = arith.constant 0 : index
    %get3A_9 = vector.load %arg2[%get3A_7, %get3A_8] : memref<128x16xf32, #tpu.memory_space<vmem>>, vector<128x16xf32>
    %dot_general3A = arith.constant dense<0.000000e+00> : vector<10000x16xf32>
    %dot_general3A_10 = tpu.matmul %get3A_6, %get3A_9, %dot_general3A {dimension_numbers = #tpu.dot_dimension_numbers<[1], [0], [0], [1], [0, 0, 1, 1], [], []>, transpose_lhs_hint = false} : vector<10000x128xf32>, vector<128x16xf32>, vector<10000x16xf32> -> vector<10000x16xf32>
    %broadcast_in_dim3A = vector.shape_cast %rsqrt3A : vector<10000xf32> to vector<10000x1xf32>
    %mul3A = vector.broadcast %broadcast_in_dim3A : vector<10000x1xf32> to vector<10000x16xf32>
    %mul3A_11 = arith.mulf %dot_general3A_10, %mul3A : vector<10000x16xf32>
    %swap3A_12 = arith.constant 0 : index
    %swap3A_13 = arith.constant 0 : index
    %swap3A_14 = vector.load %arg4[%swap3A_12, %swap3A_13] : memref<10000x16xf32, #tpu.memory_space<vmem>>, vector<10000x16xf32>
    tpu.vector_store %arg4[%swap3A_12, %swap3A_13], %mul3A_11 {strides = array<i32>} : memref<10000x16xf32, #tpu.memory_space<vmem>>, vector<10000x16xf32>,
    return
  }
}

module attributes {stable_mosaic.version = 14 : i64} {
  func.func @_tc_mid_body(%arg0: memref<2x10000x16xf32, #tpu.memory_space<vmem>>, %arg1: memref<10000xf32, #tpu.memory_space<vmem>>, %arg2: memref<1x16xf32, #tpu.memory_space<vmem>>, %arg3: memref<16x1xf32, #tpu.memory_space<vmem>>, %arg4: memref<10000xf32, #tpu.memory_space<vmem>>) attributes {dimension_semantics = [], scalar_prefetch = 0 : i64, scratch_operands = 0 : i64, tpu.core_type = #tpu.core_type<tc>} {
    %get3A = arith.constant 0 : index
    %get3A_0 = arith.constant 0 : index
    %get3A_1 = arith.constant 0 : index
    %get3A_2 = vector.load %arg0[%get3A, %get3A_0, %get3A_1] : memref<2x10000x16xf32, #tpu.memory_space<vmem>>, vector<1x10000x16xf32>
    %get3A_3 = vector.shape_cast %get3A_2 : vector<1x10000x16xf32> to vector<10000x16xf32>
    %get3A_4 = arith.constant 1 : index
    %get3A_5 = arith.constant 0 : index
    %get3A_6 = arith.constant 0 : index
    %get3A_7 = vector.load %arg0[%get3A_4, %get3A_5, %get3A_6] : memref<2x10000x16xf32, #tpu.memory_space<vmem>>, vector<1x10000x16xf32>
    %get3A_8 = vector.shape_cast %get3A_7 : vector<1x10000x16xf32> to vector<10000x16xf32>
    %add3A = arith.addf %get3A_3, %get3A_8 : vector<10000x16xf32>
    %get3A_9 = arith.constant 0 : index
    %get3A_10 = vector.load %arg1[%get3A_9] : memref<10000xf32, #tpu.memory_space<vmem>>, vector<10000xf32>
    %broadcast_in_dim3A = vector.shape_cast %get3A_10 : vector<10000xf32> to vector<10000x1xf32>
    %mul3A = vector.broadcast %broadcast_in_dim3A : vector<10000x1xf32> to vector<10000x16xf32>
    %mul3A_11 = arith.mulf %add3A, %mul3A : vector<10000x16xf32>
    %get3A_12 = arith.constant 0 : index
    %get3A_13 = arith.constant 0 : index
    %get3A_14 = vector.load %arg2[%get3A_12, %get3A_13] : memref<1x16xf32, #tpu.memory_space<vmem>>, vector<1x16xf32>
    %add3A_15 = vector.broadcast %get3A_14 : vector<1x16xf32> to vector<10000x16xf32>
    %add3A_16 = arith.addf %mul3A_11, %add3A_15 : vector<10000x16xf32>
    %max3A = arith.constant 0.000000e+00 : f32
    %max3A_17 = vector.broadcast %max3A : f32 to vector<10000x16xf32>
    %max3A_18 = arith.maximumf %add3A_16, %max3A_17 : vector<10000x16xf32>
    %get3A_19 = arith.constant 0 : index
    %get3A_20 = arith.constant 0 : index
    %get3A_21 = vector.load %arg3[%get3A_19, %get3A_20] : memref<16x1xf32, #tpu.memory_space<vmem>>, vector<16x1xf32>
    %squeeze3A = vector.shape_cast %get3A_21 : vector<16x1xf32> to vector<16xf32>
    %broadcast_in_dim3A_22 = vector.shape_cast %squeeze3A : vector<16xf32> to vector<1x16xf32>
    %mul3A_23 = vector.broadcast %broadcast_in_dim3A_22 : vector<1x16xf32> to vector<10000x16xf32>
    %mul3A_24 = arith.mulf %max3A_18, %mul3A_23 : vector<10000x16xf32>
    %reduce_sum3A = arith.constant dense<0.000000e+00> : vector<10000xf32>
    %reduce_sum3A_25 = vector.multi_reduction <add>, %mul3A_24, %reduce_sum3A [1] : vector<10000x16xf32> to vector<10000xf32>
    %mul3A_26 = arith.mulf %reduce_sum3A_25, %get3A_10 : vector<10000xf32>
    %swap3A = arith.constant 0 : index
    %swap3A_27 = vector.load %arg4[%swap3A] : memref<10000xf32, #tpu.memory_space<vmem>>, vector<10000xf32>
    tpu.vector_store %arg4[%swap3A], %mul3A_26 {strides = array<i32>} : memref<10000xf32, #tpu.memory_space<vmem>>, vector<10000xf32>,
    return
  }
}

module attributes {stable_mosaic.version = 14 : i64} {
  func.func @_tc_fin_body(%arg0: memref<32x10000xf32, #tpu.memory_space<vmem>>, %arg1: memref<10000xf32, #tpu.memory_space<vmem>>, %arg2: memref<1xf32, #tpu.memory_space<vmem>>, %arg3: memref<10000xf32, #tpu.memory_space<vmem>>) attributes {dimension_semantics = [], scalar_prefetch = 0 : i64, scratch_operands = 0 : i64, tpu.core_type = #tpu.core_type<tc>} {
    %get3A = arith.constant 0 : index
    %get3A_0 = arith.constant 0 : index
    %get3A_1 = vector.load %arg0[%get3A, %get3A_0] : memref<32x10000xf32, #tpu.memory_space<vmem>>, vector<32x10000xf32>
    %reduce_sum3A = arith.constant dense<0.000000e+00> : vector<10000xf32>
    %reduce_sum3A_2 = vector.multi_reduction <add>, %get3A_1, %reduce_sum3A [0] : vector<32x10000xf32> to vector<10000xf32>
    %get3A_3 = arith.constant 0 : index
    %get3A_4 = vector.load %arg1[%get3A_3] : memref<10000xf32, #tpu.memory_space<vmem>>, vector<10000xf32>
    %mul3A = arith.mulf %reduce_sum3A_2, %get3A_4 : vector<10000xf32>
    %get3A_5 = arith.constant 0 : index
    %get3A_6 = vector.load %arg2[%get3A_5] : memref<1xf32, #tpu.memory_space<vmem>>, vector<1xf32>
    %add3A = vector.broadcast %get3A_6 : vector<1xf32> to vector<10000xf32>
    %add3A_7 = arith.addf %mul3A, %add3A : vector<10000xf32>
    %logistic3A = arith.negf %add3A_7 : vector<10000xf32>
    %logistic3A_8 = math.exp %logistic3A : vector<10000xf32>
    %logistic3A_9 = arith.constant 1.000000e+00 : f32
    %logistic3A_10 = vector.broadcast %logistic3A_9 : f32 to vector<10000xf32>
    %logistic3A_11 = arith.addf %logistic3A_10, %logistic3A_8 : vector<10000xf32>
    %logistic3A_12 = arith.divf %logistic3A_10, %logistic3A_11 : vector<10000xf32>
    %swap3A = arith.constant 0 : index
    %swap3A_13 = vector.load %arg3[%swap3A] : memref<10000xf32, #tpu.memory_space<vmem>>, vector<10000xf32>
    tpu.vector_store %arg3[%swap3A], %logistic3A_12 {strides = array<i32>} : memref<10000xf32, #tpu.memory_space<vmem>>, vector<10000xf32>,
    return
  }
}

</mosaic_0001>

<sc_bundles>
// kernel: kernel.11.cloned.1.call-start
scs
__scs_entry_jumppad:
0x0: {  	(pc) =	sbr.rel $0x88, $3  }
0x1: {  	(tag) =	ssettag $0x0;
	lr =	simm.s32 $0x1  }
0x2: {  	[smem:$0x3F9A] =	sst lr;
	_ =	strace $0xD0000000  }
0x3: {  	_ = 	snop  }
0x4: {  	_ = 	snop  }
0x5: {  	_ = 	snop  }
0x6: {  	_ = 	snop  }
0x7: {  	_ = 	snop  }
__scs_overlays_trampoline_lowered:
0x8: {  	[smem:$0x3FA9] =	sst s0  }
0x9: {  	[smem:$0x3FAA] =	sst s1  }
0xa: {  	[smem:$0x3FAB] =	sst s2  }
0xb: {  	[smem:$0x3FAC] =	sst s3  }
0xc: {  	[smem:$0x3FAD] =	sst s4  }
0xd: {  	[smem:$0x3FAE] =	sst s5  }
0xe: {  	[smem:$0x3FAF] =	sst s6  }
0xf: {  	[smem:$0x3FB0] =	sst s7  }
0x10: {  	[smem:$0x3FB1] =	sst s8  }
0x11: {  	[smem:$0x3FB2] =	sst s9;
	s0 =	simm.s32 @!p0 $0x0  }
0x12: {  	s1 =	sld [smem:$0x3F98];
	s0 =	simm.s32 @p0 $0x1  }
0x13: {  	[smem:$0x3FB3] =	sst s0;
	s0 =	simm.s32 @!p1 $0x0  }
0x14: {  	s2 =	sld [smem:$0x3F97];
	s0 =	simm.s32 @p1 $0x1  }
0x15: {  	[smem:$0x3FB4] =	sst s0;
	s0 =	simm.s32 @!p2 $0x0  }
0x16: {  	s3 =	sld [smem:$0x3FDB];
	s0 =	simm.s32 @p2 $0x1  }
0x17: {  	s4 =	simm.s32 $0x1BF5;
	[smem:$0x3FB6] =	sst s0  }
0x18: {  	s0 =	sld [smem:$0x3F99];
	_ =	swait.ge [sflag:s4], $0x0  }
0x19: {  	s7 =	sld [smem:$0x3F9A]  }
0x1a: {  	s8 =	sadd.s32 $0xFFFFE003, lr  }
0x1b: {  	s9 =	sadd.s32 $0xFFFFFEF7, lr;
	s5 =	simm.s32 $0xFFFFFFFF;
	p2 =	slt.u32 s8, $0xFFFFF086  }
0x1c: {  	p1 =	slt.u32 s9, $0xF7A;
	s5 =	simm.s32 @!p2 $0x0  }
0x1d: {  	s5 =	simm.s32 @p1 $0x1;
	p0 =	seq.s32 s7, s2  }
0x1e: {  	s7 =	smul.u32 @!p0 $0xF7A, s2;
	p2 =	seq.s32 @!p0 s5, $0x0  }
0x1f: {  	s9 =	smul.u32 $0xF7A, s1;
	s8 =	simm.s32 @!p0 $0x1BF5;
	p2 =	por !p2, p0  }
0x20: {  	[sflag:s8] =	ssyncset.s32 @!p0 $0xFFFFF086;
	s6 =	sadd.s32 @!p0 s3, s7;
	s7 =	simm.s32 @!p0 $0x108  }
0x21: {  	s3 =	sadd.s32 s3, s9;
	s6 =	sadd.s32 @!p0 $0x88, s6;
	s7 =	simm.s32 @p2 $0x1082  }
0x22: {  	[simem:s7], [sflag:s8] =	dma.local @!p0 [hbm:s6], $0xF7A  }
0x23: {  	s9 =	sor.u32 $0xD0000000, s2;
	s6 =	simm.s32 $0x108;
	_ =	swait.ge @!p0 [sflag:s8], $0x0  }
0x24: {  	s3 =	sadd.s32 $0x88, s3;
	s6 =	simm.s32 @!p1 $0x1082;
	[sflag:s4] =	ssyncset.s32 $0xFFFFF086  }
0x25: {  	[simem:s6], [sflag:s4] =	dma.local [hbm:s3], $0xF7A  }
0x26: {  	[smem:$0x3F9A] =	sst s1;
	(tag) =	ssettag s2;
	_ =	strace s9  }
0x27: {  	s1 =	sld [smem:$0x3FAA]  }
0x28: {  	s2 =	sld [smem:$0x3FAB]  }
0x29: {  	s4 =	sld [smem:$0x3FAD]  }
0x2a: {  	p0 =	seq.s32 s5, $0x0;
	s5 =	sld [smem:$0x3FAE]  }
0x2b: {  	s6 =	sld [smem:$0x3FAF]  }
0x2c: {  	s7 =	sld [smem:$0x3FB0]  }
0x2d: {  	s3 =	simm.s32 $0x108;
	s8 =	sld [smem:$0x3FB1]  }
0x2e: {  	s3 =	simm.s32 @!p0 $0x1082;
	s9 =	sld [smem:$0x3FB2]  }
0x2f: {  	lr =	sadd.s32 s0, s3;
	s0 =	sld [smem:$0x3FA9]  }
0x30: {  	s3 =	sld [smem:$0x3FAC]  }
0x31: {  	[smem:$0x3FB5] =	sst s10  }
0x32: {  	s10 =	sld [smem:$0x3FB3];
	_ =	sdelay $0x3  }
0x33: {  	p0 =	seq.s32 s10, $0x1;
	s10 =	sld [smem:$0x3FB5];
	_ =	sdelay $0x3  }
0x34: {  	[smem:$0x3FB5] =	sst s10  }
0x35: {  	s10 =	sld [smem:$0x3FB4];
	_ =	sdelay $0x3  }
0x36: {  	p1 =	seq.s32 s10, $0x1;
	s10 =	sld [smem:$0x3FB5];
	_ =	sdelay $0x3  }
0x37: {  	[smem:$0x3FB5] =	sst s10  }
0x38: {  	s10 =	sld [smem:$0x3FB6]  }
0x39: {  	_ = 	snop;
	(pc) =	sbr.ind lr, $3  }
0x3a: {  	_ = 	snop  }
0x3b: {  	_ = 	snop  }
0x3c: {  	p2 =	seq.s32 s10, $0x1;
	s10 =	sld [smem:$0x3FB5]  }
0x3d: {  	_ =	shalt  }
0x3e: {  	_ =	shalt  }
0x3f: {  	_ =	shalt  }
0x40: {  	_ =	shalt  }
0x41: {  	_ =	shalt  }
0x42: {  	_ =	shalt  }
0x43: {  	_ =	shalt  }
0x44: {  	_ =	shalt  }
0x45: {  	_ =	shalt  }
0x46: {  	_ =	shalt  }
0x47: {  	_ =	shalt  }
0x48: {  	_ =	shalt  }
0x49: {  	_ =	shalt  }
0x4a: {  	_ =	shalt  }
0x4b: {  	_ =	shalt  }
0x4c: {  	_ =	shalt  }
0x4d: {  	_ =	shalt  }
0x4e: {  	_ =	shalt  }
0x4f: {  	_ =	shalt  }
0x50: {  	_ =	shalt  }
0x51: {  	_ =	shalt  }
0x52: {  	_ =	shalt  }
0x53: {  	_ =	shalt  }
0x54: {  	_ =	shalt  }
0x55: {  	_ =	shalt  }
0x56: {  	_ =	shalt  }
0x57: {  	_ =	shalt  }
0x58: {  	_ =	shalt  }
0x59: {  	_ =	shalt  }
0x5a: {  	_ =	shalt  }
0x5b: {  	_ =	shalt  }
0x5c: {  	_ =	shalt  }
0x5d: {  	_ =	shalt  }
0x5e: {  	_ =	shalt  }
0x5f: {  	_ =	shalt  }
0x60: {  	_ =	shalt  }
0x61: {  	_ =	shalt  }
0x62: {  	_ =	shalt  }
0x63: {  	_ =	shalt  }
0x64: {  	_ =	shalt  }
0x65: {  	_ =	shalt  }
0x66: {  	_ =	shalt  }
0x67: {  	_ =	shalt  }
0x68: {  	_ =	shalt  }
0x69: {  	_ =	shalt  }
0x6a: {  	_ =	shalt  }
0x6b: {  	_ =	shalt  }
0x6c: {  	_ =	shalt  }
0x6d: {  	_ =	shalt  }
0x6e: {  	_ =	shalt  }
0x6f: {  	_ =	shalt  }
0x70: {  	_ =	shalt  }
0x71: {  	_ =	shalt  }
0x72: {  	_ =	shalt  }
0x73: {  	_ =	shalt  }
0x74: {  	_ =	shalt  }
0x75: {  	_ =	shalt  }
0x76: {  	_ =	shalt  }
0x77: {  	_ =	shalt  }
0x78: {  	_ =	shalt  }
0x79: {  	_ =	shalt  }
0x7a: {  	_ =	shalt  }
0x7b: {  	_ =	shalt  }
0x7c: {  	_ =	shalt  }
0x7d: {  	_ =	shalt  }
0x7e: {  	_ =	shalt  }
0x7f: {  	_ =	shalt  }
0x80: {  	_ =	shalt  }
0x81: {  	_ =	shalt  }
0x82: {  	_ =	shalt  }
0x83: {  	_ =	shalt  }
0x84: {  	_ =	shalt  }
0x85: {  	_ =	shalt  }
0x86: {  	_ =	shalt  }
0x87: {  	_ =	shalt  }
.Lfunc_end0:
.L_simem_size_0:
called_computation.1_lowered:
.L_overlay_start_0:
0x88: {  	s2 =	sld [smem:$0x3FD9]  }
0x89: {  	s3 =	sld [smem:$0x3FFE];
	_ =	sdelay $0x1  }
0x8a: {  	s1 =	srdreg.scid  }
0x8b: {  	s0 =	sand.u32 $0x1, s1  }
0x8c: {  	s16 =	sshll.u32 s0, $0xA;
	s2 =	sadd.s32 s3, s2  }
0x8d: {  	s2 =	sadd.s32 s2, s16  }
0x8e: {  	[smem:$0x3FC1] =	sst s2  }
0x8f: {  	_ = 	snop  }
0x90: {  	(tm) =	ssettm $0x1  }
0x91: {  	s17 =	sld [smem:$0x3FFB];
	_ =	sdelay $0x3  }
0x92: {  	_ =	strace s17  }
0x93: {  	s2 =	sld [smem:$0x3FFC];
	_ =	sdelay $0x3  }
0x94: {  	_ =	strace s2  }
0x95: {  	s2 =	sld [smem:$0x3FFD];
	_ =	sdelay $0x3  }
0x96: {  	_ =	strace s2  }
0x97: {  	_ =	strace $0x8FFFFFFF  }
0x98: {  	s18 =	sld [smem:$0x3FDB];
	_ =	sdelay $0x1  }
0x99: {  	s19 =	simm.s32 $_scs_section_size  }
0x9a: {  	s4 =	simm.s32 $_size__tile_overlayer_lowered;
	s5 =	simm.s32 $_tile_overlayer_lowered  }
0x9b: {  	s22 =	simm.s32 $0x1BFF;
	s21 =	sshll.u32 s5, $0x1;
	s2 =	sadd.s32 s19, s18  }
0x9c: {  	s6 =	simm.s32 $0x0;
	s20 =	sshll.u32 s4, $0x1;
	s4 =	sadd.s32 s21, s2  }
0x9d: {  	[timem:s6], [sflag:s22] =	dma.local [hbm:s4], s20  }
0x9e: {  	_ =	swait.ge [sflag:s22], s20  }
0x9f: {  	s3 =	ssub.s32 $0x0, s20;
	[sflag:s22] =	ssyncset.done $0x0  }
0xa0: {  	[sflag:s22] =	ssyncadd.s32 s3;
	_ =	sdelay $0x1  }
0xa1: {  	s23 =	simm.s32 $0x1B8B  }
0xa2: {  	_ =	swait.ge [sflag:s23], $0x1  }
0xa3: {  	[sflag:s23] =	ssyncset.done $0x0  }
0xa4: {  	s25 =	simm.s32 $0x1B8E;
	s24 =	sld [smem:$0x3FFE];
	[sflag:s23] =	ssyncadd.s32 $0xFFFFFFFF  }
0xa5: {  	s26 =	simm.s32 $execute0_lowered;
	[smem:$0x3FD2] =	sst s25  }
0xa6: {  	s4 =	sshll.u32 s26, $0x1;
	_ =	strace $0x80000049;
	[dreg:$0x1] =	wrdreg $0xFFFFFFFF  }
0xa7: {  	s28 =	simm.s32 $_size_execute0_lowered;
	s2 =	sadd.s32 s2, s4;
	[dreg:$0x0] =	wrdreg $0x0  }
0xa8: {  	s4 =	sshll.u32 s28, $0x1;
	[dreg:$0x2] =	wrdreg s2  }
0xa9: {  	[dreg:$0x3] =	wrdreg s4  }
0xaa: {  	[dreg:$0x4] =	wrdreg $0xC0  }
0xab: {  	_ =	task [dreg:s6], $0x5FFFF  }
0xac: {  	[dreg:$0x1] =	wrdreg $0xFFFFFFFF  }
0xad: {  	[dreg:$0x0] =	wrdreg $0x60  }
0xae: {  	[dreg:$0x2] =	wrdreg s24  }
0xaf: {  	[dreg:$0x3] =	wrdreg $0xB2100  }
0xb0: {  	[dreg:$0x4] =	wrdreg $0x9  }
0xb1: {  	_ =	task.clear_ibuf [dreg:s6], $0x5FFFF;
	_ =	strace $0x90000049  }
0xb2: {  	s29 =	simm.s32 $0x9;
	_ =	strace $0x8000004B  }
0xb3: {  	_ =	swait.ge [sflag:s29], $0x1  }
0xb4: {  	[sflag:s29] =	ssyncadd.s32 $0xFFFFFFFF  }
0xb5: {  	_ =	strace $0x9000004B  }
0xb6: {  	_ =	sfence  }
0xb7: {  	s30 =	sld [smem:$0x0];
	_ =	sdelay $0x2  }
0xb8: {  	s31 =	sshll.u32 s1, $0xD;
	s1 =	sshrl.u32 s1, $0x2  }
0xb9: {  	s3 =	sand.u32 $0x4000, s31;
	s1 =	sadd.s32 s1, s30  }
0xba: {  	s0 =	sor.u32 s3, s0;
	s1 =	sshll.u32 s1, $0x11  }
0xbb: {  	s0 =	sor.u32 s1, s0  }
0xbc: {  	s0 =	sadd.s32 $0x8F2B, s0  }
0xbd: {  	[sflag:s0] =	ssyncadd.remote.s32 $0x1  }
0xbe: {  	_ =	sfence.sel $0xFFFF  }
0xbf: {  	[dreg:$0x0] =	wrdreg $0xFFFFFFFF;
	(pc) =	sbr.abs _section_cstart, $3  }
0xc0: {  	[dreg:$0x1] =	wrdreg $0xFFFFFFFF  }
0xc1: {  	_ =	task.clear_ibuf [dreg:s6], $0x2FFFF;
	_ =	strace $0x9FFFFFFF  }
0xc2: {  	(tm) =	ssettm $0x7FFFFFFF  }
0xc3: {  	_ =	shalt  }
tec
execute0_lowered:
.L_overlay_start_1:
0x0: {  	(tag) =	ssettag $0x1  }
0x1: {  	s5 =	rddreg [dreg:$0x0];
	s0 =	srdreg.scid  }
0x2: {  	s2 =	rddreg [dreg:$0x1];
	s1 =	stileid.u32  }
0x3: {  	s3 =	simm.s32 $0x0;
	s13 =	simm.s32 $0x2900;
	s14 =	simm.s32 $0x80  }
0x4: {  	s15 =	simm.s32 $0x7B00;
	s16 =	simm.s32 $0x1;
	s17 =	simm.s32 $0x8300  }
0x5: {  	s18 =	simm.s32 $0x2;
	s19 =	simm.s32 $0x0;
	s4 =	sand.u32 $0x1, s0  }
0x6: {  	s0 =	rddreg [dreg:$0x2];
	s7 =	smul.u32 $0x2710, s1;
	s6 =	sshll.u32 s4, $0x4  }
0x7: {  	[smem:$0x7FF] =	sst s3;
	s8 =	smul.u32 $0x27100, s4;
	s6 =	sor.u32 s1, s6  }
0x8: {  	_ =	strace $0x8000004A;
	s9 =	ssub.s32 $0x2, s4;
	s6 =	smul.u32 $0x520, s6  }
0x9: {  	s4 =	sadd.s32 $0x16000, s5;
	s31 =	sshrl.u32 s9, $0x1;
	s8 =	sadd.s32 s7, s8  }
0xa: {  	s12 =	ssub.s32 s9, s31;
	s30 =	sshrl.u32 s8, $0x3;
	s10 =	sadd.s32 s6, s5  }
0xb: {  	s11 =	sadd.s32 s30, s5;
	s5 =	sadd.s32 s7, s2;
	s6 =	sadd.s32 $0x1FE00, s10  }
0xc: {  	s7 =	sadd.s32 $0x1800, s10;
	s8 =	sadd.s32 $0xBC00, s10;
	s9 =	sadd.s32 $0x2A200, s11  }
0xd: {  	v0 =	vimm.f32 $0.0e+00;
	s10 =	smax.u32 s12, $0x1;
	s11 =	simm.s32 $0x8B00;
	s12 =	simm.s32 $0x3  }
.LBB2_1:
0xe: {  	s20 =	simm.s32 $0x8B40  }
0xf: {  	[tilespmem:s20+$0xFFFFFFC0] =	vst v0  }
0x10: {  	[tilespmem:s20+$0x30] =	vst v0  }
0x11: {  	[tilespmem:s20+$0x20] =	vst v0  }
0x12: {  	[tilespmem:s20+$0x10] =	vst v0  }
0x13: {  	[tilespmem:s20+$0x0] =	vst v0  }
0x14: {  	[tilespmem:s20+$0xFFFFFFF0] =	vst v0  }
0x15: {  	s21 =	simm.s32 $0x0;
	[tilespmem:s20+$0xFFFFFFE0] =	vst v0  }
.LBB2_2:
0x16: {  	s21 =	sadd.s32 $0x8, s21;
	[tilespmem:s20+$0xFFFFFFD0] =	vst v0;
	s20 =	sadd.s32 $0x80, s20  }
0x17: {  	[tilespmem:s20+$0xFFFFFFC0] =	vst v0;
	p0 =	slt.u32 s21, $0x268  }
0x18: {  	[tilespmem:s20+$0x30] =	vst v0  }
.Ltmp0:
0x19: {  	[tilespmem:s20+$0x20] =	vst v0;
	(pc) =	sbr.rel @p0 .LBB2_2-.Ltmp0, $4  }
0x1a: {  	[tilespmem:s20+$0x10] =	vst v0  }
0x1b: {  	[tilespmem:s20+$0x0] =	vst v0  }
0x1c: {  	[tilespmem:s20+$0xFFFFFFF0] =	vst v0  }
0x1d: {  	[tilespmem:s20+$0xFFFFFFE0] =	vst v0  }
0x1e: {  	[tilespmem:s20+$0xFFFFFFD0] =	vst v0  }
0x1f: {  	[tilespmem:$0xB200] =	vst v0  }
0x20: {  	[spmem:s5] =	stream.linear.scatter [tilespmem:s11], [sflag:$0x3], $0x2710, $0x38;
	[tilespmem:$0xD920] =	vst v63  }
0x21: {  	_ =	swait.ge [sflag:s12], $0x2710  }
0x22: {  	[sflag:s12] =	ssyncset.done $0x0  }
0x23: {  	s20 =	simm.s32 $0x0;
	[sflag:s12] =	ssyncadd.s32 $0xFFFFD8F0  }
0x24: {  	[tilespmem:s20], [sflag:$0x3] =	stream.linear.gather [hbm4b:s6+s20], $0x2900, $0x38;
	[tilespmem:$0xD920] =	vst v63  }
0x25: {  	_ =	swait.ge [sflag:s12], $0x2900  }
0x26: {  	[sflag:s12] =	ssyncset.done $0x0  }
0x27: {  	[sflag:s12] =	ssyncadd.s32 $0xFFFFD700  }
0x28: {  	[tilespmem:s13], [sflag:$0x3] =	stream.linear.gather [hbm4b:s7+s20], $0x2900, $0x38;
	[tilespmem:$0xD920] =	vst v63  }
0x29: {  	_ =	swait.ge [sflag:s12], $0x2900  }
0x2a: {  	[sflag:s12] =	ssyncset.done $0x0  }
0x2b: {  	s21 =	simm.s32 $0x5200;
	[sflag:s12] =	ssyncadd.s32 $0xFFFFD700  }
0x2c: {  	[tilespmem:s21], [sflag:$0x3] =	stream.linear.gather [hbm4b:s8+s20], $0x2900, $0x38;
	[tilespmem:$0xD920] =	vst v63  }
0x2d: {  	_ =	swait.ge [sflag:s12], $0x2900  }
0x2e: {  	[sflag:s12] =	ssyncset.done $0x0  }
0x2f: {  	[sflag:s12] =	ssyncadd.s32 $0xFFFFD700  }
0x30: {  	s22 =	simm.s32 $0x5280;
	[bflag:$0x0] =	sbarrier.arrive $0xFFFF  }
0x31: {  	[tilespmem:s15], [sflag:$0x1] =	stream.indirect.gather [hbm4b:s4+s14], $0x10, s20, s14, $0xb8;
	[tilespmem:$0xD920] =	vst v63  }
.LBB2_4:
0x32: {  	v1 =	vmov s21  }
0x33: {  	s24 =	sshll.u32 s20, $0xA;
	_ =	swait.ge [sflag:s16], $0x800  }
0x34: {  	[sflag:s16] =	ssyncset.done $0x0;
	s23 =	sor.u32 $0x200, s24  }
0x35: {  	s25 =	simm.s32 $0x0;
	[sflag:s16] =	ssyncadd.s32 $0xFFFFF800;
	s23 =	sshrl.u32 s23, $0x2  }
0x36: {  	[tilespmem:s17], [sflag:$0x2] =	stream.indirect.gather [hbm4b:s4+s14], $0x10, s23, s14, $0xb8;
	[tilespmem:$0xD920] =	vst v63  }
0x37: {  	v2 =	vld.idx.msk [tilespmem:v1+s25+$0x0 ss:$0x1], $0xffff  }
0x38: {  	s25 =	simm.s32 $0x7B80  }
0x39: {  	v3 =	vld [tilespmem:s25+$0xFFFFFF80]  }
0x3a: {  	v4 =	vld [tilespmem:s25+$0xFFFFFF90]  }
0x3b: {  	v5 =	vld [tilespmem:s25+$0xFFFFFFA0]  }
0x3c: {  	v6 =	vld [tilespmem:s25+$0xFFFFFFB0];
	v7 =	vbroadcast v2, $0x0  }
0x3d: {  	v10 =	vld [tilespmem:s25+$0xFFFFFFD0];
	v8 =	vbroadcast v2, $0x1  }
0x3e: {  	v46 =	vld [tilespmem:s25+$0xFFFFFFE0];
	v11 =	vbroadcast v2, $0x2;
	v3 =	vmul.f32 v7, v3  }
0x3f: {  	v9 =	vld [tilespmem:s25+$0xFFFFFFC0];
	v45 =	vbroadcast v2, $0x3;
	v4 =	vmul.f32 v4, v8  }
0x40: {  	v49 =	vld [tilespmem:s25+$0x10];
	v47 =	vbroadcast v2, $0x5;
	v5 =	vmul.f32 v5, v11;
	[tilespmem:s25+$0xFFFFFF80] =	vst v3  }
0x41: {  	v59 =	vld [tilespmem:s25+$0x60];
	v13 =	vbroadcast v2, $0x6;
	v6 =	vmul.f32 v6, v45;
	[tilespmem:s25+$0xFFFFFF90] =	vst v4  }
0x42: {  	v12 =	vld [tilespmem:s25+$0xFFFFFFF0];
	v7 =	vmul.f32 v10, v47;
	v3 =	vbroadcast v2, $0x4;
	[tilespmem:s25+$0xFFFFFFA0] =	vst v5  }
0x43: {  	v48 =	vld [tilespmem:s25+$0x0];
	v53 =	vbroadcast v2, $0x9;
	v8 =	vmul.f32 v46, v13;
	[tilespmem:s25+$0xFFFFFFB0] =	vst v6  }
0x44: {  	v52 =	vld [tilespmem:s25+$0x30];
	v62 =	vbroadcast v2, $0xE;
	[tilespmem:s25+$0xFFFFFFD0] =	vst v7;
	v3 =	vmul.f32 v9, v3  }
0x45: {  	v55 =	vld [tilespmem:s25+$0x50];
	v50 =	vbroadcast v2, $0x7;
	v58 =	vmul.f32 v49, v53;
	[tilespmem:s25+$0xFFFFFFE0] =	vst v8  }
0x46: {  	v51 =	vld [tilespmem:s25+$0x20];
	v63 =	vmul.f32 v59, v62;
	[tilespmem:s25+$0xFFFFFFC0] =	vst v3;
	v3 =	vbroadcast v2, $0x8  }
0x47: {  	v54 =	vld [tilespmem:s25+$0x40];
	v57 =	vbroadcast v2, $0xB;
	v5 =	vmul.f32 v12, v50;
	[tilespmem:s25+$0x10] =	vst v58  }
0x48: {  	v60 =	vld [tilespmem:s25+$0x70];
	v61 =	vbroadcast v2, $0xD;
	[tilespmem:s25+$0x60] =	vst v63;
	v3 =	vmul.f32 v48, v3  }
0x49: {  	v56 =	vbroadcast v2, $0xA;
	v4 =	vmul.f32 v52, v57;
	[tilespmem:s25+$0xFFFFFFF0] =	vst v5  }
0x4a: {  	v6 =	vmul.f32 v55, v61;
	[tilespmem:s25+$0x0] =	vst v3;
	v3 =	vbroadcast v2, $0xC  }
0x4b: {  	v9 =	vmul.f32 v51, v56;
	[tilespmem:s25+$0x30] =	vst v4;
	v2 =	vbroadcast v2, $0xF  }
0x4c: {  	[tilespmem:s25+$0x50] =	vst v6;
	v3 =	vmul.f32 v54, v3  }
0x4d: {  	[tilespmem:s25+$0x20] =	vst v9;
	v2 =	vmul.f32 v60, v2  }
0x4e: {  	[tilespmem:s25+$0x40] =	vst v3  }
0x4f: {  	s28 =	simm.s32 $0x10;
	s26 =	simm.s32 $0x80;
	[tilespmem:s25+$0x70] =	vst v2  }
.LBB2_5:
0x50: {  	p0 =	sne.s32 s26, $0x1C0;
	v2 =	vld.idx.msk [tilespmem:v1+s28+$0x0 ss:$0x1], $0xffff;
	s25 =	sadd.s32 $0x100, s25  }
0x51: {  	v3 =	vld [tilespmem:s25+$0xFFFFFFB0]  }
0x52: {  	v4 =	vld [tilespmem:s25+$0xFFFFFF90]  }
0x53: {  	v5 =	vld [tilespmem:s25+$0xFFFFFF80]  }
0x54: {  	v6 =	vld [tilespmem:s25+$0xFFFFFFA0]  }
0x55: {  	v7 =	vld [tilespmem:s25+$0xFFFFFFF0]  }
0x56: {  	v8 =	vbroadcast v2, $0x0;
	v9 =	vbroadcast v2, $0x1;
	v10 =	vld [tilespmem:s25+$0xFFFFFFD0]  }
0x57: {  	v11 =	vbroadcast v2, $0x2;
	v12 =	vbroadcast v2, $0x3;
	v13 =	vld [tilespmem:s25+$0xFFFFFFC0]  }
0x58: {  	v4 =	vmul.f32 v4, v9;
	v5 =	vmul.f32 v8, v5;
	v8 =	vld [tilespmem:s25+$0xFFFFFFE0]  }
0x59: {  	v3 =	vmul.f32 v3, v12;
	v6 =	vmul.f32 v6, v11;
	v9 =	vld [tilespmem:s25+$0x30]  }
0x5a: {  	v11 =	vbroadcast v2, $0x5;
	[tilespmem:s25+$0xFFFFFF80] =	vst v5;
	v5 =	vbroadcast v2, $0x4;
	v12 =	vld [tilespmem:s25+$0x10]  }
0x5b: {  	v14 =	vbroadcast v2, $0x7;
	[tilespmem:s25+$0xFFFFFF90] =	vst v4;
	v4 =	vbroadcast v2, $0x6;
	v15 =	vld [tilespmem:s25+$0x0]  }
0x5c: {  	[tilespmem:s25+$0xFFFFFFA0] =	vst v6;
	v5 =	vmul.f32 v13, v5;
	v6 =	vmul.f32 v10, v11;
	v10 =	vld [tilespmem:s25+$0x20]  }
0x5d: {  	[tilespmem:s25+$0xFFFFFFB0] =	vst v3;
	v3 =	vmul.f32 v8, v4;
	v4 =	vmul.f32 v7, v14;
	v7 =	vld [tilespmem:s25+$0x70]  }
0x5e: {  	v8 =	vbroadcast v2, $0x9;
	[tilespmem:s25+$0xFFFFFFC0] =	vst v5;
	v5 =	vbroadcast v2, $0x8;
	v11 =	vld [tilespmem:s25+$0x50]  }
0x5f: {  	v13 =	vbroadcast v2, $0xB;
	[tilespmem:s25+$0xFFFFFFD0] =	vst v6;
	v6 =	vbroadcast v2, $0xA;
	v14 =	vld [tilespmem:s25+$0x40]  }
0x60: {  	[tilespmem:s25+$0xFFFFFFE0] =	vst v3;
	v3 =	vmul.f32 v15, v5;
	v5 =	vmul.f32 v12, v8;
	v8 =	vld [tilespmem:s25+$0x60]  }
0x61: {  	[tilespmem:s25+$0xFFFFFFF0] =	vst v4;
	v4 =	vmul.f32 v10, v6;
	v6 =	vmul.f32 v9, v13  }
0x62: {  	v9 =	vbroadcast v2, $0xD;
	[tilespmem:s25+$0x0] =	vst v3;
	v3 =	vbroadcast v2, $0xC  }
0x63: {  	[tilespmem:s25+$0x10] =	vst v5;
	v5 =	vbroadcast v2, $0xE;
	v2 =	vbroadcast v2, $0xF  }
0x64: {  	[tilespmem:s25+$0x20] =	vst v4;
	v3 =	vmul.f32 v14, v3;
	v4 =	vmul.f32 v11, v9  }
.Ltmp1:
0x65: {  	[tilespmem:s25+$0x30] =	vst v6;
	v5 =	vmul.f32 v8, v5;
	v2 =	vmul.f32 v7, v2;
	(pc) =	sbr.rel @p0 .LBB2_5-.Ltmp1, $4  }
0x66: {  	[tilespmem:s25+$0x40] =	vst v3  }
0x67: {  	[tilespmem:s25+$0x50] =	vst v4  }
0x68: {  	[tilespmem:s25+$0x60] =	vst v5  }
0x69: {  	s28 =	sshra.s32 s26, $0x2;
	s26 =	sadd.s32 $0x40, s26;
	[tilespmem:s25+$0x70] =	vst v2  }
0x6a: {  	_ =	sdelay $0x3  }
0x6b: {  	v1 =	vld.idx.msk [tilespmem:v1+s28+$0x0 ss:$0x1], $0xffff  }
0x6c: {  	s25 =	sadd.s32 $0x100, s25  }
0x6d: {  	v2 =	vld [tilespmem:s25+$0xFFFFFF80]  }
0x6e: {  	v3 =	vld [tilespmem:s25+$0xFFFFFF90]  }
0x6f: {  	v4 =	vld [tilespmem:s25+$0xFFFFFFA0]  }
0x70: {  	v5 =	vld [tilespmem:s25+$0xFFFFFFB0];
	v6 =	vbroadcast v1, $0x0  }
0x71: {  	v9 =	vld [tilespmem:s25+$0xFFFFFFD0];
	v7 =	vbroadcast v1, $0x1  }
0x72: {  	v8 =	vld [tilespmem:s25+$0xFFFFFFC0];
	v10 =	vbroadcast v1, $0x2;
	v2 =	vmul.f32 v6, v2  }
0x73: {  	v22 =	vld [tilespmem:s25+$0xFFFFFFE0];
	v21 =	vbroadcast v1, $0x3;
	v3 =	vmul.f32 v3, v7  }
0x74: {  	v24 =	vld [tilespmem:s25+$0x10];
	v23 =	vbroadcast v1, $0x5;
	v4 =	vmul.f32 v4, v10;
	[tilespmem:s25+$0xFFFFFF80] =	vst v2  }
0x75: {  	v11 =	vld [tilespmem:s25+$0xFFFFFFF0];
	v5 =	vmul.f32 v5, v21;
	v2 =	vbroadcast v1, $0x4;
	[tilespmem:s25+$0xFFFFFF90] =	vst v3  }
0x76: {  	v12 =	vbroadcast v1, $0x6;
	v6 =	vmul.f32 v9, v23;
	v3 =	vld [tilespmem:s25+$0x0];
	[tilespmem:s25+$0xFFFFFFA0] =	vst v4  }
0x77: {  	v30 =	vld [tilespmem:s25+$0x50];
	v28 =	vbroadcast v1, $0x9;
	[tilespmem:s25+$0xFFFFFFB0] =	vst v5;
	v2 =	vmul.f32 v8, v2  }
0x78: {  	v26 =	vld [tilespmem:s25+$0x20];
	v25 =	vbroadcast v1, $0x7;
	v7 =	vmul.f32 v22, v12;
	[tilespmem:s25+$0xFFFFFFD0] =	vst v6  }
0x79: {  	v27 =	vld [tilespmem:s25+$0x30];
	v32 =	vmul.f32 v24, v28;
	[tilespmem:s25+$0xFFFFFFC0] =	vst v2;
	v2 =	vbroadcast v1, $0x8  }
0x7a: {  	v29 =	vld [tilespmem:s25+$0x40];
	v35 =	vbroadcast v1, $0xD;
	v4 =	vmul.f32 v11, v25;
	[tilespmem:s25+$0xFFFFFFE0] =	vst v7  }
0x7b: {  	v33 =	vld [tilespmem:s25+$0x60];
	v31 =	vbroadcast v1, $0xA;
	[tilespmem:s25+$0x10] =	vst v32;
	v2 =	vmul.f32 v3, v2  }
0x7c: {  	v34 =	vld [tilespmem:s25+$0x70];
	v5 =	vmul.f32 v30, v35;
	[tilespmem:s25+$0xFFFFFFF0] =	vst v4;
	v3 =	vbroadcast v1, $0xB  }
0x7d: {  	v8 =	vmul.f32 v26, v31;
	[tilespmem:s25+$0x0] =	vst v2;
	v2 =	vbroadcast v1, $0xC  }
0x7e: {  	v36 =	vbroadcast v1, $0xE;
	[tilespmem:s25+$0x50] =	vst v5;
	v3 =	vmul.f32 v27, v3  }
0x7f: {  	[tilespmem:s25+$0x20] =	vst v8;
	v1 =	vbroadcast v1, $0xF;
	v2 =	vmul.f32 v29, v2  }
0x80: {  	[tilespmem:s25+$0x30] =	vst v3;
	v3 =	vmul.f32 v33, v36  }
0x81: {  	v1 =	vmul.f32 v34, v1;
	[tilespmem:s25+$0x40] =	vst v2  }
0x82: {  	s26 =	sshrl.u32 s24, $0x2;
	[tilespmem:s25+$0x60] =	vst v3  }
0x83: {  	s30 =	sadd.s32 $0x2900, s26;
	[tilespmem:s25+$0x70] =	vst v1  }
0x84: {  	[spmem:s2] =	stream.indirect.scatter.add.f32 [tilespmem:s15], [sflag:$0x3], $0x10, s30, s14, $0xb8;
	[tilespmem:$0xD920] =	vst v63  }
0x85: {  	_ =	swait.ge [sflag:s12], $0x800  }
0x86: {  	[sflag:s12] =	ssyncset.done $0x0  }
0x87: {  	v1 =	vmov s22;
	[sflag:s12] =	ssyncadd.s32 $0xFFFFF800  }
0x88: {  	p0 =	seq.s32 s20, $0x28;
	s31 =	simm.s32 $0x0;
	_ =	swait.ge [sflag:s18], $0x800  }
0x89: {  	s24 =	sshrl.u32 @!p0 s24, $0x2;
	s26 =	simm.s32 @!p0 $0x7B00;
	[sflag:s18] =	ssyncset.done $0x0  }
0x8a: {  	s24 =	sadd.s32 @!p0 $0x100, s24;
	s25 =	simm.s32 @!p0 $0x80;
	[sflag:s18] =	ssyncadd.s32 $0xFFFFF800  }
0x8b: {  	[tilespmem:s26], [sflag:$0x1] =	stream.indirect.gather @!p0 [hbm4b:s4+s25], $0x10, s24, s25, $0xb8;
	[tilespmem:$0xD920] =	vst v63  }
0x8c: {  	v2 =	vld.idx.msk [tilespmem:v1+s31+$0x0 ss:$0x1], $0xffff  }
0x8d: {  	s24 =	simm.s32 $0x83F0  }
0x8e: {  	v3 =	vld [tilespmem:s24+$0xFFFFFF10]  }
0x8f: {  	v37 =	vld [tilespmem:s24+$0xFFFFFF20]  }
0x90: {  	v38 =	vld [tilespmem:s24+$0xFFFFFF30]  }
0x91: {  	v39 =	vld [tilespmem:s24+$0xFFFFFF40];
	v40 =	vbroadcast v2, $0x0  }
0x92: {  	v43 =	vld [tilespmem:s24+$0xFFFFFF60];
	v41 =	vbroadcast v2, $0x1  }
0x93: {  	v46 =	vld [tilespmem:s24+$0xFFFFFF70];
	v44 =	vbroadcast v2, $0x2;
	v3 =	vmul.f32 v40, v3  }
0x94: {  	v42 =	vld [tilespmem:s24+$0xFFFFFF50];
	v45 =	vbroadcast v2, $0x3;
	v4 =	vmul.f32 v37, v41  }
0x95: {  	v50 =	vld [tilespmem:s24+$0xFFFFFFA0];
	v48 =	vbroadcast v2, $0x5;
	v5 =	vmul.f32 v38, v44;
	[tilespmem:s24+$0xFFFFFF10] =	vst v3  }
0x96: {  	v52 =	vld [tilespmem:s24+$0xFFFFFFB0];
	v13 =	vbroadcast v2, $0x6;
	v6 =	vmul.f32 v39, v45;
	[tilespmem:s24+$0xFFFFFF20] =	vst v4  }
0x97: {  	v56 =	vld [tilespmem:s24+$0xFFFFFFE0];
	v7 =	vmul.f32 v43, v48;
	v3 =	vbroadcast v2, $0x4;
	[tilespmem:s24+$0xFFFFFF30] =	vst v5  }
0x98: {  	v49 =	vld [tilespmem:s24+$0xFFFFFF90];
	v54 =	vbroadcast v2, $0x9;
	v8 =	vmul.f32 v46, v13;
	[tilespmem:s24+$0xFFFFFF40] =	vst v6  }
0x99: {  	v47 =	vld [tilespmem:s24+$0xFFFFFF80];
	v57 =	vbroadcast v2, $0xA;
	[tilespmem:s24+$0xFFFFFF60] =	vst v7;
	v3 =	vmul.f32 v42, v3  }
0x9a: {  	v53 =	vld [tilespmem:s24+$0xFFFFFFC0];
	v61 =	vbroadcast v2, $0xD;
	v10 =	vmul.f32 v50, v54;
	[tilespmem:s24+$0xFFFFFF70] =	vst v8  }
0x9b: {  	v58 =	vld [tilespmem:s24+$0xFFFFFFF0];
	v9 =	vmul.f32 v52, v57;
	[tilespmem:s24+$0xFFFFFF50] =	vst v3;
	v3 =	vbroadcast v2, $0x8  }
0x9c: {  	v55 =	vld [tilespmem:s24+$0xFFFFFFD0];
	v51 =	vbroadcast v2, $0x7;
	v63 =	vmul.f32 v56, v61;
	[tilespmem:s24+$0xFFFFFFA0] =	vst v10  }
0x9d: {  	v60 =	vld [tilespmem:s24+$0x0];
	v59 =	vbroadcast v2, $0xB;
	[tilespmem:s24+$0xFFFFFFB0] =	vst v9;
	v3 =	vmul.f32 v49, v3  }
0x9e: {  	v62 =	vbroadcast v2, $0xE;
	v5 =	vmul.f32 v47, v51;
	[tilespmem:s24+$0xFFFFFFE0] =	vst v63  }
0x9f: {  	v6 =	vmul.f32 v53, v59;
	[tilespmem:s24+$0xFFFFFF90] =	vst v3;
	v3 =	vbroadcast v2, $0xC  }
0xa0: {  	v4 =	vmul.f32 v58, v62;
	[tilespmem:s24+$0xFFFFFF80] =	vst v5;
	v2 =	vbroadcast v2, $0xF  }
0xa1: {  	[tilespmem:s24+$0xFFFFFFC0] =	vst v6;
	v3 =	vmul.f32 v55, v3  }
0xa2: {  	[tilespmem:s24+$0xFFFFFFF0] =	vst v4;
	v2 =	vmul.f32 v60, v2  }
0xa3: {  	[tilespmem:s24+$0xFFFFFFD0] =	vst v3  }
0xa4: {  	s26 =	simm.s32 $0x10;
	s25 =	simm.s32 $0x80;
	[tilespmem:s24+$0x0] =	vst v2  }
.LBB2_7:
0xa5: {  	p0 =	sne.s32 s25, $0x1C0;
	v2 =	vld.idx.msk [tilespmem:v1+s26+$0x0 ss:$0x1], $0xffff;
	s24 =	sadd.s32 $0x100, s24  }
0xa6: {  	v3 =	vld [tilespmem:s24+$0xFFFFFF40]  }
0xa7: {  	v4 =	vld [tilespmem:s24+$0xFFFFFF20]  }
0xa8: {  	v5 =	vld [tilespmem:s24+$0xFFFFFF10]  }
0xa9: {  	v6 =	vld [tilespmem:s24+$0xFFFFFF30]  }
0xaa: {  	v7 =	vld [tilespmem:s24+$0xFFFFFF80]  }
0xab: {  	v8 =	vbroadcast v2, $0x0;
	v9 =	vbroadcast v2, $0x1;
	v10 =	vld [tilespmem:s24+$0xFFFFFF60]  }
0xac: {  	v11 =	vbroadcast v2, $0x2;
	v12 =	vbroadcast v2, $0x3;
	v13 =	vld [tilespmem:s24+$0xFFFFFF50]  }
0xad: {  	v4 =	vmul.f32 v4, v9;
	v5 =	vmul.f32 v8, v5;
	v8 =	vld [tilespmem:s24+$0xFFFFFF70]  }
0xae: {  	v3 =	vmul.f32 v3, v12;
	v6 =	vmul.f32 v6, v11;
	v9 =	vld [tilespmem:s24+$0xFFFFFFC0]  }
0xaf: {  	v11 =	vbroadcast v2, $0x5;
	[tilespmem:s24+$0xFFFFFF10] =	vst v5;
	v5 =	vbroadcast v2, $0x4;
	v12 =	vld [tilespmem:s24+$0xFFFFFFA0]  }
0xb0: {  	v14 =	vbroadcast v2, $0x7;
	[tilespmem:s24+$0xFFFFFF20] =	vst v4;
	v4 =	vbroadcast v2, $0x6;
	v15 =	vld [tilespmem:s24+$0xFFFFFF90]  }
0xb1: {  	[tilespmem:s24+$0xFFFFFF30] =	vst v6;
	v5 =	vmul.f32 v13, v5;
	v6 =	vmul.f32 v10, v11;
	v10 =	vld [tilespmem:s24+$0xFFFFFFB0]  }
0xb2: {  	[tilespmem:s24+$0xFFFFFF40] =	vst v3;
	v3 =	vmul.f32 v8, v4;
	v4 =	vmul.f32 v7, v14;
	v7 =	vld [tilespmem:s24+$0xFFFFFFF0]  }
0xb3: {  	v8 =	vbroadcast v2, $0x9;
	[tilespmem:s24+$0xFFFFFF50] =	vst v5;
	v5 =	vbroadcast v2, $0x8;
	v11 =	vld [tilespmem:s24+$0xFFFFFFE0]  }
0xb4: {  	v13 =	vbroadcast v2, $0xB;
	[tilespmem:s24+$0xFFFFFF60] =	vst v6;
	v6 =	vbroadcast v2, $0xA;
	v14 =	vld [tilespmem:s24+$0xFFFFFFD0]  }
0xb5: {  	[tilespmem:s24+$0xFFFFFF70] =	vst v3;
	v3 =	vmul.f32 v15, v5;
	v5 =	vmul.f32 v12, v8;
	v8 =	vld [tilespmem:s24+$0x0]  }
0xb6: {  	[tilespmem:s24+$0xFFFFFF80] =	vst v4;
	v4 =	vmul.f32 v10, v6;
	v6 =	vmul.f32 v9, v13  }
0xb7: {  	v9 =	vbroadcast v2, $0xD;
	[tilespmem:s24+$0xFFFFFF90] =	vst v3;
	v3 =	vbroadcast v2, $0xC  }
0xb8: {  	[tilespmem:s24+$0xFFFFFFA0] =	vst v5;
	v5 =	vbroadcast v2, $0xE;
	v2 =	vbroadcast v2, $0xF  }
0xb9: {  	[tilespmem:s24+$0xFFFFFFB0] =	vst v4;
	v3 =	vmul.f32 v14, v3;
	v4 =	vmul.f32 v11, v9  }
.Ltmp2:
0xba: {  	[tilespmem:s24+$0xFFFFFFC0] =	vst v6;
	v5 =	vmul.f32 v7, v5;
	v2 =	vmul.f32 v8, v2;
	(pc) =	sbr.rel @p0 .LBB2_7-.Ltmp2, $4  }
0xbb: {  	[tilespmem:s24+$0xFFFFFFD0] =	vst v3  }
0xbc: {  	[tilespmem:s24+$0xFFFFFFE0] =	vst v4  }
0xbd: {  	[tilespmem:s24+$0xFFFFFFF0] =	vst v5  }
0xbe: {  	s26 =	sshra.s32 s25, $0x2;
	s25 =	sadd.s32 $0x40, s25;
	[tilespmem:s24+$0x0] =	vst v2  }
0xbf: {  	_ =	sdelay $0x3  }
0xc0: {  	v1 =	vld.idx.msk [tilespmem:v1+s26+$0x0 ss:$0x1], $0xffff  }
0xc1: {  	s24 =	sadd.s32 $0x100, s24  }
0xc2: {  	v2 =	vld [tilespmem:s24+$0xFFFFFF10]  }
0xc3: {  	v3 =	vld [tilespmem:s24+$0xFFFFFF20]  }
0xc4: {  	v4 =	vld [tilespmem:s24+$0xFFFFFF30]  }
0xc5: {  	v5 =	vld [tilespmem:s24+$0xFFFFFF40];
	v6 =	vbroadcast v1, $0x0  }
0xc6: {  	v9 =	vld [tilespmem:s24+$0xFFFFFF60];
	v7 =	vbroadcast v1, $0x1;
	v10 =	vbroadcast v1, $0x2  }
0xc7: {  	v8 =	vld [tilespmem:s24+$0xFFFFFF50];
	v48 =	vbroadcast v1, $0x3;
	v2 =	vmul.f32 v6, v2  }
0xc8: {  	v49 =	vld [tilespmem:s24+$0xFFFFFF70];
	v50 =	vbroadcast v1, $0x5;
	v3 =	vmul.f32 v3, v7  }
0xc9: {  	v51 =	vld [tilespmem:s24+$0xFFFFFFA0];
	v12 =	vbroadcast v1, $0x6;
	v4 =	vmul.f32 v4, v10;
	[tilespmem:s24+$0xFFFFFF10] =	vst v2  }
0xca: {  	v57 =	vld [tilespmem:s24+$0xFFFFFFE0];
	v5 =	vmul.f32 v5, v48;
	v2 =	vbroadcast v1, $0x4;
	[tilespmem:s24+$0xFFFFFF20] =	vst v3  }
0xcb: {  	v52 =	vbroadcast v1, $0x7;
	v6 =	vmul.f32 v9, v50;
	v3 =	vld [tilespmem:s24+$0xFFFFFF90];
	[tilespmem:s24+$0xFFFFFF30] =	vst v4  }
0xcc: {  	v11 =	vld [tilespmem:s24+$0xFFFFFF80];
	v55 =	vbroadcast v1, $0x9;
	[tilespmem:s24+$0xFFFFFF40] =	vst v5;
	v2 =	vmul.f32 v8, v2  }
0xcd: {  	v54 =	vld [tilespmem:s24+$0xFFFFFFC0];
	v61 =	vbroadcast v1, $0xD;
	v7 =	vmul.f32 v49, v12;
	[tilespmem:s24+$0xFFFFFF60] =	vst v6  }
0xce: {  	v53 =	vld [tilespmem:s24+$0xFFFFFFB0];
	v9 =	vmul.f32 v51, v55;
	[tilespmem:s24+$0xFFFFFF50] =	vst v2;
	v2 =	vbroadcast v1, $0x8  }
0xcf: {  	v56 =	vld [tilespmem:s24+$0xFFFFFFD0];
	v58 =	vbroadcast v1, $0xA;
	v63 =	vmul.f32 v57, v61;
	[tilespmem:s24+$0xFFFFFF70] =	vst v7  }
0xd0: {  	v60 =	vld [tilespmem:s24+$0x0];
	v59 =	vbroadcast v1, $0xB;
	[tilespmem:s24+$0xFFFFFFA0] =	vst v9;
	v2 =	vmul.f32 v3, v2  }
0xd1: {  	v62 =	vbroadcast v1, $0xE;
	v4 =	vmul.f32 v11, v52;
	[tilespmem:s24+$0xFFFFFFE0] =	vst v63;
	v3 =	vld [tilespmem:s24+$0xFFFFFFF0]  }
0xd2: {  	v5 =	vmul.f32 v54, v59;
	[tilespmem:s24+$0xFFFFFF90] =	vst v2;
	v2 =	vbroadcast v1, $0xC  }
0xd3: {  	[tilespmem:s24+$0xFFFFFF80] =	vst v4;
	v8 =	vmul.f32 v53, v58;
	v1 =	vbroadcast v1, $0xF  }
0xd4: {  	[tilespmem:s24+$0xFFFFFFC0] =	vst v5;
	v2 =	vmul.f32 v56, v2  }
0xd5: {  	[tilespmem:s24+$0xFFFFFFB0] =	vst v8;
	v1 =	vmul.f32 v60, v1  }
0xd6: {  	s20 =	sadd.s32 $0x1, s20;
	v3 =	vmul.f32 v3, v62;
	[tilespmem:s24+$0xFFFFFFD0] =	vst v2  }
0xd7: {  	p0 =	sne.s32 s20, $0x29;
	[tilespmem:s24+$0x0] =	vst v1  }
.Ltmp3:
0xd8: {  	s23 =	sadd.s32 $0x2900, s23;
	[tilespmem:s24+$0xFFFFFFF0] =	vst v3;
	(pc) =	sbr.rel @p0 .LBB2_4-.Ltmp3, $4  }
0xd9: {  	[spmem:s2] =	stream.indirect.scatter.add.f32 [tilespmem:s17], [sflag:$0x3], $0x10, s23, s14, $0xb8;
	[tilespmem:$0xD920] =	vst v63  }
0xda: {  	_ =	swait.ge [sflag:s12], $0x800  }
0xdb: {  	[sflag:s12] =	ssyncset.done $0x0  }
0xdc: {  	s21 =	sadd.s32 $0x100, s21;
	s22 =	sadd.s32 $0x100, s22;
	[sflag:s12] =	ssyncadd.s32 $0xFFFFF800  }
0xdd: {  	[bflag:$0x0] =	sbarrier.arrive $0xFFFF  }
0xde: {  	[tilespmem:s11], [sflag:$0x3] =	stream.linear.gather [spmem:s5], $0x2710, $0x38;
	[tilespmem:$0xD920] =	vst v63  }
0xdf: {  	s19 =	sadd.s32 $0x1, s19;
	_ =	swait.ge [sflag:s12], $0x2710  }
0xe0: {  	p0 =	sne.s32 s19, s10;
	[sflag:s12] =	ssyncset.done $0x0  }
.Ltmp4:
0xe1: {  	[sflag:s12] =	ssyncadd.s32 $0xFFFFD8F0;
	(pc) =	sbr.rel @p0 .LBB2_1-.Ltmp4, $4  }
0xe2: {  	[hbm4b:s9+s3] =	stream.linear.scatter [tilespmem:s11], [sflag:$0x3], $0x2710, $0x38;
	[tilespmem:$0xD920] =	vst v63  }
0xe3: {  	_ =	swait.ge [sflag:s12], $0x2710  }
0xe4: {  	[sflag:s12] =	ssyncset.done $0x0  }
0xe5: {  	[sflag:s12] =	ssyncadd.s32 $0xFFFFD8F0  }
0xe6: {  	_ =	sfence.sel $0x180000  }
0xe7: {  	[bflag:$0x0] =	sbarrier.arrive $0xFFFF  }
0xe8: {  	p0 =	sne.s32 s1, $0x0;
	_ =	strace $0x9000004A  }
0xe9: {  	s0 =	sadd.s32 @!p0 $0x100000, s0;
	[bflag:$0x2] =	sbarrier.arrive $0xFFFF  }
0xea: {  	[sflag:s0] =	ssyncadd.tile.s32 @!p0 $0x1;
	_ =	shalt  }
.Lfunc_end2:
_tile_overlayer_lowered:
.L_overlay_start_2:
0xeb: {  	(tag) =	ssettag $0x2  }
0xec: {  	s0 =	rddreg [dreg:$0x0];
	s2 =	stileid.u32  }
0xed: {  	s1 =	rddreg [dreg:$0x1];
	p0 =	sne.s32 s2, $0x0  }
0xee: {  	s3 =	rddreg [dreg:$0x2];
	[bflag:$0x3] =	sbarrier.arrive $0xFFFF;
	s2 =	simm.s32 @!p0 $0x1C03  }
0xef: {  	[timem:s3], [sflag:s2] =	dma.local @!p0 [hbm:s0], s1  }
0xf0: {  	s0 =	simm.s32 @!p0 $0x3  }
0xf1: {  	_ =	swait.ge @!p0 [sflag:s0], s1  }
0xf2: {  	s1 =	ssub.s32 @!p0 $0x0, s1;
	[sflag:s0] =	ssyncset.done @!p0 $0x0  }
0xf3: {  	[sflag:s0] =	ssyncadd.s32 @!p0 s1  }
0xf4: {  	[bflag:$0x3] =	sbarrier.arrive $0xFFFF  }
0xf5: {  	_ =	shalt  }

// kernel: kernel.14.cloned.1.call-start
scs
__scs_entry_jumppad:
0x0: {  	(pc) =	sbr.rel $0x88, $3  }
0x1: {  	(tag) =	ssettag $0x0;
	lr =	simm.s32 $0x1  }
0x2: {  	[smem:$0x3F9A] =	sst lr;
	_ =	strace $0xD0000000  }
0x3: {  	_ = 	snop  }
0x4: {  	_ = 	snop  }
0x5: {  	_ = 	snop  }
0x6: {  	_ = 	snop  }
0x7: {  	_ = 	snop  }
__scs_overlays_trampoline_lowered:
0x8: {  	[smem:$0x3FA9] =	sst s0  }
0x9: {  	[smem:$0x3FAA] =	sst s1  }
0xa: {  	[smem:$0x3FAB] =	sst s2  }
0xb: {  	[smem:$0x3FAC] =	sst s3  }
0xc: {  	[smem:$0x3FAD] =	sst s4  }
0xd: {  	[smem:$0x3FAE] =	sst s5  }
0xe: {  	[smem:$0x3FAF] =	sst s6  }
0xf: {  	[smem:$0x3FB0] =	sst s7  }
0x10: {  	[smem:$0x3FB1] =	sst s8  }
0x11: {  	[smem:$0x3FB2] =	sst s9;
	s0 =	simm.s32 @!p0 $0x0  }
0x12: {  	s1 =	sld [smem:$0x3F98];
	s0 =	simm.s32 @p0 $0x1  }
0x13: {  	[smem:$0x3FB3] =	sst s0;
	s0 =	simm.s32 @!p1 $0x0  }
0x14: {  	s2 =	sld [smem:$0x3F97];
	s0 =	simm.s32 @p1 $0x1  }
0x15: {  	[smem:$0x3FB4] =	sst s0;
	s0 =	simm.s32 @!p2 $0x0  }
0x16: {  	s3 =	sld [smem:$0x3FDB];
	s0 =	simm.s32 @p2 $0x1  }
0x17: {  	s4 =	simm.s32 $0x1BF5;
	[smem:$0x3FB6] =	sst s0  }
0x18: {  	s0 =	sld [smem:$0x3F99];
	_ =	swait.ge [sflag:s4], $0x0  }
0x19: {  	s7 =	sld [smem:$0x3F9A]  }
0x1a: {  	s8 =	sadd.s32 $0xFFFFE003, lr  }
0x1b: {  	s9 =	sadd.s32 $0xFFFFFEF7, lr;
	s5 =	simm.s32 $0xFFFFFFFF;
	p2 =	slt.u32 s8, $0xFFFFF086  }
0x1c: {  	p1 =	slt.u32 s9, $0xF7A;
	s5 =	simm.s32 @!p2 $0x0  }
0x1d: {  	s5 =	simm.s32 @p1 $0x1;
	p0 =	seq.s32 s7, s2  }
0x1e: {  	s7 =	smul.u32 @!p0 $0xF7A, s2;
	p2 =	seq.s32 @!p0 s5, $0x0  }
0x1f: {  	s9 =	smul.u32 $0xF7A, s1;
	s8 =	simm.s32 @!p0 $0x1BF5;
	p2 =	por !p2, p0  }
0x20: {  	[sflag:s8] =	ssyncset.s32 @!p0 $0xFFFFF086;
	s6 =	sadd.s32 @!p0 s3, s7;
	s7 =	simm.s32 @!p0 $0x108  }
0x21: {  	s3 =	sadd.s32 s3, s9;
	s6 =	sadd.s32 @!p0 $0x88, s6;
	s7 =	simm.s32 @p2 $0x1082  }
0x22: {  	[simem:s7], [sflag:s8] =	dma.local @!p0 [hbm:s6], $0xF7A  }
0x23: {  	s9 =	sor.u32 $0xD0000000, s2;
	s6 =	simm.s32 $0x108;
	_ =	swait.ge @!p0 [sflag:s8], $0x0  }
0x24: {  	s3 =	sadd.s32 $0x88, s3;
	s6 =	simm.s32 @!p1 $0x1082;
	[sflag:s4] =	ssyncset.s32 $0xFFFFF086  }
0x25: {  	[simem:s6], [sflag:s4] =	dma.local [hbm:s3], $0xF7A  }
0x26: {  	[smem:$0x3F9A] =	sst s1;
	(tag) =	ssettag s2;
	_ =	strace s9  }
0x27: {  	s1 =	sld [smem:$0x3FAA]  }
0x28: {  	s2 =	sld [smem:$0x3FAB]  }
0x29: {  	s4 =	sld [smem:$0x3FAD]  }
0x2a: {  	p0 =	seq.s32 s5, $0x0;
	s5 =	sld [smem:$0x3FAE]  }
0x2b: {  	s6 =	sld [smem:$0x3FAF]  }
0x2c: {  	s7 =	sld [smem:$0x3FB0]  }
0x2d: {  	s3 =	simm.s32 $0x108;
	s8 =	sld [smem:$0x3FB1]  }
0x2e: {  	s3 =	simm.s32 @!p0 $0x1082;
	s9 =	sld [smem:$0x3FB2]  }
0x2f: {  	lr =	sadd.s32 s0, s3;
	s0 =	sld [smem:$0x3FA9]  }
0x30: {  	s3 =	sld [smem:$0x3FAC]  }
0x31: {  	[smem:$0x3FB5] =	sst s10  }
0x32: {  	s10 =	sld [smem:$0x3FB3];
	_ =	sdelay $0x3  }
0x33: {  	p0 =	seq.s32 s10, $0x1;
	s10 =	sld [smem:$0x3FB5];
	_ =	sdelay $0x3  }
0x34: {  	[smem:$0x3FB5] =	sst s10  }
0x35: {  	s10 =	sld [smem:$0x3FB4];
	_ =	sdelay $0x3  }
0x36: {  	p1 =	seq.s32 s10, $0x1;
	s10 =	sld [smem:$0x3FB5];
	_ =	sdelay $0x3  }
0x37: {  	[smem:$0x3FB5] =	sst s10  }
0x38: {  	s10 =	sld [smem:$0x3FB6]  }
0x39: {  	_ = 	snop;
	(pc) =	sbr.ind lr, $3  }
0x3a: {  	_ = 	snop  }
0x3b: {  	_ = 	snop  }
0x3c: {  	p2 =	seq.s32 s10, $0x1;
	s10 =	sld [smem:$0x3FB5]  }
0x3d: {  	_ =	shalt  }
0x3e: {  	_ =	shalt  }
0x3f: {  	_ =	shalt  }
0x40: {  	_ =	shalt  }
0x41: {  	_ =	shalt  }
0x42: {  	_ =	shalt  }
0x43: {  	_ =	shalt  }
0x44: {  	_ =	shalt  }
0x45: {  	_ =	shalt  }
0x46: {  	_ =	shalt  }
0x47: {  	_ =	shalt  }
0x48: {  	_ =	shalt  }
0x49: {  	_ =	shalt  }
0x4a: {  	_ =	shalt  }
0x4b: {  	_ =	shalt  }
0x4c: {  	_ =	shalt  }
0x4d: {  	_ =	shalt  }
0x4e: {  	_ =	shalt  }
0x4f: {  	_ =	shalt  }
0x50: {  	_ =	shalt  }
0x51: {  	_ =	shalt  }
0x52: {  	_ =	shalt  }
0x53: {  	_ =	shalt  }
0x54: {  	_ =	shalt  }
0x55: {  	_ =	shalt  }
0x56: {  	_ =	shalt  }
0x57: {  	_ =	shalt  }
0x58: {  	_ =	shalt  }
0x59: {  	_ =	shalt  }
0x5a: {  	_ =	shalt  }
0x5b: {  	_ =	shalt  }
0x5c: {  	_ =	shalt  }
0x5d: {  	_ =	shalt  }
0x5e: {  	_ =	shalt  }
0x5f: {  	_ =	shalt  }
0x60: {  	_ =	shalt  }
0x61: {  	_ =	shalt  }
0x62: {  	_ =	shalt  }
0x63: {  	_ =	shalt  }
0x64: {  	_ =	shalt  }
0x65: {  	_ =	shalt  }
0x66: {  	_ =	shalt  }
0x67: {  	_ =	shalt  }
0x68: {  	_ =	shalt  }
0x69: {  	_ =	shalt  }
0x6a: {  	_ =	shalt  }
0x6b: {  	_ =	shalt  }
0x6c: {  	_ =	shalt  }
0x6d: {  	_ =	shalt  }
0x6e: {  	_ =	shalt  }
0x6f: {  	_ =	shalt  }
0x70: {  	_ =	shalt  }
0x71: {  	_ =	shalt  }
0x72: {  	_ =	shalt  }
0x73: {  	_ =	shalt  }
0x74: {  	_ =	shalt  }
0x75: {  	_ =	shalt  }
0x76: {  	_ =	shalt  }
0x77: {  	_ =	shalt  }
0x78: {  	_ =	shalt  }
0x79: {  	_ =	shalt  }
0x7a: {  	_ =	shalt  }
0x7b: {  	_ =	shalt  }
0x7c: {  	_ =	shalt  }
0x7d: {  	_ =	shalt  }
0x7e: {  	_ =	shalt  }
0x7f: {  	_ =	shalt  }
0x80: {  	_ =	shalt  }
0x81: {  	_ =	shalt  }
0x82: {  	_ =	shalt  }
0x83: {  	_ =	shalt  }
0x84: {  	_ =	shalt  }
0x85: {  	_ =	shalt  }
0x86: {  	_ =	shalt  }
0x87: {  	_ =	shalt  }
.Lfunc_end0:
.L_simem_size_0:
called_computation.2_lowered:
.L_overlay_start_0:
0x88: {  	s2 =	sld [smem:$0x3FD9]  }
0x89: {  	s3 =	sld [smem:$0x3FFE];
	_ =	sdelay $0x1  }
0x8a: {  	s1 =	srdreg.scid  }
0x8b: {  	s0 =	sand.u32 $0x1, s1  }
0x8c: {  	s17 =	sshll.u32 s0, $0xA;
	s2 =	sadd.s32 s3, s2  }
0x8d: {  	s2 =	sadd.s32 s2, s17  }
0x8e: {  	[smem:$0x3FC1] =	sst s2  }
0x8f: {  	_ = 	snop  }
0x90: {  	s2 =	sld [smem:$0x3FD0];
	(tm) =	ssettm $0x1  }
0x91: {  	s18 =	sld [smem:$0x3FFB];
	_ =	sdelay $0x3  }
0x92: {  	_ =	strace s18  }
0x93: {  	s3 =	sld [smem:$0x3FFC];
	_ =	sdelay $0x3  }
0x94: {  	_ =	strace s3  }
0x95: {  	s3 =	sld [smem:$0x3FFD];
	_ =	sdelay $0x3  }
0x96: {  	_ =	strace s3  }
0x97: {  	_ =	strace $0x8FFFFFFF  }
0x98: {  	s19 =	sld [smem:$0x3FDB];
	_ =	sdelay $0x1  }
0x99: {  	s4 =	simm.s32 $_scs_section_size  }
0x9a: {  	s5 =	simm.s32 $_size__tile_overlayer_lowered;
	s6 =	simm.s32 $_tile_overlayer_lowered  }
0x9b: {  	s22 =	simm.s32 $0x1BFF;
	s21 =	sshll.u32 s6, $0x1;
	s3 =	sadd.s32 s4, s19  }
0x9c: {  	s7 =	simm.s32 $0x0;
	s20 =	sshll.u32 s5, $0x1;
	s5 =	sadd.s32 s21, s3  }
0x9d: {  	[timem:s7], [sflag:s22] =	dma.local [hbm:s5], s20  }
0x9e: {  	_ =	swait.ge [sflag:s22], s20  }
0x9f: {  	s4 =	ssub.s32 $0x0, s20;
	[sflag:s22] =	ssyncset.done $0x0  }
0xa0: {  	[sflag:s22] =	ssyncadd.s32 s4;
	_ =	sdelay $0x1  }
0xa1: {  	s23 =	simm.s32 $0x1B8B  }
0xa2: {  	_ =	swait.ge [sflag:s23], $0x1  }
0xa3: {  	[sflag:s23] =	ssyncset.done $0x0  }
0xa4: {  	s25 =	simm.s32 $0x1B8E;
	s24 =	sld [smem:$0x3FFE];
	[sflag:s23] =	ssyncadd.s32 $0xFFFFFFFF  }
0xa5: {  	s26 =	simm.s32 $execute0_lowered;
	[smem:$0x3FD2] =	sst s25  }
0xa6: {  	s5 =	sshll.u32 s26, $0x1;
	_ =	strace $0x8000004C;
	[dreg:$0x1] =	wrdreg $0xFFFFFFFF  }
0xa7: {  	s28 =	simm.s32 $_size_execute0_lowered;
	s3 =	sadd.s32 s3, s5;
	[dreg:$0x0] =	wrdreg $0x0  }
0xa8: {  	s5 =	sshll.u32 s28, $0x1;
	[dreg:$0x2] =	wrdreg s3  }
0xa9: {  	[dreg:$0x3] =	wrdreg s5  }
0xaa: {  	[dreg:$0x4] =	wrdreg $0xC0  }
0xab: {  	_ =	task [dreg:s7], $0x5FFFF  }
0xac: {  	[dreg:$0x1] =	wrdreg $0xFFFFFFFF  }
0xad: {  	[dreg:$0x0] =	wrdreg $0x60  }
0xae: {  	[dreg:$0x2] =	wrdreg s24  }
0xaf: {  	[dreg:$0x3] =	wrdreg s2  }
0xb0: {  	[dreg:$0x4] =	wrdreg $0x9  }
0xb1: {  	_ =	task.clear_ibuf [dreg:s7], $0x5FFFF;
	_ =	strace $0x9000004C  }
0xb2: {  	s29 =	simm.s32 $0x9;
	_ =	strace $0x8000004E  }
0xb3: {  	_ =	swait.ge [sflag:s29], $0x1  }
0xb4: {  	[sflag:s29] =	ssyncadd.s32 $0xFFFFFFFF  }
0xb5: {  	_ =	strace $0x9000004E  }
0xb6: {  	_ =	sfence  }
0xb7: {  	s30 =	sld [smem:$0x0];
	_ =	sdelay $0x2  }
0xb8: {  	s31 =	sshll.u32 s1, $0xD;
	s1 =	sshrl.u32 s1, $0x2  }
0xb9: {  	s3 =	sand.u32 $0x4000, s31;
	s1 =	sadd.s32 s1, s30  }
0xba: {  	s0 =	sor.u32 s3, s0;
	s1 =	sshll.u32 s1, $0x11  }
0xbb: {  	s0 =	sor.u32 s1, s0  }
0xbc: {  	s0 =	sadd.s32 $0x8F2B, s0  }
0xbd: {  	[sflag:s0] =	ssyncadd.remote.s32 $0x1  }
0xbe: {  	_ =	sfence.sel $0xFFFF  }
0xbf: {  	[dreg:$0x0] =	wrdreg $0xFFFFFFFF;
	(pc) =	sbr.abs _section_cstart, $3  }
0xc0: {  	[dreg:$0x1] =	wrdreg $0xFFFFFFFF  }
0xc1: {  	_ =	task.clear_ibuf [dreg:s7], $0x2FFFF;
	_ =	strace $0x9FFFFFFF  }
0xc2: {  	(tm) =	ssettm $0x7FFFFFFF  }
0xc3: {  	_ =	shalt  }
tec
execute0_lowered:
.L_overlay_start_1:
0x0: {  	(tag) =	ssettag $0x1  }
0x1: {  	s0 =	srdreg.scid;
	s5 =	rddreg [dreg:$0x0]  }
0x2: {  	s2 =	rddreg [dreg:$0x1];
	s3 =	simm.s32 $0x0;
	s4 =	sand.u32 $0x1, s0  }
0x3: {  	s10 =	simm.s32 $0x1;
	s0 =	stileid.u32;
	s1 =	sshll.u32 s4, $0x4  }
0x4: {  	s11 =	simm.s32 $0x2900;
	s12 =	simm.s32 $0x5200;
	s6 =	sor.u32 s0, s1  }
0x5: {  	s13 =	simm.s32 $0xA210;
	s14 =	simm.s32 $0x0;
	s7 =	smul.u32 $0x520, s6  }
0x6: {  	[smem:$0x7FF] =	sst s3;
	s4 =	ssub.s32 $0x2, s4;
	s6 =	smul.u32 $0x4E2, s6  }
0x7: {  	s1 =	rddreg [dreg:$0x2];
	_ =	strace $0x8000004D;
	s31 =	sshrl.u32 s4, $0x1  }
0x8: {  	s9 =	ssub.s32 s4, s31;
	s7 =	sadd.s32 s7, s5;
	s8 =	sadd.s32 s6, s5  }
0x9: {  	s4 =	sadd.s32 $0x1FE00, s7;
	s5 =	sadd.s32 $0x1800, s7;
	s6 =	sadd.s32 $0xBC00, s7  }
0xa: {  	v0 =	vimm.f32 $0.0e+00;
	s7 =	sadd.s32 $0x16000, s8;
	s8 =	smax.u32 s9, $0x1;
	s9 =	simm.s32 $0x7B00  }
.LBB2_1:
0xb: {  	s15 =	simm.s32 $0xA250  }
0xc: {  	[tilespmem:s15+$0xFFFFFFC0] =	vst v0  }
0xd: {  	[tilespmem:s15+$0x30] =	vst v0  }
0xe: {  	[tilespmem:s15+$0x20] =	vst v0  }
0xf: {  	[tilespmem:s15+$0x10] =	vst v0  }
0x10: {  	[tilespmem:s15+$0x0] =	vst v0  }
0x11: {  	[tilespmem:s15+$0xFFFFFFF0] =	vst v0  }
0x12: {  	s16 =	simm.s32 $0x0;
	[tilespmem:s15+$0xFFFFFFE0] =	vst v0  }
.LBB2_2:
0x13: {  	s16 =	sadd.s32 $0x8, s16;
	[tilespmem:s15+$0xFFFFFFD0] =	vst v0;
	s15 =	sadd.s32 $0x80, s15  }
0x14: {  	[tilespmem:s15+$0xFFFFFFC0] =	vst v0;
	p0 =	slt.u32 s16, $0x268  }
0x15: {  	[tilespmem:s15+$0x30] =	vst v0  }
.Ltmp0:
0x16: {  	[tilespmem:s15+$0x20] =	vst v0;
	(pc) =	sbr.rel @p0 .LBB2_2-.Ltmp0, $4  }
0x17: {  	[tilespmem:s15+$0x10] =	vst v0  }
0x18: {  	[tilespmem:s15+$0x0] =	vst v0  }
0x19: {  	[tilespmem:s15+$0xFFFFFFF0] =	vst v0  }
0x1a: {  	[tilespmem:s15+$0xFFFFFFE0] =	vst v0  }
0x1b: {  	[tilespmem:s15+$0xFFFFFFD0] =	vst v0  }
0x1c: {  	[tilespmem:$0xC910] =	vst v0  }
0x1d: {  	[tilespmem:s9], [sflag:$0x1] =	stream.linear.gather [hbm4b:s2+s3], $0x2710, $0x38;
	[tilespmem:$0xC920] =	vst v63  }
0x1e: {  	_ =	swait.ge [sflag:s10], $0x2710  }
0x1f: {  	[sflag:s10] =	ssyncset.done $0x0  }
0x20: {  	[sflag:s10] =	ssyncadd.s32 $0xFFFFD8F0  }
0x21: {  	[tilespmem:s3], [sflag:$0x1] =	stream.linear.gather [hbm4b:s4+s3], $0x2900, $0x38;
	[tilespmem:$0xC920] =	vst v63  }
0x22: {  	_ =	swait.ge [sflag:s10], $0x2900  }
0x23: {  	[sflag:s10] =	ssyncset.done $0x0  }
0x24: {  	[sflag:s10] =	ssyncadd.s32 $0xFFFFD700  }
0x25: {  	[tilespmem:s11], [sflag:$0x1] =	stream.linear.gather [hbm4b:s5+s3], $0x2900, $0x38;
	[tilespmem:$0xC920] =	vst v63  }
0x26: {  	_ =	swait.ge [sflag:s10], $0x2900  }
0x27: {  	[sflag:s10] =	ssyncset.done $0x0  }
0x28: {  	[sflag:s10] =	ssyncadd.s32 $0xFFFFD700  }
0x29: {  	[tilespmem:s12], [sflag:$0x1] =	stream.linear.gather [hbm4b:s6+s3], $0x2900, $0x38;
	[tilespmem:$0xC920] =	vst v63  }
0x2a: {  	_ =	swait.ge [sflag:s10], $0x2900  }
0x2b: {  	s15 =	simm.s32 $0xFFFFFFFC;
	s16 =	simm.s32 $0x5220;
	[sflag:s10] =	ssyncset.done $0x0  }
0x2c: {  	s17 =	simm.s32 $0x2920;
	s18 =	simm.s32 $0x20;
	[sflag:s10] =	ssyncadd.s32 $0xFFFFD700  }
.LBB2_4:
0x2d: {  	v1 =	vld [tilespmem:s18+$0xFFFFFFE0];
	_ =	sdelay $0x5  }
0x2e: {  	v2 =	vld [tilespmem:s17+$0xFFFFFFE0]  }
0x2f: {  	v3 =	vld [tilespmem:s16+$0xFFFFFFE0]  }
0x30: {  	v1 =	vld.idx.msk [tilespmem:v1+s9+$0x0], $0xffff;
	_ =	sdelay $0x4  }
0x31: {  	v1 =	vmul.f32 v1, v3;
	_ =	sdelay $0x1  }
0x32: {  	[tilespmem:v2+s13+$0x0] =	vst.idx.add.f32.msk $0xffff, v1  }
0x33: {  	v1 =	vld [tilespmem:s18+$0xFFFFFFF0];
	_ =	sdelay $0x5  }
0x34: {  	v2 =	vld [tilespmem:s17+$0xFFFFFFF0]  }
0x35: {  	v3 =	vld [tilespmem:s16+$0xFFFFFFF0]  }
0x36: {  	v1 =	vld.idx.msk [tilespmem:v1+s9+$0x0], $0xffff;
	_ =	sdelay $0x4  }
0x37: {  	v1 =	vmul.f32 v1, v3;
	_ =	sdelay $0x1  }
0x38: {  	[tilespmem:v2+s13+$0x0] =	vst.idx.add.f32.msk $0xffff, v1  }
0x39: {  	v1 =	vld [tilespmem:s18+$0x0];
	_ =	sdelay $0x5  }
0x3a: {  	v2 =	vld [tilespmem:s17+$0x0]  }
0x3b: {  	v3 =	vld [tilespmem:s16+$0x0]  }
0x3c: {  	v1 =	vld.idx.msk [tilespmem:v1+s9+$0x0], $0xffff;
	_ =	sdelay $0x4  }
0x3d: {  	v1 =	vmul.f32 v1, v3;
	_ =	sdelay $0x1  }
0x3e: {  	[tilespmem:v2+s13+$0x0] =	vst.idx.add.f32.msk $0xffff, v1  }
0x3f: {  	v1 =	vld [tilespmem:s18+$0x10];
	_ =	sdelay $0x5  }
0x40: {  	v2 =	vld [tilespmem:s17+$0x10]  }
0x41: {  	v3 =	vld [tilespmem:s16+$0x10]  }
0x42: {  	v1 =	vld.idx.msk [tilespmem:v1+s9+$0x0], $0xffff  }
0x43: {  	s15 =	sadd.s32 $0x4, s15  }
0x44: {  	p0 =	slt.u32 s15, $0x28C  }
.Ltmp1:
0x45: {  	_ = 	snop;
	(pc) =	sbr.rel @p0 .LBB2_4-.Ltmp1, $3  }
0x46: {  	_ = 	snop  }
0x47: {  	v1 =	vmul.f32 v1, v3;
	_ =	sdelay $0x1  }
0x48: {  	s16 =	sadd.s32 $0x40, s16;
	s17 =	sadd.s32 $0x40, s17;
	s18 =	sadd.s32 $0x40, s18;
	[tilespmem:v2+s13+$0x0] =	vst.idx.add.f32.msk $0xffff, v1  }
0x49: {  	s14 =	sadd.s32 $0x1, s14  }
0x4a: {  	p0 =	sne.s32 s14, s8  }
.Ltmp2:
0x4b: {  	_ = 	snop;
	(pc) =	sbr.rel @p0 .LBB2_1-.Ltmp2, $4  }
0x4c: {  	[hbm4b:s7+s3] =	stream.linear.scatter [tilespmem:s13], [sflag:$0x1], $0x2710, $0x38;
	[tilespmem:$0xC920] =	vst v63  }
0x4d: {  	_ =	swait.ge [sflag:s10], $0x2710  }
0x4e: {  	[sflag:s10] =	ssyncset.done $0x0  }
0x4f: {  	[sflag:s10] =	ssyncadd.s32 $0xFFFFD8F0  }
0x50: {  	_ =	sfence.sel $0x180000  }
0x51: {  	[bflag:$0x0] =	sbarrier.arrive $0xFFFF  }
0x52: {  	p0 =	sne.s32 s0, $0x0;
	_ =	strace $0x9000004D  }
0x53: {  	s0 =	sadd.s32 @!p0 $0x100000, s1;
	[bflag:$0x2] =	sbarrier.arrive $0xFFFF  }
0x54: {  	[sflag:s0] =	ssyncadd.tile.s32 @!p0 $0x1;
	_ =	shalt  }
.Lfunc_end2:
_tile_overlayer_lowered:
.L_overlay_start_2:
0x55: {  	(tag) =	ssettag $0x2  }
0x56: {  	s0 =	rddreg [dreg:$0x0];
	s2 =	stileid.u32  }
0x57: {  	s1 =	rddreg [dreg:$0x1];
	p0 =	sne.s32 s2, $0x0  }
0x58: {  	s3 =	rddreg [dreg:$0x2];
	[bflag:$0x3] =	sbarrier.arrive $0xFFFF;
	s2 =	simm.s32 @!p0 $0x1C01  }
0x59: {  	[timem:s3], [sflag:s2] =	dma.local @!p0 [hbm:s0], s1  }
0x5a: {  	s0 =	simm.s32 @!p0 $0x1  }
0x5b: {  	_ =	swait.ge @!p0 [sflag:s0], s1  }
0x5c: {  	s1 =	ssub.s32 @!p0 $0x0, s1;
	[sflag:s0] =	ssyncset.done @!p0 $0x0  }
0x5d: {  	[sflag:s0] =	ssyncadd.s32 @!p0 s1  }
0x5e: {  	[bflag:$0x3] =	sbarrier.arrive $0xFFFF  }
0x5f: {  	_ =	shalt  }

// kernel: kernel.8.cloned.1.call-start
scs
__scs_entry_jumppad:
0x0: {  	(pc) =	sbr.rel $0x88, $3  }
0x1: {  	(tag) =	ssettag $0x0;
	lr =	simm.s32 $0x1  }
0x2: {  	[smem:$0x3F9A] =	sst lr;
	_ =	strace $0xD0000000  }
0x3: {  	_ = 	snop  }
0x4: {  	_ = 	snop  }
0x5: {  	_ = 	snop  }
0x6: {  	_ = 	snop  }
0x7: {  	_ = 	snop  }
__scs_overlays_trampoline_lowered:
0x8: {  	[smem:$0x3FA9] =	sst s0  }
0x9: {  	[smem:$0x3FAA] =	sst s1  }
0xa: {  	[smem:$0x3FAB] =	sst s2  }
0xb: {  	[smem:$0x3FAC] =	sst s3  }
0xc: {  	[smem:$0x3FAD] =	sst s4  }
0xd: {  	[smem:$0x3FAE] =	sst s5  }
0xe: {  	[smem:$0x3FAF] =	sst s6  }
0xf: {  	[smem:$0x3FB0] =	sst s7  }
0x10: {  	[smem:$0x3FB1] =	sst s8  }
0x11: {  	[smem:$0x3FB2] =	sst s9;
	s0 =	simm.s32 @!p0 $0x0  }
0x12: {  	s1 =	sld [smem:$0x3F98];
	s0 =	simm.s32 @p0 $0x1  }
0x13: {  	[smem:$0x3FB3] =	sst s0;
	s0 =	simm.s32 @!p1 $0x0  }
0x14: {  	s2 =	sld [smem:$0x3F97];
	s0 =	simm.s32 @p1 $0x1  }
0x15: {  	[smem:$0x3FB4] =	sst s0;
	s0 =	simm.s32 @!p2 $0x0  }
0x16: {  	s3 =	sld [smem:$0x3FDB];
	s0 =	simm.s32 @p2 $0x1  }
0x17: {  	s4 =	simm.s32 $0x1BF5;
	[smem:$0x3FB6] =	sst s0  }
0x18: {  	s0 =	sld [smem:$0x3F99];
	_ =	swait.ge [sflag:s4], $0x0  }
0x19: {  	s7 =	sld [smem:$0x3F9A]  }
0x1a: {  	s8 =	sadd.s32 $0xFFFFE003, lr  }
0x1b: {  	s9 =	sadd.s32 $0xFFFFFEF7, lr;
	s5 =	simm.s32 $0xFFFFFFFF;
	p2 =	slt.u32 s8, $0xFFFFF086  }
0x1c: {  	p1 =	slt.u32 s9, $0xF7A;
	s5 =	simm.s32 @!p2 $0x0  }
0x1d: {  	s5 =	simm.s32 @p1 $0x1;
	p0 =	seq.s32 s7, s2  }
0x1e: {  	s7 =	smul.u32 @!p0 $0xF7A, s2;
	p2 =	seq.s32 @!p0 s5, $0x0  }
0x1f: {  	s9 =	smul.u32 $0xF7A, s1;
	s8 =	simm.s32 @!p0 $0x1BF5;
	p2 =	por !p2, p0  }
0x20: {  	[sflag:s8] =	ssyncset.s32 @!p0 $0xFFFFF086;
	s6 =	sadd.s32 @!p0 s3, s7;
	s7 =	simm.s32 @!p0 $0x108  }
0x21: {  	s3 =	sadd.s32 s3, s9;
	s6 =	sadd.s32 @!p0 $0x88, s6;
	s7 =	simm.s32 @p2 $0x1082  }
0x22: {  	[simem:s7], [sflag:s8] =	dma.local @!p0 [hbm:s6], $0xF7A  }
0x23: {  	s9 =	sor.u32 $0xD0000000, s2;
	s6 =	simm.s32 $0x108;
	_ =	swait.ge @!p0 [sflag:s8], $0x0  }
0x24: {  	s3 =	sadd.s32 $0x88, s3;
	s6 =	simm.s32 @!p1 $0x1082;
	[sflag:s4] =	ssyncset.s32 $0xFFFFF086  }
0x25: {  	[simem:s6], [sflag:s4] =	dma.local [hbm:s3], $0xF7A  }
0x26: {  	[smem:$0x3F9A] =	sst s1;
	(tag) =	ssettag s2;
	_ =	strace s9  }
0x27: {  	s1 =	sld [smem:$0x3FAA]  }
0x28: {  	s2 =	sld [smem:$0x3FAB]  }
0x29: {  	s4 =	sld [smem:$0x3FAD]  }
0x2a: {  	p0 =	seq.s32 s5, $0x0;
	s5 =	sld [smem:$0x3FAE]  }
0x2b: {  	s6 =	sld [smem:$0x3FAF]  }
0x2c: {  	s7 =	sld [smem:$0x3FB0]  }
0x2d: {  	s3 =	simm.s32 $0x108;
	s8 =	sld [smem:$0x3FB1]  }
0x2e: {  	s3 =	simm.s32 @!p0 $0x1082;
	s9 =	sld [smem:$0x3FB2]  }
0x2f: {  	lr =	sadd.s32 s0, s3;
	s0 =	sld [smem:$0x3FA9]  }
0x30: {  	s3 =	sld [smem:$0x3FAC]  }
0x31: {  	[smem:$0x3FB5] =	sst s10  }
0x32: {  	s10 =	sld [smem:$0x3FB3];
	_ =	sdelay $0x3  }
0x33: {  	p0 =	seq.s32 s10, $0x1;
	s10 =	sld [smem:$0x3FB5];
	_ =	sdelay $0x3  }
0x34: {  	[smem:$0x3FB5] =	sst s10  }
0x35: {  	s10 =	sld [smem:$0x3FB4];
	_ =	sdelay $0x3  }
0x36: {  	p1 =	seq.s32 s10, $0x1;
	s10 =	sld [smem:$0x3FB5];
	_ =	sdelay $0x3  }
0x37: {  	[smem:$0x3FB5] =	sst s10  }
0x38: {  	s10 =	sld [smem:$0x3FB6]  }
0x39: {  	_ = 	snop;
	(pc) =	sbr.ind lr, $3  }
0x3a: {  	_ = 	snop  }
0x3b: {  	_ = 	snop  }
0x3c: {  	p2 =	seq.s32 s10, $0x1;
	s10 =	sld [smem:$0x3FB5]  }
0x3d: {  	_ =	shalt  }
0x3e: {  	_ =	shalt  }
0x3f: {  	_ =	shalt  }
0x40: {  	_ =	shalt  }
0x41: {  	_ =	shalt  }
0x42: {  	_ =	shalt  }
0x43: {  	_ =	shalt  }
0x44: {  	_ =	shalt  }
0x45: {  	_ =	shalt  }
0x46: {  	_ =	shalt  }
0x47: {  	_ =	shalt  }
0x48: {  	_ =	shalt  }
0x49: {  	_ =	shalt  }
0x4a: {  	_ =	shalt  }
0x4b: {  	_ =	shalt  }
0x4c: {  	_ =	shalt  }
0x4d: {  	_ =	shalt  }
0x4e: {  	_ =	shalt  }
0x4f: {  	_ =	shalt  }
0x50: {  	_ =	shalt  }
0x51: {  	_ =	shalt  }
0x52: {  	_ =	shalt  }
0x53: {  	_ =	shalt  }
0x54: {  	_ =	shalt  }
0x55: {  	_ =	shalt  }
0x56: {  	_ =	shalt  }
0x57: {  	_ =	shalt  }
0x58: {  	_ =	shalt  }
0x59: {  	_ =	shalt  }
0x5a: {  	_ =	shalt  }
0x5b: {  	_ =	shalt  }
0x5c: {  	_ =	shalt  }
0x5d: {  	_ =	shalt  }
0x5e: {  	_ =	shalt  }
0x5f: {  	_ =	shalt  }
0x60: {  	_ =	shalt  }
0x61: {  	_ =	shalt  }
0x62: {  	_ =	shalt  }
0x63: {  	_ =	shalt  }
0x64: {  	_ =	shalt  }
0x65: {  	_ =	shalt  }
0x66: {  	_ =	shalt  }
0x67: {  	_ =	shalt  }
0x68: {  	_ =	shalt  }
0x69: {  	_ =	shalt  }
0x6a: {  	_ =	shalt  }
0x6b: {  	_ =	shalt  }
0x6c: {  	_ =	shalt  }
0x6d: {  	_ =	shalt  }
0x6e: {  	_ =	shalt  }
0x6f: {  	_ =	shalt  }
0x70: {  	_ =	shalt  }
0x71: {  	_ =	shalt  }
0x72: {  	_ =	shalt  }
0x73: {  	_ =	shalt  }
0x74: {  	_ =	shalt  }
0x75: {  	_ =	shalt  }
0x76: {  	_ =	shalt  }
0x77: {  	_ =	shalt  }
0x78: {  	_ =	shalt  }
0x79: {  	_ =	shalt  }
0x7a: {  	_ =	shalt  }
0x7b: {  	_ =	shalt  }
0x7c: {  	_ =	shalt  }
0x7d: {  	_ =	shalt  }
0x7e: {  	_ =	shalt  }
0x7f: {  	_ =	shalt  }
0x80: {  	_ =	shalt  }
0x81: {  	_ =	shalt  }
0x82: {  	_ =	shalt  }
0x83: {  	_ =	shalt  }
0x84: {  	_ =	shalt  }
0x85: {  	_ =	shalt  }
0x86: {  	_ =	shalt  }
0x87: {  	_ =	shalt  }
.Lfunc_end0:
.L_simem_size_0:
called_computation_lowered:
.L_overlay_start_0:
0x88: {  	s2 =	sld [smem:$0x3FD9]  }
0x89: {  	s3 =	sld [smem:$0x3FFE];
	_ =	sdelay $0x1  }
0x8a: {  	s1 =	srdreg.scid  }
0x8b: {  	s0 =	sand.u32 $0x1, s1  }
0x8c: {  	s16 =	sshll.u32 s0, $0xA;
	s2 =	sadd.s32 s3, s2  }
0x8d: {  	s2 =	sadd.s32 s2, s16  }
0x8e: {  	[smem:$0x3FC1] =	sst s2  }
0x8f: {  	_ = 	snop  }
0x90: {  	(tm) =	ssettm $0x1  }
0x91: {  	s17 =	sld [smem:$0x3FFB];
	_ =	sdelay $0x3  }
0x92: {  	_ =	strace s17  }
0x93: {  	s2 =	sld [smem:$0x3FFC];
	_ =	sdelay $0x3  }
0x94: {  	_ =	strace s2  }
0x95: {  	s2 =	sld [smem:$0x3FFD];
	_ =	sdelay $0x3  }
0x96: {  	_ =	strace s2  }
0x97: {  	_ =	strace $0x8FFFFFFF  }
0x98: {  	s18 =	sld [smem:$0x3FDB];
	_ =	sdelay $0x1  }
0x99: {  	s19 =	simm.s32 $_scs_section_size  }
0x9a: {  	s4 =	simm.s32 $_size__tile_overlayer_lowered;
	s5 =	simm.s32 $_tile_overlayer_lowered  }
0x9b: {  	s22 =	simm.s32 $0x1BFF;
	s21 =	sshll.u32 s5, $0x1;
	s2 =	sadd.s32 s19, s18  }
0x9c: {  	s6 =	simm.s32 $0x0;
	s20 =	sshll.u32 s4, $0x1;
	s4 =	sadd.s32 s21, s2  }
0x9d: {  	[timem:s6], [sflag:s22] =	dma.local [hbm:s4], s20  }
0x9e: {  	_ =	swait.ge [sflag:s22], s20  }
0x9f: {  	s3 =	ssub.s32 $0x0, s20;
	[sflag:s22] =	ssyncset.done $0x0  }
0xa0: {  	[sflag:s22] =	ssyncadd.s32 s3;
	_ =	sdelay $0x1  }
0xa1: {  	s23 =	simm.s32 $0x1B8B  }
0xa2: {  	_ =	swait.ge [sflag:s23], $0x1  }
0xa3: {  	[sflag:s23] =	ssyncset.done $0x0  }
0xa4: {  	s25 =	simm.s32 $0x1B8E;
	s24 =	sld [smem:$0x3FFE];
	[sflag:s23] =	ssyncadd.s32 $0xFFFFFFFF  }
0xa5: {  	s26 =	simm.s32 $execute0_lowered;
	[smem:$0x3FD2] =	sst s25  }
0xa6: {  	s4 =	sshll.u32 s26, $0x1;
	_ =	strace $0x80000046;
	[dreg:$0x1] =	wrdreg $0xFFFFFFFF  }
0xa7: {  	s28 =	simm.s32 $_size_execute0_lowered;
	s2 =	sadd.s32 s2, s4;
	[dreg:$0x0] =	wrdreg $0x0  }
0xa8: {  	s4 =	sshll.u32 s28, $0x1;
	[dreg:$0x2] =	wrdreg s2  }
0xa9: {  	[dreg:$0x3] =	wrdreg s4  }
0xaa: {  	[dreg:$0x4] =	wrdreg $0xC0  }
0xab: {  	_ =	task [dreg:s6], $0x5FFFF  }
0xac: {  	[dreg:$0x1] =	wrdreg $0xFFFFFFFF  }
0xad: {  	[dreg:$0x0] =	wrdreg $0x60  }
0xae: {  	[dreg:$0x2] =	wrdreg s24  }
0xaf: {  	[dreg:$0x3] =	wrdreg $0x9  }
0xb0: {  	_ =	task.clear_ibuf [dreg:s6], $0x4FFFF;
	_ =	strace $0x90000046  }
0xb1: {  	s29 =	simm.s32 $0x9;
	_ =	strace $0x80000048  }
0xb2: {  	_ =	swait.ge [sflag:s29], $0x1  }
0xb3: {  	[sflag:s29] =	ssyncadd.s32 $0xFFFFFFFF  }
0xb4: {  	_ =	strace $0x90000048  }
0xb5: {  	_ =	sfence  }
0xb6: {  	s30 =	sld [smem:$0x0];
	_ =	sdelay $0x2  }
0xb7: {  	s31 =	sshll.u32 s1, $0xD;
	s1 =	sshrl.u32 s1, $0x2  }
0xb8: {  	s3 =	sand.u32 $0x4000, s31;
	s1 =	sadd.s32 s1, s30  }
0xb9: {  	s0 =	sor.u32 s3, s0;
	s1 =	sshll.u32 s1, $0x11  }
0xba: {  	s0 =	sor.u32 s1, s0  }
0xbb: {  	s0 =	sadd.s32 $0x8F2B, s0  }
0xbc: {  	[sflag:s0] =	ssyncadd.remote.s32 $0x1  }
0xbd: {  	_ =	sfence.sel $0xFFFF  }
0xbe: {  	[dreg:$0x0] =	wrdreg $0xFFFFFFFF;
	(pc) =	sbr.abs _section_cstart, $3  }
0xbf: {  	[dreg:$0x1] =	wrdreg $0xFFFFFFFF  }
0xc0: {  	_ =	task.clear_ibuf [dreg:s6], $0x2FFFF;
	_ =	strace $0x9FFFFFFF  }
0xc1: {  	(tm) =	ssettm $0x7FFFFFFF  }
tec
execute0_lowered:
.L_overlay_start_1:
0x0: {  	(tag) =	ssettag $0x1  }
0x1: {  	s0 =	srdreg.scid  }
0x2: {  	s4 =	rddreg [dreg:$0x0];
	s2 =	simm.s32 $0x0;
	s3 =	sand.u32 $0x1, s0  }
0x3: {  	s8 =	simm.s32 $0x2900;
	s0 =	stileid.u32;
	s1 =	sshll.u32 s3, $0x4  }
0x4: {  	s9 =	simm.s32 $0x5200;
	s10 =	simm.s32 $0x0;
	s5 =	sor.u32 s0, s1  }
0x5: {  	[smem:$0x7FF] =	sst s2;
	s3 =	ssub.s32 $0x2, s3;
	s6 =	smul.u32 $0x520, s5  }
0x6: {  	s1 =	rddreg [dreg:$0x1];
	s31 =	sshrl.u32 s3, $0x1;
	s5 =	smul.u32 $0x4E2, s5  }
0x7: {  	_ =	strace $0x80000047;
	s7 =	ssub.s32 s3, s31;
	s6 =	sadd.s32 s6, s4  }
0x8: {  	s5 =	sadd.s32 s5, s4;
	s3 =	sadd.s32 $0x1800, s6;
	s4 =	sadd.s32 $0xBC00, s6  }
0x9: {  	v0 =	vimm.f32 $0.0e+00;
	s5 =	sadd.s32 $0x16000, s5;
	s6 =	smax.u32 s7, $0x1;
	s7 =	simm.s32 $0x1  }
.LBB2_1:
0xa: {  	s11 =	simm.s32 $0x5240  }
0xb: {  	[tilespmem:s11+$0xFFFFFFC0] =	vst v0  }
0xc: {  	[tilespmem:s11+$0x30] =	vst v0  }
0xd: {  	[tilespmem:s11+$0x20] =	vst v0  }
0xe: {  	[tilespmem:s11+$0x10] =	vst v0  }
0xf: {  	[tilespmem:s11+$0x0] =	vst v0  }
0x10: {  	[tilespmem:s11+$0xFFFFFFF0] =	vst v0  }
0x11: {  	s12 =	simm.s32 $0x0;
	[tilespmem:s11+$0xFFFFFFE0] =	vst v0  }
.LBB2_2:
0x12: {  	s12 =	sadd.s32 $0x8, s12;
	[tilespmem:s11+$0xFFFFFFD0] =	vst v0;
	s11 =	sadd.s32 $0x80, s11  }
0x13: {  	[tilespmem:s11+$0xFFFFFFC0] =	vst v0;
	p0 =	slt.u32 s12, $0x268  }
0x14: {  	[tilespmem:s11+$0x30] =	vst v0  }
.Ltmp0:
0x15: {  	[tilespmem:s11+$0x20] =	vst v0;
	(pc) =	sbr.rel @p0 .LBB2_2-.Ltmp0, $4  }
0x16: {  	[tilespmem:s11+$0x10] =	vst v0  }
0x17: {  	[tilespmem:s11+$0x0] =	vst v0  }
0x18: {  	[tilespmem:s11+$0xFFFFFFF0] =	vst v0  }
0x19: {  	[tilespmem:s11+$0xFFFFFFE0] =	vst v0  }
0x1a: {  	[tilespmem:s11+$0xFFFFFFD0] =	vst v0  }
0x1b: {  	[tilespmem:$0x7900] =	vst v0  }
0x1c: {  	[tilespmem:s2], [sflag:$0x1] =	stream.linear.gather [hbm4b:s3+s2], $0x2900, $0x38;
	[tilespmem:$0x7910] =	vst v63  }
0x1d: {  	_ =	swait.ge [sflag:s7], $0x2900  }
0x1e: {  	[sflag:s7] =	ssyncset.done $0x0  }
0x1f: {  	[sflag:s7] =	ssyncadd.s32 $0xFFFFD700  }
0x20: {  	[tilespmem:s8], [sflag:$0x1] =	stream.linear.gather [hbm4b:s4+s2], $0x2900, $0x38;
	[tilespmem:$0x7910] =	vst v63  }
0x21: {  	_ =	swait.ge [sflag:s7], $0x2900  }
0x22: {  	s11 =	simm.s32 $0xFFFFFFFC;
	[sflag:s7] =	ssyncset.done $0x0  }
0x23: {  	s12 =	simm.s32 $0x2920;
	s13 =	simm.s32 $0x20;
	[sflag:s7] =	ssyncadd.s32 $0xFFFFD700  }
.LBB2_4:
0x24: {  	v1 =	vld [tilespmem:s13+$0xFFFFFFE0];
	_ =	sdelay $0x2  }
0x25: {  	v2 =	vld [tilespmem:s12+$0xFFFFFFE0];
	_ =	sdelay $0x4  }
0x26: {  	[tilespmem:v1+s9+$0x0] =	vst.idx.add.f32.msk $0xffff, v2  }
0x27: {  	v1 =	vld [tilespmem:s13+$0xFFFFFFF0];
	_ =	sdelay $0x2  }
0x28: {  	v2 =	vld [tilespmem:s12+$0xFFFFFFF0];
	_ =	sdelay $0x4  }
0x29: {  	[tilespmem:v1+s9+$0x0] =	vst.idx.add.f32.msk $0xffff, v2  }
0x2a: {  	v1 =	vld [tilespmem:s13+$0x0];
	_ =	sdelay $0x2  }
0x2b: {  	v2 =	vld [tilespmem:s12+$0x0];
	_ =	sdelay $0x4  }
0x2c: {  	[tilespmem:v1+s9+$0x0] =	vst.idx.add.f32.msk $0xffff, v2  }
0x2d: {  	v1 =	vld [tilespmem:s13+$0x10];
	_ =	sdelay $0x1  }
0x2e: {  	s11 =	sadd.s32 $0x4, s11  }
0x2f: {  	p0 =	slt.u32 s11, $0x28C;
	v2 =	vld [tilespmem:s12+$0x10]  }
.Ltmp1:
0x30: {  	_ = 	snop;
	(pc) =	sbr.rel @p0 .LBB2_4-.Ltmp1, $2  }
0x31: {  	_ =	sdelay $0x2  }
0x32: {  	s12 =	sadd.s32 $0x40, s12;
	s13 =	sadd.s32 $0x40, s13;
	[tilespmem:v1+s9+$0x0] =	vst.idx.add.f32.msk $0xffff, v2  }
0x33: {  	s10 =	sadd.s32 $0x1, s10  }
0x34: {  	p0 =	sne.s32 s10, s6  }
.Ltmp2:
0x35: {  	_ = 	snop;
	(pc) =	sbr.rel @p0 .LBB2_1-.Ltmp2, $4  }
0x36: {  	[hbm4b:s5+s2] =	stream.linear.scatter [tilespmem:s9], [sflag:$0x1], $0x2710, $0x38;
	[tilespmem:$0x7910] =	vst v63  }
0x37: {  	_ =	swait.ge [sflag:s7], $0x2710  }
0x38: {  	[sflag:s7] =	ssyncset.done $0x0  }
0x39: {  	[sflag:s7] =	ssyncadd.s32 $0xFFFFD8F0  }
0x3a: {  	_ =	sfence.sel $0x180000  }
0x3b: {  	[bflag:$0x0] =	sbarrier.arrive $0xFFFF  }
0x3c: {  	p0 =	sne.s32 s0, $0x0;
	_ =	strace $0x90000047  }
0x3d: {  	s0 =	sadd.s32 @!p0 $0x100000, s1;
	[bflag:$0x2] =	sbarrier.arrive $0xFFFF  }
0x3e: {  	[sflag:s0] =	ssyncadd.tile.s32 @!p0 $0x1;
	_ =	shalt  }
.Lfunc_end2:
_tile_overlayer_lowered:
.L_overlay_start_2:
0x3f: {  	(tag) =	ssettag $0x2  }
0x40: {  	s0 =	rddreg [dreg:$0x0];
	s2 =	stileid.u32  }
0x41: {  	s1 =	rddreg [dreg:$0x1];
	p0 =	sne.s32 s2, $0x0  }
0x42: {  	s3 =	rddreg [dreg:$0x2];
	[bflag:$0x3] =	sbarrier.arrive $0xFFFF;
	s2 =	simm.s32 @!p0 $0x1C01  }
0x43: {  	[timem:s3], [sflag:s2] =	dma.local @!p0 [hbm:s0], s1  }
0x44: {  	s0 =	simm.s32 @!p0 $0x1  }
0x45: {  	_ =	swait.ge @!p0 [sflag:s0], s1  }
0x46: {  	s1 =	ssub.s32 @!p0 $0x0, s1;
	[sflag:s0] =	ssyncset.done @!p0 $0x0  }
0x47: {  	[sflag:s0] =	ssyncadd.s32 @!p0 s1  }
0x48: {  	[bflag:$0x3] =	sbarrier.arrive $0xFFFF  }
0x49: {  	_ =	shalt  }

</sc_bundles>
